<compile_context>
chip_gen: v7x
topology: tpu7x:2x2x1
jax: 0.10.2.dev20260603
libtpu: 0.0.44.dev20260713+nightly
codegen_flags: <defaults>
</compile_context>

<pallas_src>
import jax
import jax.numpy as jnp
from jax import lax
from jax.experimental import pallas as pl
from jax.experimental.pallas import tpu as pltpu
from jax.experimental.pallas import tpu_sc as plsc

B = 8192
L = 2048
TW = 64
PW = L - TW
NW = 32
RPW = B // NW
GK = 16
SENT = 3.4e38


def _sc_body(t_hbm, tpad_hbm, tails_hbm, out_hbm,
             tt, tvec, obuf, idxbuf, rowg, sem, sem2):
    wid = lax.axis_index("s") * 2 + lax.axis_index("c")
    base = wid * RPW
    cp_tails = pltpu.async_copy(tails_hbm.at[wid], tt, sem)
    cp_t = pltpu.async_copy(t_hbm.at[pl.ds(base, RPW)], tvec, sem2)
    lane = lax.iota(jnp.int32, 16)
    zeros = jnp.zeros((16,), jnp.float32)
    negs = jnp.full((16,), -3.4e38, jnp.float32)
    neg1 = jnp.full((16,), -1, jnp.int32)

    def bfly_max(v):
        for k in (1, 2, 4, 8):
            v = jnp.maximum(v, v[lane ^ k])
        return v

    def finish_half(rowbase, tb16, bv, cnt):
        hit = bv < 1.0e38
        obuf[pl.ds(rowbase, 16)] = jnp.where(hit, jnp.exp(-(tb16 - bv)), zeros)
        miss = jnp.where(hit, 0, 1)
        s = miss
        for k in (1, 2, 4, 8):
            s = s + s[lane ^ k]
        total = s[0]

        @pl.when(total > 0)
        def _():
            run = cnt
            for r in range(16):
                mr = miss[r]

                @pl.when(mr > 0)
                def _(run=run, r=r):
                    cur = idxbuf[pl.ds(run, 16)]
                    idxbuf[pl.ds(run, 16)] = jnp.where(
                        lane == 0,
                        jnp.full((16,), base + rowbase + r, jnp.int32), cur)

                run = run + mr

        return cnt + total

    basev = jnp.full((16,), 0, jnp.int32) + base
    for q in range((RPW + 16) // 16):
        idxbuf[pl.ds(q * 16, 16)] = basev
    cp_tails.wait()
    cp_t.wait()

    def pair_body(p, cnt):
        rbA = p * 32
        rbB = rbA + 16
        tbA = tvec[pl.ds(rbA, 16)]
        tbB = tvec[pl.ds(rbB, 16)]

        def col8(jo, c):
            bvA, bvB = c
            for ji in range(16):
                xA = tt[jo * 16 + ji, pl.ds(rbA, 16)]
                xB = tt[jo * 16 + ji, pl.ds(rbB, 16)]
                bvA = jnp.where(xA <= tbA, xA, bvA)
                bvB = jnp.where(xB <= tbB, xB, bvB)
            return bvA, bvB

        sent = jnp.full((16,), SENT, jnp.float32)
        bvA, bvB = lax.fori_loop(0, TW // 16, col8, (sent, sent))
        cnt = finish_half(rbA, tbA, bvA, cnt)
        cnt = finish_half(rbB, tbB, bvB, cnt)
        return cnt

    kmiss = lax.fori_loop(0, RPW // 32, pair_body, jnp.int32(0))

    def scan_miss_row(j, bi):
        loc = idxbuf[pl.ds(bi * GK + j, 16)][0] - base
        q16v = (loc // 16) * 16
        sel = lane == (loc - q16v)
        tbv = bfly_max(jnp.where(sel, tvec[pl.ds(q16v, 16)], negs))

        def chunk8(ko, c2):
            bi2, bv2 = c2
            for ki in range(8):
                k = ko * 8 + ki
                x = rowg[j, pl.ds(k * 16, 16)]
                c = x <= tbv
                bi2 = jnp.where(c, jnp.full((16,), k, jnp.int32), bi2)
                bv2 = jnp.where(c, x, bv2)
            return bi2, bv2

        bi2, bv2 = lax.fori_loop(0, L // 128, chunk8, (neg1, zeros))
        g = jnp.where(bi2 >= 0, bi2 * 16 + lane, neg1)
        bv = bv2
        for k in (1, 2, 4, 8):
            og = g[lane ^ k]
            ob = bv[lane ^ k]
            take = og > g
            g = jnp.where(take, og, g)
            bv = jnp.where(take, ob, bv)
        res16 = jnp.where(g >= 0, jnp.exp(-(tbv - bv)), zeros)
        cur = obuf[pl.ds(q16v, 16)]
        obuf[pl.ds(q16v, 16)] = jnp.where(sel, res16, cur)

    @pl.when(kmiss > 0)
    def _():
        def batch_body(bi, carry):
            pltpu.async_copy(
                tpad_hbm.at[idxbuf.at[pl.ds(bi * GK, GK)]], rowg, sem).wait()

            def row_j(j, c2):
                pl.when(bi * GK + j < kmiss)(lambda: scan_miss_row(j, bi))
                return c2

            lax.fori_loop(0, GK, row_j, 0)
            return carry

        nb = (kmiss + (GK - 1)) // GK
        lax.fori_loop(0, nb, batch_body, 0)

    pltpu.sync_copy(obuf, out_hbm.at[pl.ds(base, RPW)])


@jax.jit
def _sc_call(t, t_pad, tails):
    mesh = plsc.VectorSubcoreMesh(core_axis_name="c", subcore_axis_name="s")
    f = pl.kernel(
        _sc_body,
        mesh=mesh,
        out_type=jax.ShapeDtypeStruct((B,), jnp.float32),
        scratch_types=[
            pltpu.VMEM((TW, RPW), jnp.float32),
            pltpu.VMEM((RPW,), jnp.float32),
            pltpu.VMEM((RPW,), jnp.float32),
            pltpu.VMEM((RPW + 16,), jnp.int32),
            pltpu.VMEM((GK, L), jnp.float32),
            pltpu.SemaphoreType.DMA,
            pltpu.SemaphoreType.DMA,
        ],
    )
    return f(t, t_pad, tails)


def kernel(src, dst, t, x_pad_simu, t_pad, emb_src, emb_dst):
    tails = jnp.transpose(t_pad[:, PW:].reshape(NW, RPW, TW), (0, 2, 1))
    return _sc_call(t, t_pad, tails)

# --- scband reference (transcript-rebuilt; emitter-appended) ---
"""Pipeline reference for scband-markov-fixe-75076028334598 (READ-ONLY COPY).

The authoritative reference and input builder live on the scoring server;
editing this copy changes nothing except your own understanding.
"""

import jax, jax.numpy as jnp
import numpy as np

N_NODES = 100000
ALPHA = 1.0
BETA = 1.0
N_COMPONENTS = 2
B = 8192
L = 2048


def setup_inputs(seed: int = 0) -> dict:
    key = jax.random.key(seed)
    ks = jax.random.split(key, 7)
    src = jax.random.randint(ks[0], (B,), 0, N_NODES)
    dst = jax.random.randint(ks[1], (B,), 0, N_NODES)
    t = jax.random.uniform(ks[2], (B,), dtype=jnp.float32)
    x_pad_simu = jax.random.normal(ks[3], (B, L), dtype=jnp.float32)
    t_pad = jax.random.uniform(ks[4], (B, L), dtype=jnp.float32)
    # Poisson base-rate params: per-node component embeddings (n_components=2)
    emb_src = jax.random.normal(ks[5], (N_NODES, N_COMPONENTS), dtype=jnp.float32) * 0.1
    emb_dst = jax.random.normal(ks[6], (N_NODES, N_COMPONENTS), dtype=jnp.float32) * 0.1
    return {"src": src, "dst": dst, "t": t, "x_pad_simu": x_pad_simu,
            "t_pad": t_pad, "emb_src": emb_src, "emb_dst": emb_dst}


def reference(src, dst, t, x_pad_simu, t_pad, emb_src, emb_dst):
    # base_rate(src, dst): Poisson intensity from node-component embeddings (gather)
    out = jax.nn.softplus(jnp.sum(emb_src[src] * emb_dst[dst], axis=-1))
    # __get_prev_t_mask_for_simu: events at or before t
    mask_prev = t_pad <= t[:, None]
    # __get_last_t_mask_for_simu: select the last event before t (if any)
    mask_acc = jnp.cumsum(mask_prev.astype(jnp.int32), axis=1)
    ranks = jnp.max(mask_acc, axis=1, keepdims=True) - mask_acc
    mask_last = ranks < 1
    mask = mask_last & mask_prev  # exactly one True per row with a prior event
    is_prev_event = jnp.any(mask, axis=1)
    # t_pad[mask] extracted with static shapes: one-hot row reduce (equivalent)
    t_last = jnp.sum(jnp.where(mask, t_pad, jnp.float32(0.0)), axis=1)
    delta_t = t - t_last
    vals = ALPHA * jnp.exp(-(BETA * delta_t))
    incr = jnp.where(is_prev_event, vals, jnp.zeros_like(out))
    return incr.astype(jnp.float32)

if __name__ == "__main__":
    import jax
    _d = setup_inputs()
    print(jax.jit(kernel)(*tuple(_d.values())))

</pallas_src>

<mosaic_0001>
#map = affine_map<(d0, d1) -> (0)>
#map1 = affine_map<(d0, d1) -> (0, 0)>
#map2 = affine_map<(d0, d1) -> (0, 0, 0)>
module attributes {stable_mosaic.version = 14 : i64} {
  func.func @_sc_body(%arg0: i32, %arg1: i32, %arg2: memref<8192xf32, #tpu.memory_space<hbm>>, %arg3: memref<8192x2048xf32, #tpu.memory_space<hbm>>, %arg4: memref<32x64x256xf32, #tpu.memory_space<hbm>>, %arg5: memref<8192xf32, #tpu.memory_space<hbm>>, %arg6: memref<64x256xf32, #tpu.memory_space<vmem>>, %arg7: memref<256xf32, #tpu.memory_space<vmem>>, %arg8: memref<256xf32, #tpu.memory_space<vmem>>, %arg9: memref<272xi32, #tpu.memory_space<vmem>>, %arg10: memref<16x2048xf32, #tpu.memory_space<vmem>>, %arg11: memref<!tpu.dma_semaphore, #tpu.memory_space<semaphore_mem>>, %arg12: memref<!tpu.dma_semaphore, #tpu.memory_space<semaphore_mem>>) attributes {dimension_semantics = [#tpu.dimension_semantics<core_parallel>, #tpu.dimension_semantics<subcore_parallel>], iteration_bounds = array<i64: 2, 16>, scalar_prefetch = 0 : i64, scratch_operands = 7 : i64, tpu.core_type = #tpu.core_type<sc_vector_subcore>, window_params = [{transform_indices = #map}, {transform_indices = #map1}, {transform_indices = #map2}, {transform_indices = #map}]} {
    %mul3A = arith.constant 2 : i32
    %mul3A_0 = arith.muli %arg1, %mul3A : i32
    %add3A = arith.addi %mul3A_0, %arg0 : i32
    %mul3A_1 = arith.constant 256 : i32
    %mul3A_2 = arith.muli %add3A, %mul3A_1 : i32
    %dma_start3A = arith.constant 0 : i32
    %dma_start3A_3 = arith.constant 0 : i32
    %dma_start3A_4 = tpu.memref_slice %arg4[%add3A, %dma_start3A, %dma_start3A_3] : memref<32x64x256xf32, #tpu.memory_space<hbm>> -> memref<1x64x256xf32, #tpu.memory_space<hbm>>
    %dma_start3A_5 = tpu.memref_squeeze %dma_start3A_4 : memref<1x64x256xf32, #tpu.memory_space<hbm>> -> memref<64x256xf32, #tpu.memory_space<hbm>>
    %dma_start3A_6 = arith.constant 0 : i32
    %dma_start3A_7 = arith.constant 0 : i32
    %dma_start3A_8 = tpu.memref_slice %arg4[%add3A, %dma_start3A_6, %dma_start3A_7] : memref<32x64x256xf32, #tpu.memory_space<hbm>> -> memref<1x64x256xf32, #tpu.memory_space<hbm>>
    %dma_start3A_9 = tpu.memref_squeeze %dma_start3A_8 : memref<1x64x256xf32, #tpu.memory_space<hbm>> -> memref<64x256xf32, #tpu.memory_space<hbm>>
    tpu.enqueue_dma source(%dma_start3A_9 : memref<64x256xf32, #tpu.memory_space<hbm>>) target(%arg6 : memref<64x256xf32, #tpu.memory_space<vmem>>) target_semaphore(%arg11 : memref<!tpu.dma_semaphore, #tpu.memory_space<semaphore_mem>>)
    %dma_start3A_10 = tpu.memref_slice %arg2[%mul3A_2] : memref<8192xf32, #tpu.memory_space<hbm>> -> memref<256xf32, #tpu.memory_space<hbm>>
    %dma_start3A_11 = tpu.memref_slice %arg2[%mul3A_2] : memref<8192xf32, #tpu.memory_space<hbm>> -> memref<256xf32, #tpu.memory_space<hbm>>
    tpu.enqueue_dma source(%dma_start3A_11 : memref<256xf32, #tpu.memory_space<hbm>>) target(%arg7 : memref<256xf32, #tpu.memory_space<vmem>>) target_semaphore(%arg12 : memref<!tpu.dma_semaphore, #tpu.memory_space<semaphore_mem>>)
    %iota3A = tpu.iota {dimensions = array<i32: 0>} : vector<16xi32>
    %broadcast_in_dim3A = arith.constant 0.000000e+00 : f32
    %broadcast_in_dim3A_12 = vector.broadcast %broadcast_in_dim3A : f32 to vector<16xf32>
    %broadcast_in_dim3A_13 = arith.constant -3.400000e+38 : f32
    %broadcast_in_dim3A_14 = vector.broadcast %broadcast_in_dim3A_13 : f32 to vector<16xf32>
    %broadcast_in_dim3A_15 = arith.constant -1 : i32
    %broadcast_in_dim3A_16 = vector.broadcast %broadcast_in_dim3A_15 : i32 to vector<16xi32>
    %broadcast_in_dim3A_17 = arith.constant 0 : i32
    %broadcast_in_dim3A_18 = vector.broadcast %broadcast_in_dim3A_17 : i32 to vector<16xi32>
    %add3A_19 = vector.broadcast %mul3A_2 : i32 to vector<16xi32>
    %add3A_20 = arith.addi %broadcast_in_dim3A_18, %add3A_19 : vector<16xi32>
    %swap3A = arith.constant 0 : index
    %swap3A_21 = tpu.vector_load %arg9[%swap3A] {strides = array<i32>} : memref<272xi32, #tpu.memory_space<vmem>>, vector<16xi32>,
    %swap3A_22 = vector.shape_cast %swap3A_21 : vector<16xi32> to vector<16xi32>
    %swap3A_23 = vector.shape_cast %add3A_20 : vector<16xi32> to vector<16xi32>
    tpu.vector_store %arg9[%swap3A], %swap3A_23 {strides = array<i32>} : memref<272xi32, #tpu.memory_space<vmem>>, vector<16xi32>,
    %swap3A_24 = arith.constant 16 : index
    %swap3A_25 = tpu.vector_load %arg9[%swap3A_24] {strides = array<i32>} : memref<272xi32, #tpu.memory_space<vmem>>, vector<16xi32>,
    %swap3A_26 = vector.shape_cast %swap3A_25 : vector<16xi32> to vector<16xi32>
    %swap3A_27 = vector.shape_cast %add3A_20 : vector<16xi32> to vector<16xi32>
    tpu.vector_store %arg9[%swap3A_24], %swap3A_27 {strides = array<i32>} : memref<272xi32, #tpu.memory_space<vmem>>, vector<16xi32>,
    %swap3A_28 = arith.constant 32 : index
    %swap3A_29 = tpu.vector_load %arg9[%swap3A_28] {strides = array<i32>} : memref<272xi32, #tpu.memory_space<vmem>>, vector<16xi32>,
    %swap3A_30 = vector.shape_cast %swap3A_29 : vector<16xi32> to vector<16xi32>
    %swap3A_31 = vector.shape_cast %add3A_20 : vector<16xi32> to vector<16xi32>
    tpu.vector_store %arg9[%swap3A_28], %swap3A_31 {strides = array<i32>} : memref<272xi32, #tpu.memory_space<vmem>>, vector<16xi32>,
    %swap3A_32 = arith.constant 48 : index
    %swap3A_33 = tpu.vector_load %arg9[%swap3A_32] {strides = array<i32>} : memref<272xi32, #tpu.memory_space<vmem>>, vector<16xi32>,
    %swap3A_34 = vector.shape_cast %swap3A_33 : vector<16xi32> to vector<16xi32>
    %swap3A_35 = vector.shape_cast %add3A_20 : vector<16xi32> to vector<16xi32>
    tpu.vector_store %arg9[%swap3A_32], %swap3A_35 {strides = array<i32>} : memref<272xi32, #tpu.memory_space<vmem>>, vector<16xi32>,
    %swap3A_36 = arith.constant 64 : index
    %swap3A_37 = tpu.vector_load %arg9[%swap3A_36] {strides = array<i32>} : memref<272xi32, #tpu.memory_space<vmem>>, vector<16xi32>,
    %swap3A_38 = vector.shape_cast %swap3A_37 : vector<16xi32> to vector<16xi32>
    %swap3A_39 = vector.shape_cast %add3A_20 : vector<16xi32> to vector<16xi32>
    tpu.vector_store %arg9[%swap3A_36], %swap3A_39 {strides = array<i32>} : memref<272xi32, #tpu.memory_space<vmem>>, vector<16xi32>,
    %swap3A_40 = arith.constant 80 : index
    %swap3A_41 = tpu.vector_load %arg9[%swap3A_40] {strides = array<i32>} : memref<272xi32, #tpu.memory_space<vmem>>, vector<16xi32>,
    %swap3A_42 = vector.shape_cast %swap3A_41 : vector<16xi32> to vector<16xi32>
    %swap3A_43 = vector.shape_cast %add3A_20 : vector<16xi32> to vector<16xi32>
    tpu.vector_store %arg9[%swap3A_40], %swap3A_43 {strides = array<i32>} : memref<272xi32, #tpu.memory_space<vmem>>, vector<16xi32>,
    %swap3A_44 = arith.constant 96 : index
    %swap3A_45 = tpu.vector_load %arg9[%swap3A_44] {strides = array<i32>} : memref<272xi32, #tpu.memory_space<vmem>>, vector<16xi32>,
    %swap3A_46 = vector.shape_cast %swap3A_45 : vector<16xi32> to vector<16xi32>
    %swap3A_47 = vector.shape_cast %add3A_20 : vector<16xi32> to vector<16xi32>
    tpu.vector_store %arg9[%swap3A_44], %swap3A_47 {strides = array<i32>} : memref<272xi32, #tpu.memory_space<vmem>>, vector<16xi32>,
    %swap3A_48 = arith.constant 112 : index
    %swap3A_49 = tpu.vector_load %arg9[%swap3A_48] {strides = array<i32>} : memref<272xi32, #tpu.memory_space<vmem>>, vector<16xi32>,
    %swap3A_50 = vector.shape_cast %swap3A_49 : vector<16xi32> to vector<16xi32>
    %swap3A_51 = vector.shape_cast %add3A_20 : vector<16xi32> to vector<16xi32>
    tpu.vector_store %arg9[%swap3A_48], %swap3A_51 {strides = array<i32>} : memref<272xi32, #tpu.memory_space<vmem>>, vector<16xi32>,
    %swap3A_52 = arith.constant 128 : index
    %swap3A_53 = tpu.vector_load %arg9[%swap3A_52] {strides = array<i32>} : memref<272xi32, #tpu.memory_space<vmem>>, vector<16xi32>,
    %swap3A_54 = vector.shape_cast %swap3A_53 : vector<16xi32> to vector<16xi32>
    %swap3A_55 = vector.shape_cast %add3A_20 : vector<16xi32> to vector<16xi32>
    tpu.vector_store %arg9[%swap3A_52], %swap3A_55 {strides = array<i32>} : memref<272xi32, #tpu.memory_space<vmem>>, vector<16xi32>,
    %swap3A_56 = arith.constant 144 : index
    %swap3A_57 = tpu.vector_load %arg9[%swap3A_56] {strides = array<i32>} : memref<272xi32, #tpu.memory_space<vmem>>, vector<16xi32>,
    %swap3A_58 = vector.shape_cast %swap3A_57 : vector<16xi32> to vector<16xi32>
    %swap3A_59 = vector.shape_cast %add3A_20 : vector<16xi32> to vector<16xi32>
    tpu.vector_store %arg9[%swap3A_56], %swap3A_59 {strides = array<i32>} : memref<272xi32, #tpu.memory_space<vmem>>, vector<16xi32>,
    %swap3A_60 = arith.constant 160 : index
    %swap3A_61 = tpu.vector_load %arg9[%swap3A_60] {strides = array<i32>} : memref<272xi32, #tpu.memory_space<vmem>>, vector<16xi32>,
    %swap3A_62 = vector.shape_cast %swap3A_61 : vector<16xi32> to vector<16xi32>
    %swap3A_63 = vector.shape_cast %add3A_20 : vector<16xi32> to vector<16xi32>
    tpu.vector_store %arg9[%swap3A_60], %swap3A_63 {strides = array<i32>} : memref<272xi32, #tpu.memory_space<vmem>>, vector<16xi32>,
    %swap3A_64 = arith.constant 176 : index
    %swap3A_65 = tpu.vector_load %arg9[%swap3A_64] {strides = array<i32>} : memref<272xi32, #tpu.memory_space<vmem>>, vector<16xi32>,
    %swap3A_66 = vector.shape_cast %swap3A_65 : vector<16xi32> to vector<16xi32>
    %swap3A_67 = vector.shape_cast %add3A_20 : vector<16xi32> to vector<16xi32>
    tpu.vector_store %arg9[%swap3A_64], %swap3A_67 {strides = array<i32>} : memref<272xi32, #tpu.memory_space<vmem>>, vector<16xi32>,
    %swap3A_68 = arith.constant 192 : index
    %swap3A_69 = tpu.vector_load %arg9[%swap3A_68] {strides = array<i32>} : memref<272xi32, #tpu.memory_space<vmem>>, vector<16xi32>,
    %swap3A_70 = vector.shape_cast %swap3A_69 : vector<16xi32> to vector<16xi32>
    %swap3A_71 = vector.shape_cast %add3A_20 : vector<16xi32> to vector<16xi32>
    tpu.vector_store %arg9[%swap3A_68], %swap3A_71 {strides = array<i32>} : memref<272xi32, #tpu.memory_space<vmem>>, vector<16xi32>,
    %swap3A_72 = arith.constant 208 : index
    %swap3A_73 = tpu.vector_load %arg9[%swap3A_72] {strides = array<i32>} : memref<272xi32, #tpu.memory_space<vmem>>, vector<16xi32>,
    %swap3A_74 = vector.shape_cast %swap3A_73 : vector<16xi32> to vector<16xi32>
    %swap3A_75 = vector.shape_cast %add3A_20 : vector<16xi32> to vector<16xi32>
    tpu.vector_store %arg9[%swap3A_72], %swap3A_75 {strides = array<i32>} : memref<272xi32, #tpu.memory_space<vmem>>, vector<16xi32>,
    %swap3A_76 = arith.constant 224 : index
    %swap3A_77 = tpu.vector_load %arg9[%swap3A_76] {strides = array<i32>} : memref<272xi32, #tpu.memory_space<vmem>>, vector<16xi32>,
    %swap3A_78 = vector.shape_cast %swap3A_77 : vector<16xi32> to vector<16xi32>
    %swap3A_79 = vector.shape_cast %add3A_20 : vector<16xi32> to vector<16xi32>
    tpu.vector_store %arg9[%swap3A_76], %swap3A_79 {strides = array<i32>} : memref<272xi32, #tpu.memory_space<vmem>>, vector<16xi32>,
    %swap3A_80 = arith.constant 240 : index
    %swap3A_81 = tpu.vector_load %arg9[%swap3A_80] {strides = array<i32>} : memref<272xi32, #tpu.memory_space<vmem>>, vector<16xi32>,
    %swap3A_82 = vector.shape_cast %swap3A_81 : vector<16xi32> to vector<16xi32>
    %swap3A_83 = vector.shape_cast %add3A_20 : vector<16xi32> to vector<16xi32>
    tpu.vector_store %arg9[%swap3A_80], %swap3A_83 {strides = array<i32>} : memref<272xi32, #tpu.memory_space<vmem>>, vector<16xi32>,
    %swap3A_84 = arith.constant 256 : index
    %swap3A_85 = tpu.vector_load %arg9[%swap3A_84] {strides = array<i32>} : memref<272xi32, #tpu.memory_space<vmem>>, vector<16xi32>,
    %swap3A_86 = vector.shape_cast %swap3A_85 : vector<16xi32> to vector<16xi32>
    %swap3A_87 = vector.shape_cast %add3A_20 : vector<16xi32> to vector<16xi32>
    tpu.vector_store %arg9[%swap3A_84], %swap3A_87 {strides = array<i32>} : memref<272xi32, #tpu.memory_space<vmem>>, vector<16xi32>,
    %dma_wait3A = arith.constant 0 : i32
    %dma_wait3A_88 = arith.constant 0 : i32
    %dma_wait3A_89 = tpu.memref_slice %arg4[%add3A, %dma_wait3A, %dma_wait3A_88] : memref<32x64x256xf32, #tpu.memory_space<hbm>> -> memref<1x64x256xf32, #tpu.memory_space<hbm>>
    %dma_wait3A_90 = tpu.memref_squeeze %dma_wait3A_89 : memref<1x64x256xf32, #tpu.memory_space<hbm>> -> memref<64x256xf32, #tpu.memory_space<hbm>>
    %dma_wait3A_91 = arith.constant 0 : i32
    %dma_wait3A_92 = arith.constant 0 : i32
    %dma_wait3A_93 = tpu.memref_slice %arg4[%add3A, %dma_wait3A_91, %dma_wait3A_92] : memref<32x64x256xf32, #tpu.memory_space<hbm>> -> memref<1x64x256xf32, #tpu.memory_space<hbm>>
    %dma_wait3A_94 = tpu.memref_squeeze %dma_wait3A_93 : memref<1x64x256xf32, #tpu.memory_space<hbm>> -> memref<64x256xf32, #tpu.memory_space<hbm>>
    tpu.wait_dma2 semaphore(%arg11 : memref<!tpu.dma_semaphore, #tpu.memory_space<semaphore_mem>>) src(%dma_wait3A_94 : memref<64x256xf32, #tpu.memory_space<hbm>>) dst(%arg6 : memref<64x256xf32, #tpu.memory_space<vmem>>)
    %dma_wait3A_95 = tpu.memref_slice %arg2[%mul3A_2] : memref<8192xf32, #tpu.memory_space<hbm>> -> memref<256xf32, #tpu.memory_space<hbm>>
    %dma_wait3A_96 = tpu.memref_slice %arg2[%mul3A_2] : memref<8192xf32, #tpu.memory_space<hbm>> -> memref<256xf32, #tpu.memory_space<hbm>>
    tpu.wait_dma2 semaphore(%arg12 : memref<!tpu.dma_semaphore, #tpu.memory_space<semaphore_mem>>) src(%dma_wait3A_96 : memref<256xf32, #tpu.memory_space<hbm>>) dst(%arg7 : memref<256xf32, #tpu.memory_space<vmem>>)
    %scan3A = arith.constant 0 : i32
    %scan3A_97 = arith.constant 0 : i32
    %scan3A_98 = arith.constant 8 : i32
    %scan3A_99 = arith.addi %scan3A_97, %scan3A_98 : i32
    %scan3A_100 = arith.constant 1 : i32
    %scan3A_101 = scf.for %scan3A_105 = %scan3A_97 to %scan3A_99 step %scan3A_100 iter_args(%scan3A_106 = %scan3A) -> (i32)  : i32 {
      %mul3A_107 = arith.constant 32 : i32
      %mul3A_108 = arith.muli %scan3A_105, %mul3A_107 : i32
      %add3A_109 = arith.constant 16 : i32
      %add3A_110 = arith.addi %mul3A_108, %add3A_109 : i32
      %get3A = arith.index_cast %mul3A_108 : i32 to index
      %get3A_111 = tpu.vector_load %arg7[%get3A] {strides = array<i32>} : memref<256xf32, #tpu.memory_space<vmem>>, vector<16xf32>,
      %get3A_112 = vector.shape_cast %get3A_111 : vector<16xf32> to vector<16xf32>
      %get3A_113 = arith.index_cast %add3A_110 : i32 to index
      %get3A_114 = tpu.vector_load %arg7[%get3A_113] {strides = array<i32>} : memref<256xf32, #tpu.memory_space<vmem>>, vector<16xf32>,
      %get3A_115 = vector.shape_cast %get3A_114 : vector<16xf32> to vector<16xf32>
      %broadcast_in_dim3A_116 = arith.constant 3.400000e+38 : f32
      %broadcast_in_dim3A_117 = vector.broadcast %broadcast_in_dim3A_116 : f32 to vector<16xf32>
      %scan3A_118 = arith.constant 0 : i32
      %scan3A_119 = arith.constant 4 : i32
      %scan3A_120 = arith.addi %scan3A_118, %scan3A_119 : i32
      %scan3A_121 = arith.constant 1 : i32
      %scan3A_122:2 = scf.for %scan3A_278 = %scan3A_118 to %scan3A_120 step %scan3A_121 iter_args(%scan3A_279 = %broadcast_in_dim3A_117, %scan3A_280 = %broadcast_in_dim3A_117) -> (vector<16xf32>, vector<16xf32>)  : i32 {
        %mul3A_281 = arith.constant 16 : i32
        %mul3A_282 = arith.muli %scan3A_278, %mul3A_281 : i32
        %add3A_283 = arith.constant 0 : i32
        %add3A_284 = arith.addi %mul3A_282, %add3A_283 : i32
        %get3A_285 = arith.index_cast %add3A_284 : i32 to index
        %get3A_286 = arith.index_cast %mul3A_108 : i32 to index
        %get3A_287 = tpu.vector_load %arg6[%get3A_285, %get3A_286] {strides = array<i32>} : memref<64x256xf32, #tpu.memory_space<vmem>>, vector<1x16xf32>,
        %get3A_288 = vector.shape_cast %get3A_287 : vector<1x16xf32> to vector<16xf32>
        %mul3A_289 = arith.constant 16 : i32
        %mul3A_290 = arith.muli %scan3A_278, %mul3A_289 : i32
        %add3A_291 = arith.constant 0 : i32
        %add3A_292 = arith.addi %mul3A_290, %add3A_291 : i32
        %get3A_293 = arith.index_cast %add3A_292 : i32 to index
        %get3A_294 = arith.index_cast %add3A_110 : i32 to index
        %get3A_295 = tpu.vector_load %arg6[%get3A_293, %get3A_294] {strides = array<i32>} : memref<64x256xf32, #tpu.memory_space<vmem>>, vector<1x16xf32>,
        %get3A_296 = vector.shape_cast %get3A_295 : vector<1x16xf32> to vector<16xf32>
        %le3A = arith.cmpf ole, %get3A_288, %get3A_112 : vector<16xf32>
        %select_n3A_297 = arith.select %le3A, %get3A_288, %scan3A_279 : vector<16xi1>, vector<16xf32>
        %le3A_298 = arith.cmpf ole, %get3A_296, %get3A_115 : vector<16xf32>
        %select_n3A_299 = arith.select %le3A_298, %get3A_296, %scan3A_280 : vector<16xi1>, vector<16xf32>
        %mul3A_300 = arith.constant 16 : i32
        %mul3A_301 = arith.muli %scan3A_278, %mul3A_300 : i32
        %add3A_302 = arith.constant 1 : i32
        %add3A_303 = arith.addi %mul3A_301, %add3A_302 : i32
        %get3A_304 = arith.index_cast %add3A_303 : i32 to index
        %get3A_305 = arith.index_cast %mul3A_108 : i32 to index
        %get3A_306 = tpu.vector_load %arg6[%get3A_304, %get3A_305] {strides = array<i32>} : memref<64x256xf32, #tpu.memory_space<vmem>>, vector<1x16xf32>,
        %get3A_307 = vector.shape_cast %get3A_306 : vector<1x16xf32> to vector<16xf32>
        %mul3A_308 = arith.constant 16 : i32
        %mul3A_309 = arith.muli %scan3A_278, %mul3A_308 : i32
        %add3A_310 = arith.constant 1 : i32
        %add3A_311 = arith.addi %mul3A_309, %add3A_310 : i32
        %get3A_312 = arith.index_cast %add3A_311 : i32 to index
        %get3A_313 = arith.index_cast %add3A_110 : i32 to index
        %get3A_314 = tpu.vector_load %arg6[%get3A_312, %get3A_313] {strides = array<i32>} : memref<64x256xf32, #tpu.memory_space<vmem>>, vector<1x16xf32>,
        %get3A_315 = vector.shape_cast %get3A_314 : vector<1x16xf32> to vector<16xf32>
        %le3A_316 = arith.cmpf ole, %get3A_307, %get3A_112 : vector<16xf32>
        %select_n3A_317 = arith.select %le3A_316, %get3A_307, %select_n3A_297 : vector<16xi1>, vector<16xf32>
        %le3A_318 = arith.cmpf ole, %get3A_315, %get3A_115 : vector<16xf32>
        %select_n3A_319 = arith.select %le3A_318, %get3A_315, %select_n3A_299 : vector<16xi1>, vector<16xf32>
        %mul3A_320 = arith.constant 16 : i32
        %mul3A_321 = arith.muli %scan3A_278, %mul3A_320 : i32
        %add3A_322 = arith.constant 2 : i32
        %add3A_323 = arith.addi %mul3A_321, %add3A_322 : i32
        %get3A_324 = arith.index_cast %add3A_323 : i32 to index
        %get3A_325 = arith.index_cast %mul3A_108 : i32 to index
        %get3A_326 = tpu.vector_load %arg6[%get3A_324, %get3A_325] {strides = array<i32>} : memref<64x256xf32, #tpu.memory_space<vmem>>, vector<1x16xf32>,
        %get3A_327 = vector.shape_cast %get3A_326 : vector<1x16xf32> to vector<16xf32>
        %mul3A_328 = arith.constant 16 : i32
        %mul3A_329 = arith.muli %scan3A_278, %mul3A_328 : i32
        %add3A_330 = arith.constant 2 : i32
        %add3A_331 = arith.addi %mul3A_329, %add3A_330 : i32
        %get3A_332 = arith.index_cast %add3A_331 : i32 to index
        %get3A_333 = arith.index_cast %add3A_110 : i32 to index
        %get3A_334 = tpu.vector_load %arg6[%get3A_332, %get3A_333] {strides = array<i32>} : memref<64x256xf32, #tpu.memory_space<vmem>>, vector<1x16xf32>,
        %get3A_335 = vector.shape_cast %get3A_334 : vector<1x16xf32> to vector<16xf32>
        %le3A_336 = arith.cmpf ole, %get3A_327, %get3A_112 : vector<16xf32>
        %select_n3A_337 = arith.select %le3A_336, %get3A_327, %select_n3A_317 : vector<16xi1>, vector<16xf32>
        %le3A_338 = arith.cmpf ole, %get3A_335, %get3A_115 : vector<16xf32>
        %select_n3A_339 = arith.select %le3A_338, %get3A_335, %select_n3A_319 : vector<16xi1>, vector<16xf32>
        %mul3A_340 = arith.constant 16 : i32
        %mul3A_341 = arith.muli %scan3A_278, %mul3A_340 : i32
        %add3A_342 = arith.constant 3 : i32
        %add3A_343 = arith.addi %mul3A_341, %add3A_342 : i32
        %get3A_344 = arith.index_cast %add3A_343 : i32 to index
        %get3A_345 = arith.index_cast %mul3A_108 : i32 to index
        %get3A_346 = tpu.vector_load %arg6[%get3A_344, %get3A_345] {strides = array<i32>} : memref<64x256xf32, #tpu.memory_space<vmem>>, vector<1x16xf32>,
        %get3A_347 = vector.shape_cast %get3A_346 : vector<1x16xf32> to vector<16xf32>
        %mul3A_348 = arith.constant 16 : i32
        %mul3A_349 = arith.muli %scan3A_278, %mul3A_348 : i32
        %add3A_350 = arith.constant 3 : i32
        %add3A_351 = arith.addi %mul3A_349, %add3A_350 : i32
        %get3A_352 = arith.index_cast %add3A_351 : i32 to index
        %get3A_353 = arith.index_cast %add3A_110 : i32 to index
        %get3A_354 = tpu.vector_load %arg6[%get3A_352, %get3A_353] {strides = array<i32>} : memref<64x256xf32, #tpu.memory_space<vmem>>, vector<1x16xf32>,
        %get3A_355 = vector.shape_cast %get3A_354 : vector<1x16xf32> to vector<16xf32>
        %le3A_356 = arith.cmpf ole, %get3A_347, %get3A_112 : vector<16xf32>
        %select_n3A_357 = arith.select %le3A_356, %get3A_347, %select_n3A_337 : vector<16xi1>, vector<16xf32>
        %le3A_358 = arith.cmpf ole, %get3A_355, %get3A_115 : vector<16xf32>
        %select_n3A_359 = arith.select %le3A_358, %get3A_355, %select_n3A_339 : vector<16xi1>, vector<16xf32>
        %mul3A_360 = arith.constant 16 : i32
        %mul3A_361 = arith.muli %scan3A_278, %mul3A_360 : i32
        %add3A_362 = arith.constant 4 : i32
        %add3A_363 = arith.addi %mul3A_361, %add3A_362 : i32
        %get3A_364 = arith.index_cast %add3A_363 : i32 to index
        %get3A_365 = arith.index_cast %mul3A_108 : i32 to index
        %get3A_366 = tpu.vector_load %arg6[%get3A_364, %get3A_365] {strides = array<i32>} : memref<64x256xf32, #tpu.memory_space<vmem>>, vector<1x16xf32>,
        %get3A_367 = vector.shape_cast %get3A_366 : vector<1x16xf32> to vector<16xf32>
        %mul3A_368 = arith.constant 16 : i32
        %mul3A_369 = arith.muli %scan3A_278, %mul3A_368 : i32
        %add3A_370 = arith.constant 4 : i32
        %add3A_371 = arith.addi %mul3A_369, %add3A_370 : i32
        %get3A_372 = arith.index_cast %add3A_371 : i32 to index
        %get3A_373 = arith.index_cast %add3A_110 : i32 to index
        %get3A_374 = tpu.vector_load %arg6[%get3A_372, %get3A_373] {strides = array<i32>} : memref<64x256xf32, #tpu.memory_space<vmem>>, vector<1x16xf32>,
        %get3A_375 = vector.shape_cast %get3A_374 : vector<1x16xf32> to vector<16xf32>
        %le3A_376 = arith.cmpf ole, %get3A_367, %get3A_112 : vector<16xf32>
        %select_n3A_377 = arith.select %le3A_376, %get3A_367, %select_n3A_357 : vector<16xi1>, vector<16xf32>
        %le3A_378 = arith.cmpf ole, %get3A_375, %get3A_115 : vector<16xf32>
        %select_n3A_379 = arith.select %le3A_378, %get3A_375, %select_n3A_359 : vector<16xi1>, vector<16xf32>
        %mul3A_380 = arith.constant 16 : i32
        %mul3A_381 = arith.muli %scan3A_278, %mul3A_380 : i32
        %add3A_382 = arith.constant 5 : i32
        %add3A_383 = arith.addi %mul3A_381, %add3A_382 : i32
        %get3A_384 = arith.index_cast %add3A_383 : i32 to index
        %get3A_385 = arith.index_cast %mul3A_108 : i32 to index
        %get3A_386 = tpu.vector_load %arg6[%get3A_384, %get3A_385] {strides = array<i32>} : memref<64x256xf32, #tpu.memory_space<vmem>>, vector<1x16xf32>,
        %get3A_387 = vector.shape_cast %get3A_386 : vector<1x16xf32> to vector<16xf32>
        %mul3A_388 = arith.constant 16 : i32
        %mul3A_389 = arith.muli %scan3A_278, %mul3A_388 : i32
        %add3A_390 = arith.constant 5 : i32
        %add3A_391 = arith.addi %mul3A_389, %add3A_390 : i32
        %get3A_392 = arith.index_cast %add3A_391 : i32 to index
        %get3A_393 = arith.index_cast %add3A_110 : i32 to index
        %get3A_394 = tpu.vector_load %arg6[%get3A_392, %get3A_393] {strides = array<i32>} : memref<64x256xf32, #tpu.memory_space<vmem>>, vector<1x16xf32>,
        %get3A_395 = vector.shape_cast %get3A_394 : vector<1x16xf32> to vector<16xf32>
        %le3A_396 = arith.cmpf ole, %get3A_387, %get3A_112 : vector<16xf32>
        %select_n3A_397 = arith.select %le3A_396, %get3A_387, %select_n3A_377 : vector<16xi1>, vector<16xf32>
        %le3A_398 = arith.cmpf ole, %get3A_395, %get3A_115 : vector<16xf32>
        %select_n3A_399 = arith.select %le3A_398, %get3A_395, %select_n3A_379 : vector<16xi1>, vector<16xf32>
        %mul3A_400 = arith.constant 16 : i32
        %mul3A_401 = arith.muli %scan3A_278, %mul3A_400 : i32
        %add3A_402 = arith.constant 6 : i32
        %add3A_403 = arith.addi %mul3A_401, %add3A_402 : i32
        %get3A_404 = arith.index_cast %add3A_403 : i32 to index
        %get3A_405 = arith.index_cast %mul3A_108 : i32 to index
        %get3A_406 = tpu.vector_load %arg6[%get3A_404, %get3A_405] {strides = array<i32>} : memref<64x256xf32, #tpu.memory_space<vmem>>, vector<1x16xf32>,
        %get3A_407 = vector.shape_cast %get3A_406 : vector<1x16xf32> to vector<16xf32>
        %mul3A_408 = arith.constant 16 : i32
        %mul3A_409 = arith.muli %scan3A_278, %mul3A_408 : i32
        %add3A_410 = arith.constant 6 : i32
        %add3A_411 = arith.addi %mul3A_409, %add3A_410 : i32
        %get3A_412 = arith.index_cast %add3A_411 : i32 to index
        %get3A_413 = arith.index_cast %add3A_110 : i32 to index
        %get3A_414 = tpu.vector_load %arg6[%get3A_412, %get3A_413] {strides = array<i32>} : memref<64x256xf32, #tpu.memory_space<vmem>>, vector<1x16xf32>,
        %get3A_415 = vector.shape_cast %get3A_414 : vector<1x16xf32> to vector<16xf32>
        %le3A_416 = arith.cmpf ole, %get3A_407, %get3A_112 : vector<16xf32>
        %select_n3A_417 = arith.select %le3A_416, %get3A_407, %select_n3A_397 : vector<16xi1>, vector<16xf32>
        %le3A_418 = arith.cmpf ole, %get3A_415, %get3A_115 : vector<16xf32>
        %select_n3A_419 = arith.select %le3A_418, %get3A_415, %select_n3A_399 : vector<16xi1>, vector<16xf32>
        %mul3A_420 = arith.constant 16 : i32
        %mul3A_421 = arith.muli %scan3A_278, %mul3A_420 : i32
        %add3A_422 = arith.constant 7 : i32
        %add3A_423 = arith.addi %mul3A_421, %add3A_422 : i32
        %get3A_424 = arith.index_cast %add3A_423 : i32 to index
        %get3A_425 = arith.index_cast %mul3A_108 : i32 to index
        %get3A_426 = tpu.vector_load %arg6[%get3A_424, %get3A_425] {strides = array<i32>} : memref<64x256xf32, #tpu.memory_space<vmem>>, vector<1x16xf32>,
        %get3A_427 = vector.shape_cast %get3A_426 : vector<1x16xf32> to vector<16xf32>
        %mul3A_428 = arith.constant 16 : i32
        %mul3A_429 = arith.muli %scan3A_278, %mul3A_428 : i32
        %add3A_430 = arith.constant 7 : i32
        %add3A_431 = arith.addi %mul3A_429, %add3A_430 : i32
        %get3A_432 = arith.index_cast %add3A_431 : i32 to index
        %get3A_433 = arith.index_cast %add3A_110 : i32 to index
        %get3A_434 = tpu.vector_load %arg6[%get3A_432, %get3A_433] {strides = array<i32>} : memref<64x256xf32, #tpu.memory_space<vmem>>, vector<1x16xf32>,
        %get3A_435 = vector.shape_cast %get3A_434 : vector<1x16xf32> to vector<16xf32>
        %le3A_436 = arith.cmpf ole, %get3A_427, %get3A_112 : vector<16xf32>
        %select_n3A_437 = arith.select %le3A_436, %get3A_427, %select_n3A_417 : vector<16xi1>, vector<16xf32>
        %le3A_438 = arith.cmpf ole, %get3A_435, %get3A_115 : vector<16xf32>
        %select_n3A_439 = arith.select %le3A_438, %get3A_435, %select_n3A_419 : vector<16xi1>, vector<16xf32>
        %mul3A_440 = arith.constant 16 : i32
        %mul3A_441 = arith.muli %scan3A_278, %mul3A_440 : i32
        %add3A_442 = arith.constant 8 : i32
        %add3A_443 = arith.addi %mul3A_441, %add3A_442 : i32
        %get3A_444 = arith.index_cast %add3A_443 : i32 to index
        %get3A_445 = arith.index_cast %mul3A_108 : i32 to index
        %get3A_446 = tpu.vector_load %arg6[%get3A_444, %get3A_445] {strides = array<i32>} : memref<64x256xf32, #tpu.memory_space<vmem>>, vector<1x16xf32>,
        %get3A_447 = vector.shape_cast %get3A_446 : vector<1x16xf32> to vector<16xf32>
        %mul3A_448 = arith.constant 16 : i32
        %mul3A_449 = arith.muli %scan3A_278, %mul3A_448 : i32
        %add3A_450 = arith.constant 8 : i32
        %add3A_451 = arith.addi %mul3A_449, %add3A_450 : i32
        %get3A_452 = arith.index_cast %add3A_451 : i32 to index
        %get3A_453 = arith.index_cast %add3A_110 : i32 to index
        %get3A_454 = tpu.vector_load %arg6[%get3A_452, %get3A_453] {strides = array<i32>} : memref<64x256xf32, #tpu.memory_space<vmem>>, vector<1x16xf32>,
        %get3A_455 = vector.shape_cast %get3A_454 : vector<1x16xf32> to vector<16xf32>
        %le3A_456 = arith.cmpf ole, %get3A_447, %get3A_112 : vector<16xf32>
        %select_n3A_457 = arith.select %le3A_456, %get3A_447, %select_n3A_437 : vector<16xi1>, vector<16xf32>
        %le3A_458 = arith.cmpf ole, %get3A_455, %get3A_115 : vector<16xf32>
        %select_n3A_459 = arith.select %le3A_458, %get3A_455, %select_n3A_439 : vector<16xi1>, vector<16xf32>
        %mul3A_460 = arith.constant 16 : i32
        %mul3A_461 = arith.muli %scan3A_278, %mul3A_460 : i32
        %add3A_462 = arith.constant 9 : i32
        %add3A_463 = arith.addi %mul3A_461, %add3A_462 : i32
        %get3A_464 = arith.index_cast %add3A_463 : i32 to index
        %get3A_465 = arith.index_cast %mul3A_108 : i32 to index
        %get3A_466 = tpu.vector_load %arg6[%get3A_464, %get3A_465] {strides = array<i32>} : memref<64x256xf32, #tpu.memory_space<vmem>>, vector<1x16xf32>,
        %get3A_467 = vector.shape_cast %get3A_466 : vector<1x16xf32> to vector<16xf32>
        %mul3A_468 = arith.constant 16 : i32
        %mul3A_469 = arith.muli %scan3A_278, %mul3A_468 : i32
        %add3A_470 = arith.constant 9 : i32
        %add3A_471 = arith.addi %mul3A_469, %add3A_470 : i32
        %get3A_472 = arith.index_cast %add3A_471 : i32 to index
        %get3A_473 = arith.index_cast %add3A_110 : i32 to index
        %get3A_474 = tpu.vector_load %arg6[%get3A_472, %get3A_473] {strides = array<i32>} : memref<64x256xf32, #tpu.memory_space<vmem>>, vector<1x16xf32>,
        %get3A_475 = vector.shape_cast %get3A_474 : vector<1x16xf32> to vector<16xf32>
        %le3A_476 = arith.cmpf ole, %get3A_467, %get3A_112 : vector<16xf32>
        %select_n3A_477 = arith.select %le3A_476, %get3A_467, %select_n3A_457 : vector<16xi1>, vector<16xf32>
        %le3A_478 = arith.cmpf ole, %get3A_475, %get3A_115 : vector<16xf32>
        %select_n3A_479 = arith.select %le3A_478, %get3A_475, %select_n3A_459 : vector<16xi1>, vector<16xf32>
        %mul3A_480 = arith.constant 16 : i32
        %mul3A_481 = arith.muli %scan3A_278, %mul3A_480 : i32
        %add3A_482 = arith.constant 10 : i32
        %add3A_483 = arith.addi %mul3A_481, %add3A_482 : i32
        %get3A_484 = arith.index_cast %add3A_483 : i32 to index
        %get3A_485 = arith.index_cast %mul3A_108 : i32 to index
        %get3A_486 = tpu.vector_load %arg6[%get3A_484, %get3A_485] {strides = array<i32>} : memref<64x256xf32, #tpu.memory_space<vmem>>, vector<1x16xf32>,
        %get3A_487 = vector.shape_cast %get3A_486 : vector<1x16xf32> to vector<16xf32>
        %mul3A_488 = arith.constant 16 : i32
        %mul3A_489 = arith.muli %scan3A_278, %mul3A_488 : i32
        %add3A_490 = arith.constant 10 : i32
        %add3A_491 = arith.addi %mul3A_489, %add3A_490 : i32
        %get3A_492 = arith.index_cast %add3A_491 : i32 to index
        %get3A_493 = arith.index_cast %add3A_110 : i32 to index
        %get3A_494 = tpu.vector_load %arg6[%get3A_492, %get3A_493] {strides = array<i32>} : memref<64x256xf32, #tpu.memory_space<vmem>>, vector<1x16xf32>,
        %get3A_495 = vector.shape_cast %get3A_494 : vector<1x16xf32> to vector<16xf32>
        %le3A_496 = arith.cmpf ole, %get3A_487, %get3A_112 : vector<16xf32>
        %select_n3A_497 = arith.select %le3A_496, %get3A_487, %select_n3A_477 : vector<16xi1>, vector<16xf32>
        %le3A_498 = arith.cmpf ole, %get3A_495, %get3A_115 : vector<16xf32>
        %select_n3A_499 = arith.select %le3A_498, %get3A_495, %select_n3A_479 : vector<16xi1>, vector<16xf32>
        %mul3A_500 = arith.constant 16 : i32
        %mul3A_501 = arith.muli %scan3A_278, %mul3A_500 : i32
        %add3A_502 = arith.constant 11 : i32
        %add3A_503 = arith.addi %mul3A_501, %add3A_502 : i32
        %get3A_504 = arith.index_cast %add3A_503 : i32 to index
        %get3A_505 = arith.index_cast %mul3A_108 : i32 to index
        %get3A_506 = tpu.vector_load %arg6[%get3A_504, %get3A_505] {strides = array<i32>} : memref<64x256xf32, #tpu.memory_space<vmem>>, vector<1x16xf32>,
        %get3A_507 = vector.shape_cast %get3A_506 : vector<1x16xf32> to vector<16xf32>
        %mul3A_508 = arith.constant 16 : i32
        %mul3A_509 = arith.muli %scan3A_278, %mul3A_508 : i32
        %add3A_510 = arith.constant 11 : i32
        %add3A_511 = arith.addi %mul3A_509, %add3A_510 : i32
        %get3A_512 = arith.index_cast %add3A_511 : i32 to index
        %get3A_513 = arith.index_cast %add3A_110 : i32 to index
        %get3A_514 = tpu.vector_load %arg6[%get3A_512, %get3A_513] {strides = array<i32>} : memref<64x256xf32, #tpu.memory_space<vmem>>, vector<1x16xf32>,
        %get3A_515 = vector.shape_cast %get3A_514 : vector<1x16xf32> to vector<16xf32>
        %le3A_516 = arith.cmpf ole, %get3A_507, %get3A_112 : vector<16xf32>
        %select_n3A_517 = arith.select %le3A_516, %get3A_507, %select_n3A_497 : vector<16xi1>, vector<16xf32>
        %le3A_518 = arith.cmpf ole, %get3A_515, %get3A_115 : vector<16xf32>
        %select_n3A_519 = arith.select %le3A_518, %get3A_515, %select_n3A_499 : vector<16xi1>, vector<16xf32>
        %mul3A_520 = arith.constant 16 : i32
        %mul3A_521 = arith.muli %scan3A_278, %mul3A_520 : i32
        %add3A_522 = arith.constant 12 : i32
        %add3A_523 = arith.addi %mul3A_521, %add3A_522 : i32
        %get3A_524 = arith.index_cast %add3A_523 : i32 to index
        %get3A_525 = arith.index_cast %mul3A_108 : i32 to index
        %get3A_526 = tpu.vector_load %arg6[%get3A_524, %get3A_525] {strides = array<i32>} : memref<64x256xf32, #tpu.memory_space<vmem>>, vector<1x16xf32>,
        %get3A_527 = vector.shape_cast %get3A_526 : vector<1x16xf32> to vector<16xf32>
        %mul3A_528 = arith.constant 16 : i32
        %mul3A_529 = arith.muli %scan3A_278, %mul3A_528 : i32
        %add3A_530 = arith.constant 12 : i32
        %add3A_531 = arith.addi %mul3A_529, %add3A_530 : i32
        %get3A_532 = arith.index_cast %add3A_531 : i32 to index
        %get3A_533 = arith.index_cast %add3A_110 : i32 to index
        %get3A_534 = tpu.vector_load %arg6[%get3A_532, %get3A_533] {strides = array<i32>} : memref<64x256xf32, #tpu.memory_space<vmem>>, vector<1x16xf32>,
        %get3A_535 = vector.shape_cast %get3A_534 : vector<1x16xf32> to vector<16xf32>
        %le3A_536 = arith.cmpf ole, %get3A_527, %get3A_112 : vector<16xf32>
        %select_n3A_537 = arith.select %le3A_536, %get3A_527, %select_n3A_517 : vector<16xi1>, vector<16xf32>
        %le3A_538 = arith.cmpf ole, %get3A_535, %get3A_115 : vector<16xf32>
        %select_n3A_539 = arith.select %le3A_538, %get3A_535, %select_n3A_519 : vector<16xi1>, vector<16xf32>
        %mul3A_540 = arith.constant 16 : i32
        %mul3A_541 = arith.muli %scan3A_278, %mul3A_540 : i32
        %add3A_542 = arith.constant 13 : i32
        %add3A_543 = arith.addi %mul3A_541, %add3A_542 : i32
        %get3A_544 = arith.index_cast %add3A_543 : i32 to index
        %get3A_545 = arith.index_cast %mul3A_108 : i32 to index
        %get3A_546 = tpu.vector_load %arg6[%get3A_544, %get3A_545] {strides = array<i32>} : memref<64x256xf32, #tpu.memory_space<vmem>>, vector<1x16xf32>,
        %get3A_547 = vector.shape_cast %get3A_546 : vector<1x16xf32> to vector<16xf32>
        %mul3A_548 = arith.constant 16 : i32
        %mul3A_549 = arith.muli %scan3A_278, %mul3A_548 : i32
        %add3A_550 = arith.constant 13 : i32
        %add3A_551 = arith.addi %mul3A_549, %add3A_550 : i32
        %get3A_552 = arith.index_cast %add3A_551 : i32 to index
        %get3A_553 = arith.index_cast %add3A_110 : i32 to index
        %get3A_554 = tpu.vector_load %arg6[%get3A_552, %get3A_553] {strides = array<i32>} : memref<64x256xf32, #tpu.memory_space<vmem>>, vector<1x16xf32>,
        %get3A_555 = vector.shape_cast %get3A_554 : vector<1x16xf32> to vector<16xf32>
        %le3A_556 = arith.cmpf ole, %get3A_547, %get3A_112 : vector<16xf32>
        %select_n3A_557 = arith.select %le3A_556, %get3A_547, %select_n3A_537 : vector<16xi1>, vector<16xf32>
        %le3A_558 = arith.cmpf ole, %get3A_555, %get3A_115 : vector<16xf32>
        %select_n3A_559 = arith.select %le3A_558, %get3A_555, %select_n3A_539 : vector<16xi1>, vector<16xf32>
        %mul3A_560 = arith.constant 16 : i32
        %mul3A_561 = arith.muli %scan3A_278, %mul3A_560 : i32
        %add3A_562 = arith.constant 14 : i32
        %add3A_563 = arith.addi %mul3A_561, %add3A_562 : i32
        %get3A_564 = arith.index_cast %add3A_563 : i32 to index
        %get3A_565 = arith.index_cast %mul3A_108 : i32 to index
        %get3A_566 = tpu.vector_load %arg6[%get3A_564, %get3A_565] {strides = array<i32>} : memref<64x256xf32, #tpu.memory_space<vmem>>, vector<1x16xf32>,
        %get3A_567 = vector.shape_cast %get3A_566 : vector<1x16xf32> to vector<16xf32>
        %mul3A_568 = arith.constant 16 : i32
        %mul3A_569 = arith.muli %scan3A_278, %mul3A_568 : i32
        %add3A_570 = arith.constant 14 : i32
        %add3A_571 = arith.addi %mul3A_569, %add3A_570 : i32
        %get3A_572 = arith.index_cast %add3A_571 : i32 to index
        %get3A_573 = arith.index_cast %add3A_110 : i32 to index
        %get3A_574 = tpu.vector_load %arg6[%get3A_572, %get3A_573] {strides = array<i32>} : memref<64x256xf32, #tpu.memory_space<vmem>>, vector<1x16xf32>,
        %get3A_575 = vector.shape_cast %get3A_574 : vector<1x16xf32> to vector<16xf32>
        %le3A_576 = arith.cmpf ole, %get3A_567, %get3A_112 : vector<16xf32>
        %select_n3A_577 = arith.select %le3A_576, %get3A_567, %select_n3A_557 : vector<16xi1>, vector<16xf32>
        %le3A_578 = arith.cmpf ole, %get3A_575, %get3A_115 : vector<16xf32>
        %select_n3A_579 = arith.select %le3A_578, %get3A_575, %select_n3A_559 : vector<16xi1>, vector<16xf32>
        %mul3A_580 = arith.constant 16 : i32
        %mul3A_581 = arith.muli %scan3A_278, %mul3A_580 : i32
        %add3A_582 = arith.constant 15 : i32
        %add3A_583 = arith.addi %mul3A_581, %add3A_582 : i32
        %get3A_584 = arith.index_cast %add3A_583 : i32 to index
        %get3A_585 = arith.index_cast %mul3A_108 : i32 to index
        %get3A_586 = tpu.vector_load %arg6[%get3A_584, %get3A_585] {strides = array<i32>} : memref<64x256xf32, #tpu.memory_space<vmem>>, vector<1x16xf32>,
        %get3A_587 = vector.shape_cast %get3A_586 : vector<1x16xf32> to vector<16xf32>
        %mul3A_588 = arith.constant 16 : i32
        %mul3A_589 = arith.muli %scan3A_278, %mul3A_588 : i32
        %add3A_590 = arith.constant 15 : i32
        %add3A_591 = arith.addi %mul3A_589, %add3A_590 : i32
        %get3A_592 = arith.index_cast %add3A_591 : i32 to index
        %get3A_593 = arith.index_cast %add3A_110 : i32 to index
        %get3A_594 = tpu.vector_load %arg6[%get3A_592, %get3A_593] {strides = array<i32>} : memref<64x256xf32, #tpu.memory_space<vmem>>, vector<1x16xf32>,
        %get3A_595 = vector.shape_cast %get3A_594 : vector<1x16xf32> to vector<16xf32>
        %le3A_596 = arith.cmpf ole, %get3A_587, %get3A_112 : vector<16xf32>
        %select_n3A_597 = arith.select %le3A_596, %get3A_587, %select_n3A_577 : vector<16xi1>, vector<16xf32>
        %le3A_598 = arith.cmpf ole, %get3A_595, %get3A_115 : vector<16xf32>
        %select_n3A_599 = arith.select %le3A_598, %get3A_595, %select_n3A_579 : vector<16xi1>, vector<16xf32>
        scf.yield %select_n3A_597, %select_n3A_599 : vector<16xf32>, vector<16xf32>
      }
      %scan3A_123 = arith.constant 4 : i32
      %lt3A = arith.constant 9.99999968E+37 : f32
      %lt3A_124 = vector.broadcast %lt3A : f32 to vector<16xf32>
      %lt3A_125 = arith.cmpf olt, %scan3A_122#0, %lt3A_124 : vector<16xf32>
      %sub3A = arith.subf %get3A_112, %scan3A_122#0 : vector<16xf32>
      %neg3A = arith.constant 0.000000e+00 : f32
      %neg3A_126 = vector.broadcast %neg3A : f32 to vector<16xf32>
      %neg3A_127 = arith.subf %neg3A_126, %sub3A : vector<16xf32>
      %exp3A = math.exp %neg3A_127 : vector<16xf32>
      %select_n3A = arith.select %lt3A_125, %exp3A, %broadcast_in_dim3A_12 : vector<16xi1>, vector<16xf32>
      %swap3A_128 = arith.index_cast %mul3A_108 : i32 to index
      %swap3A_129 = tpu.vector_load %arg8[%swap3A_128] {strides = array<i32>} : memref<256xf32, #tpu.memory_space<vmem>>, vector<16xf32>,
      %swap3A_130 = vector.shape_cast %swap3A_129 : vector<16xf32> to vector<16xf32>
      %swap3A_131 = vector.shape_cast %select_n3A : vector<16xf32> to vector<16xf32>
      tpu.vector_store %arg8[%swap3A_128], %swap3A_131 {strides = array<i32>} : memref<256xf32, #tpu.memory_space<vmem>>, vector<16xf32>,
      %jit3A = arith.constant 0 : i32
      %jit3A_132 = arith.constant 1 : i32
      %broadcast_in_dim3A_133 = vector.broadcast %jit3A : i32 to vector<16xi32>
      %broadcast_in_dim3A_134 = vector.broadcast %jit3A_132 : i32 to vector<16xi32>
      %select_n3A_135 = arith.select %lt3A_125, %broadcast_in_dim3A_133, %broadcast_in_dim3A_134 : vector<16xi1>, vector<16xi32>
      %xor3A = arith.constant 1 : i32
      %xor3A_136 = vector.broadcast %xor3A : i32 to vector<16xi32>
      %xor3A_137 = arith.xori %iota3A, %xor3A_136 : vector<16xi32>
      %lt3A_138 = arith.constant 0 : i32
      %lt3A_139 = vector.broadcast %lt3A_138 : i32 to vector<16xi32>
      %lt3A_140 = arith.cmpi slt, %xor3A_137, %lt3A_139 : vector<16xi32>
      %add3A_141 = arith.constant 16 : i32
      %add3A_142 = vector.broadcast %add3A_141 : i32 to vector<16xi32>
      %add3A_143 = arith.addi %xor3A_137, %add3A_142 : vector<16xi32>
      %select_n3A_144 = arith.select %lt3A_140, %add3A_143, %xor3A_137 : vector<16xi1>, vector<16xi32>
      %broadcast_in_dim3A_145 = vector.shape_cast %select_n3A_144 : vector<16xi32> to vector<16x1xi32>
      %gather3A = vector.shape_cast %broadcast_in_dim3A_145 : vector<16x1xi32> to vector<16xi32>
      %gather3A_146 = tpu.dynamic_gather %select_n3A_135[%gather3A] in [0] : vector<16xi32>, vector<16xi32> -> vector<16xi32>
      %add3A_147 = arith.addi %select_n3A_135, %gather3A_146 : vector<16xi32>
      %xor3A_148 = arith.constant 2 : i32
      %xor3A_149 = vector.broadcast %xor3A_148 : i32 to vector<16xi32>
      %xor3A_150 = arith.xori %iota3A, %xor3A_149 : vector<16xi32>
      %lt3A_151 = arith.constant 0 : i32
      %lt3A_152 = vector.broadcast %lt3A_151 : i32 to vector<16xi32>
      %lt3A_153 = arith.cmpi slt, %xor3A_150, %lt3A_152 : vector<16xi32>
      %add3A_154 = arith.constant 16 : i32
      %add3A_155 = vector.broadcast %add3A_154 : i32 to vector<16xi32>
      %add3A_156 = arith.addi %xor3A_150, %add3A_155 : vector<16xi32>
      %select_n3A_157 = arith.select %lt3A_153, %add3A_156, %xor3A_150 : vector<16xi1>, vector<16xi32>
      %broadcast_in_dim3A_158 = vector.shape_cast %select_n3A_157 : vector<16xi32> to vector<16x1xi32>
      %gather3A_159 = vector.shape_cast %broadcast_in_dim3A_158 : vector<16x1xi32> to vector<16xi32>
      %gather3A_160 = tpu.dynamic_gather %add3A_147[%gather3A_159] in [0] : vector<16xi32>, vector<16xi32> -> vector<16xi32>
      %add3A_161 = arith.addi %add3A_147, %gather3A_160 : vector<16xi32>
      %xor3A_162 = arith.constant 4 : i32
      %xor3A_163 = vector.broadcast %xor3A_162 : i32 to vector<16xi32>
      %xor3A_164 = arith.xori %iota3A, %xor3A_163 : vector<16xi32>
      %lt3A_165 = arith.constant 0 : i32
      %lt3A_166 = vector.broadcast %lt3A_165 : i32 to vector<16xi32>
      %lt3A_167 = arith.cmpi slt, %xor3A_164, %lt3A_166 : vector<16xi32>
      %add3A_168 = arith.constant 16 : i32
      %add3A_169 = vector.broadcast %add3A_168 : i32 to vector<16xi32>
      %add3A_170 = arith.addi %xor3A_164, %add3A_169 : vector<16xi32>
      %select_n3A_171 = arith.select %lt3A_167, %add3A_170, %xor3A_164 : vector<16xi1>, vector<16xi32>
      %broadcast_in_dim3A_172 = vector.shape_cast %select_n3A_171 : vector<16xi32> to vector<16x1xi32>
      %gather3A_173 = vector.shape_cast %broadcast_in_dim3A_172 : vector<16x1xi32> to vector<16xi32>
      %gather3A_174 = tpu.dynamic_gather %add3A_161[%gather3A_173] in [0] : vector<16xi32>, vector<16xi32> -> vector<16xi32>
      %add3A_175 = arith.addi %add3A_161, %gather3A_174 : vector<16xi32>
      %xor3A_176 = arith.constant 8 : i32
      %xor3A_177 = vector.broadcast %xor3A_176 : i32 to vector<16xi32>
      %xor3A_178 = arith.xori %iota3A, %xor3A_177 : vector<16xi32>
      %lt3A_179 = arith.constant 0 : i32
      %lt3A_180 = vector.broadcast %lt3A_179 : i32 to vector<16xi32>
      %lt3A_181 = arith.cmpi slt, %xor3A_178, %lt3A_180 : vector<16xi32>
      %add3A_182 = arith.constant 16 : i32
      %add3A_183 = vector.broadcast %add3A_182 : i32 to vector<16xi32>
      %add3A_184 = arith.addi %xor3A_178, %add3A_183 : vector<16xi32>
      %select_n3A_185 = arith.select %lt3A_181, %add3A_184, %xor3A_178 : vector<16xi1>, vector<16xi32>
      %broadcast_in_dim3A_186 = vector.shape_cast %select_n3A_185 : vector<16xi32> to vector<16x1xi32>
      %gather3A_187 = vector.shape_cast %broadcast_in_dim3A_186 : vector<16x1xi32> to vector<16xi32>
      %gather3A_188 = tpu.dynamic_gather %add3A_175[%gather3A_187] in [0] : vector<16xi32>, vector<16xi32> -> vector<16xi32>
      %add3A_189 = arith.addi %add3A_175, %gather3A_188 : vector<16xi32>
      %slice3A = vector.extract_strided_slice %add3A_189 {offsets = [0], sizes = [1], strides = [1]} : vector<16xi32> to vector<1xi32>
      %squeeze3A = vector.extract %slice3A[0] : i32 from vector<1xi32>
      %gt3A_190 = arith.constant 0 : i32
      %gt3A_191 = arith.cmpi sgt, %squeeze3A, %gt3A_190 : i32
      %convert_element_type3A_192 = arith.extui %gt3A_191 : i1 to i32
      %cond3A_193 = arith.constant 0 : i32
      %cond3A_194 = arith.cmpi ne, %convert_element_type3A_192, %cond3A_193 : i32
      scf.if %cond3A_194 {
        %slice3A_278 = vector.extract_strided_slice %select_n3A_135 {offsets = [0], sizes = [1], strides = [1]} : vector<16xi32> to vector<1xi32>
        %squeeze3A_279 = vector.extract %slice3A_278[0] : i32 from vector<1xi32>
        %gt3A_280 = arith.constant 0 : i32
        %gt3A_281 = arith.cmpi sgt, %squeeze3A_279, %gt3A_280 : i32
        %convert_element_type3A_282 = arith.extui %gt3A_281 : i1 to i32
        %cond3A_283 = arith.constant 0 : i32
        %cond3A_284 = arith.cmpi ne, %convert_element_type3A_282, %cond3A_283 : i32
        scf.if %cond3A_284 {
          %get3A_406 = arith.index_cast %scan3A_106 : i32 to index
          %get3A_407 = tpu.vector_load %arg9[%get3A_406] {strides = array<i32>} : memref<272xi32, #tpu.memory_space<vmem>>, vector<16xi32>,
          %get3A_408 = vector.shape_cast %get3A_407 : vector<16xi32> to vector<16xi32>
          %eq3A = arith.constant 0 : i32
          %eq3A_409 = vector.broadcast %eq3A : i32 to vector<16xi32>
          %eq3A_410 = arith.cmpi eq, %iota3A, %eq3A_409 : vector<16xi32>
          %add3A_411 = arith.addi %mul3A_2, %mul3A_108 : i32
          %add3A_412 = arith.constant 0 : i32
          %add3A_413 = arith.addi %add3A_411, %add3A_412 : i32
          %broadcast_in_dim3A_414 = vector.broadcast %add3A_413 : i32 to vector<16xi32>
          %select_n3A_415 = arith.select %eq3A_410, %broadcast_in_dim3A_414, %get3A_408 : vector<16xi1>, vector<16xi32>
          %swap3A_416 = arith.index_cast %scan3A_106 : i32 to index
          %swap3A_417 = tpu.vector_load %arg9[%swap3A_416] {strides = array<i32>} : memref<272xi32, #tpu.memory_space<vmem>>, vector<16xi32>,
          %swap3A_418 = vector.shape_cast %swap3A_417 : vector<16xi32> to vector<16xi32>
          %swap3A_419 = vector.shape_cast %select_n3A_415 : vector<16xi32> to vector<16xi32>
          tpu.vector_store %arg9[%swap3A_416], %swap3A_419 {strides = array<i32>} : memref<272xi32, #tpu.memory_space<vmem>>, vector<16xi32>,
        } else {
        }
        %add3A_285 = arith.addi %scan3A_106, %squeeze3A_279 : i32
        %slice3A_286 = vector.extract_strided_slice %select_n3A_135 {offsets = [1], sizes = [1], strides = [1]} : vector<16xi32> to vector<1xi32>
        %squeeze3A_287 = vector.extract %slice3A_286[0] : i32 from vector<1xi32>
        %gt3A_288 = arith.constant 0 : i32
        %gt3A_289 = arith.cmpi sgt, %squeeze3A_287, %gt3A_288 : i32
        %convert_element_type3A_290 = arith.extui %gt3A_289 : i1 to i32
        %cond3A_291 = arith.constant 0 : i32
        %cond3A_292 = arith.cmpi ne, %convert_element_type3A_290, %cond3A_291 : i32
        scf.if %cond3A_292 {
          %get3A_406 = arith.index_cast %add3A_285 : i32 to index
          %get3A_407 = tpu.vector_load %arg9[%get3A_406] {strides = array<i32>} : memref<272xi32, #tpu.memory_space<vmem>>, vector<16xi32>,
          %get3A_408 = vector.shape_cast %get3A_407 : vector<16xi32> to vector<16xi32>
          %eq3A = arith.constant 0 : i32
          %eq3A_409 = vector.broadcast %eq3A : i32 to vector<16xi32>
          %eq3A_410 = arith.cmpi eq, %iota3A, %eq3A_409 : vector<16xi32>
          %add3A_411 = arith.addi %mul3A_2, %mul3A_108 : i32
          %add3A_412 = arith.constant 1 : i32
          %add3A_413 = arith.addi %add3A_411, %add3A_412 : i32
          %broadcast_in_dim3A_414 = vector.broadcast %add3A_413 : i32 to vector<16xi32>
          %select_n3A_415 = arith.select %eq3A_410, %broadcast_in_dim3A_414, %get3A_408 : vector<16xi1>, vector<16xi32>
          %swap3A_416 = arith.index_cast %add3A_285 : i32 to index
          %swap3A_417 = tpu.vector_load %arg9[%swap3A_416] {strides = array<i32>} : memref<272xi32, #tpu.memory_space<vmem>>, vector<16xi32>,
          %swap3A_418 = vector.shape_cast %swap3A_417 : vector<16xi32> to vector<16xi32>
          %swap3A_419 = vector.shape_cast %select_n3A_415 : vector<16xi32> to vector<16xi32>
          tpu.vector_store %arg9[%swap3A_416], %swap3A_419 {strides = array<i32>} : memref<272xi32, #tpu.memory_space<vmem>>, vector<16xi32>,
        } else {
        }
        %add3A_293 = arith.addi %add3A_285, %squeeze3A_287 : i32
        %slice3A_294 = vector.extract_strided_slice %select_n3A_135 {offsets = [2], sizes = [1], strides = [1]} : vector<16xi32> to vector<1xi32>
        %squeeze3A_295 = vector.extract %slice3A_294[0] : i32 from vector<1xi32>
        %gt3A_296 = arith.constant 0 : i32
        %gt3A_297 = arith.cmpi sgt, %squeeze3A_295, %gt3A_296 : i32
        %convert_element_type3A_298 = arith.extui %gt3A_297 : i1 to i32
        %cond3A_299 = arith.constant 0 : i32
        %cond3A_300 = arith.cmpi ne, %convert_element_type3A_298, %cond3A_299 : i32
        scf.if %cond3A_300 {
          %get3A_406 = arith.index_cast %add3A_293 : i32 to index
          %get3A_407 = tpu.vector_load %arg9[%get3A_406] {strides = array<i32>} : memref<272xi32, #tpu.memory_space<vmem>>, vector<16xi32>,
          %get3A_408 = vector.shape_cast %get3A_407 : vector<16xi32> to vector<16xi32>
          %eq3A = arith.constant 0 : i32
          %eq3A_409 = vector.broadcast %eq3A : i32 to vector<16xi32>
          %eq3A_410 = arith.cmpi eq, %iota3A, %eq3A_409 : vector<16xi32>
          %add3A_411 = arith.addi %mul3A_2, %mul3A_108 : i32
          %add3A_412 = arith.constant 2 : i32
          %add3A_413 = arith.addi %add3A_411, %add3A_412 : i32
          %broadcast_in_dim3A_414 = vector.broadcast %add3A_413 : i32 to vector<16xi32>
          %select_n3A_415 = arith.select %eq3A_410, %broadcast_in_dim3A_414, %get3A_408 : vector<16xi1>, vector<16xi32>
          %swap3A_416 = arith.index_cast %add3A_293 : i32 to index
          %swap3A_417 = tpu.vector_load %arg9[%swap3A_416] {strides = array<i32>} : memref<272xi32, #tpu.memory_space<vmem>>, vector<16xi32>,
          %swap3A_418 = vector.shape_cast %swap3A_417 : vector<16xi32> to vector<16xi32>
          %swap3A_419 = vector.shape_cast %select_n3A_415 : vector<16xi32> to vector<16xi32>
          tpu.vector_store %arg9[%swap3A_416], %swap3A_419 {strides = array<i32>} : memref<272xi32, #tpu.memory_space<vmem>>, vector<16xi32>,
        } else {
        }
        %add3A_301 = arith.addi %add3A_293, %squeeze3A_295 : i32
        %slice3A_302 = vector.extract_strided_slice %select_n3A_135 {offsets = [3], sizes = [1], strides = [1]} : vector<16xi32> to vector<1xi32>
        %squeeze3A_303 = vector.extract %slice3A_302[0] : i32 from vector<1xi32>
        %gt3A_304 = arith.constant 0 : i32
        %gt3A_305 = arith.cmpi sgt, %squeeze3A_303, %gt3A_304 : i32
        %convert_element_type3A_306 = arith.extui %gt3A_305 : i1 to i32
        %cond3A_307 = arith.constant 0 : i32
        %cond3A_308 = arith.cmpi ne, %convert_element_type3A_306, %cond3A_307 : i32
        scf.if %cond3A_308 {
          %get3A_406 = arith.index_cast %add3A_301 : i32 to index
          %get3A_407 = tpu.vector_load %arg9[%get3A_406] {strides = array<i32>} : memref<272xi32, #tpu.memory_space<vmem>>, vector<16xi32>,
          %get3A_408 = vector.shape_cast %get3A_407 : vector<16xi32> to vector<16xi32>
          %eq3A = arith.constant 0 : i32
          %eq3A_409 = vector.broadcast %eq3A : i32 to vector<16xi32>
          %eq3A_410 = arith.cmpi eq, %iota3A, %eq3A_409 : vector<16xi32>
          %add3A_411 = arith.addi %mul3A_2, %mul3A_108 : i32
          %add3A_412 = arith.constant 3 : i32
          %add3A_413 = arith.addi %add3A_411, %add3A_412 : i32
          %broadcast_in_dim3A_414 = vector.broadcast %add3A_413 : i32 to vector<16xi32>
          %select_n3A_415 = arith.select %eq3A_410, %broadcast_in_dim3A_414, %get3A_408 : vector<16xi1>, vector<16xi32>
          %swap3A_416 = arith.index_cast %add3A_301 : i32 to index
          %swap3A_417 = tpu.vector_load %arg9[%swap3A_416] {strides = array<i32>} : memref<272xi32, #tpu.memory_space<vmem>>, vector<16xi32>,
          %swap3A_418 = vector.shape_cast %swap3A_417 : vector<16xi32> to vector<16xi32>
          %swap3A_419 = vector.shape_cast %select_n3A_415 : vector<16xi32> to vector<16xi32>
          tpu.vector_store %arg9[%swap3A_416], %swap3A_419 {strides = array<i32>} : memref<272xi32, #tpu.memory_space<vmem>>, vector<16xi32>,
        } else {
        }
        %add3A_309 = arith.addi %add3A_301, %squeeze3A_303 : i32
        %slice3A_310 = vector.extract_strided_slice %select_n3A_135 {offsets = [4], sizes = [1], strides = [1]} : vector<16xi32> to vector<1xi32>
        %squeeze3A_311 = vector.extract %slice3A_310[0] : i32 from vector<1xi32>
        %gt3A_312 = arith.constant 0 : i32
        %gt3A_313 = arith.cmpi sgt, %squeeze3A_311, %gt3A_312 : i32
        %convert_element_type3A_314 = arith.extui %gt3A_313 : i1 to i32
        %cond3A_315 = arith.constant 0 : i32
        %cond3A_316 = arith.cmpi ne, %convert_element_type3A_314, %cond3A_315 : i32
        scf.if %cond3A_316 {
          %get3A_406 = arith.index_cast %add3A_309 : i32 to index
          %get3A_407 = tpu.vector_load %arg9[%get3A_406] {strides = array<i32>} : memref<272xi32, #tpu.memory_space<vmem>>, vector<16xi32>,
          %get3A_408 = vector.shape_cast %get3A_407 : vector<16xi32> to vector<16xi32>
          %eq3A = arith.constant 0 : i32
          %eq3A_409 = vector.broadcast %eq3A : i32 to vector<16xi32>
          %eq3A_410 = arith.cmpi eq, %iota3A, %eq3A_409 : vector<16xi32>
          %add3A_411 = arith.addi %mul3A_2, %mul3A_108 : i32
          %add3A_412 = arith.constant 4 : i32
          %add3A_413 = arith.addi %add3A_411, %add3A_412 : i32
          %broadcast_in_dim3A_414 = vector.broadcast %add3A_413 : i32 to vector<16xi32>
          %select_n3A_415 = arith.select %eq3A_410, %broadcast_in_dim3A_414, %get3A_408 : vector<16xi1>, vector<16xi32>
          %swap3A_416 = arith.index_cast %add3A_309 : i32 to index
          %swap3A_417 = tpu.vector_load %arg9[%swap3A_416] {strides = array<i32>} : memref<272xi32, #tpu.memory_space<vmem>>, vector<16xi32>,
          %swap3A_418 = vector.shape_cast %swap3A_417 : vector<16xi32> to vector<16xi32>
          %swap3A_419 = vector.shape_cast %select_n3A_415 : vector<16xi32> to vector<16xi32>
          tpu.vector_store %arg9[%swap3A_416], %swap3A_419 {strides = array<i32>} : memref<272xi32, #tpu.memory_space<vmem>>, vector<16xi32>,
        } else {
        }
        %add3A_317 = arith.addi %add3A_309, %squeeze3A_311 : i32
        %slice3A_318 = vector.extract_strided_slice %select_n3A_135 {offsets = [5], sizes = [1], strides = [1]} : vector<16xi32> to vector<1xi32>
        %squeeze3A_319 = vector.extract %slice3A_318[0] : i32 from vector<1xi32>
        %gt3A_320 = arith.constant 0 : i32
        %gt3A_321 = arith.cmpi sgt, %squeeze3A_319, %gt3A_320 : i32
        %convert_element_type3A_322 = arith.extui %gt3A_321 : i1 to i32
        %cond3A_323 = arith.constant 0 : i32
        %cond3A_324 = arith.cmpi ne, %convert_element_type3A_322, %cond3A_323 : i32
        scf.if %cond3A_324 {
          %get3A_406 = arith.index_cast %add3A_317 : i32 to index
          %get3A_407 = tpu.vector_load %arg9[%get3A_406] {strides = array<i32>} : memref<272xi32, #tpu.memory_space<vmem>>, vector<16xi32>,
          %get3A_408 = vector.shape_cast %get3A_407 : vector<16xi32> to vector<16xi32>
          %eq3A = arith.constant 0 : i32
          %eq3A_409 = vector.broadcast %eq3A : i32 to vector<16xi32>
          %eq3A_410 = arith.cmpi eq, %iota3A, %eq3A_409 : vector<16xi32>
          %add3A_411 = arith.addi %mul3A_2, %mul3A_108 : i32
          %add3A_412 = arith.constant 5 : i32
          %add3A_413 = arith.addi %add3A_411, %add3A_412 : i32
          %broadcast_in_dim3A_414 = vector.broadcast %add3A_413 : i32 to vector<16xi32>
          %select_n3A_415 = arith.select %eq3A_410, %broadcast_in_dim3A_414, %get3A_408 : vector<16xi1>, vector<16xi32>
          %swap3A_416 = arith.index_cast %add3A_317 : i32 to index
          %swap3A_417 = tpu.vector_load %arg9[%swap3A_416] {strides = array<i32>} : memref<272xi32, #tpu.memory_space<vmem>>, vector<16xi32>,
          %swap3A_418 = vector.shape_cast %swap3A_417 : vector<16xi32> to vector<16xi32>
          %swap3A_419 = vector.shape_cast %select_n3A_415 : vector<16xi32> to vector<16xi32>
          tpu.vector_store %arg9[%swap3A_416], %swap3A_419 {strides = array<i32>} : memref<272xi32, #tpu.memory_space<vmem>>, vector<16xi32>,
        } else {
        }
        %add3A_325 = arith.addi %add3A_317, %squeeze3A_319 : i32
        %slice3A_326 = vector.extract_strided_slice %select_n3A_135 {offsets = [6], sizes = [1], strides = [1]} : vector<16xi32> to vector<1xi32>
        %squeeze3A_327 = vector.extract %slice3A_326[0] : i32 from vector<1xi32>
        %gt3A_328 = arith.constant 0 : i32
        %gt3A_329 = arith.cmpi sgt, %squeeze3A_327, %gt3A_328 : i32
        %convert_element_type3A_330 = arith.extui %gt3A_329 : i1 to i32
        %cond3A_331 = arith.constant 0 : i32
        %cond3A_332 = arith.cmpi ne, %convert_element_type3A_330, %cond3A_331 : i32
        scf.if %cond3A_332 {
          %get3A_406 = arith.index_cast %add3A_325 : i32 to index
          %get3A_407 = tpu.vector_load %arg9[%get3A_406] {strides = array<i32>} : memref<272xi32, #tpu.memory_space<vmem>>, vector<16xi32>,
          %get3A_408 = vector.shape_cast %get3A_407 : vector<16xi32> to vector<16xi32>
          %eq3A = arith.constant 0 : i32
          %eq3A_409 = vector.broadcast %eq3A : i32 to vector<16xi32>
          %eq3A_410 = arith.cmpi eq, %iota3A, %eq3A_409 : vector<16xi32>
          %add3A_411 = arith.addi %mul3A_2, %mul3A_108 : i32
          %add3A_412 = arith.constant 6 : i32
          %add3A_413 = arith.addi %add3A_411, %add3A_412 : i32
          %broadcast_in_dim3A_414 = vector.broadcast %add3A_413 : i32 to vector<16xi32>
          %select_n3A_415 = arith.select %eq3A_410, %broadcast_in_dim3A_414, %get3A_408 : vector<16xi1>, vector<16xi32>
          %swap3A_416 = arith.index_cast %add3A_325 : i32 to index
          %swap3A_417 = tpu.vector_load %arg9[%swap3A_416] {strides = array<i32>} : memref<272xi32, #tpu.memory_space<vmem>>, vector<16xi32>,
          %swap3A_418 = vector.shape_cast %swap3A_417 : vector<16xi32> to vector<16xi32>
          %swap3A_419 = vector.shape_cast %select_n3A_415 : vector<16xi32> to vector<16xi32>
          tpu.vector_store %arg9[%swap3A_416], %swap3A_419 {strides = array<i32>} : memref<272xi32, #tpu.memory_space<vmem>>, vector<16xi32>,
        } else {
        }
        %add3A_333 = arith.addi %add3A_325, %squeeze3A_327 : i32
        %slice3A_334 = vector.extract_strided_slice %select_n3A_135 {offsets = [7], sizes = [1], strides = [1]} : vector<16xi32> to vector<1xi32>
        %squeeze3A_335 = vector.extract %slice3A_334[0] : i32 from vector<1xi32>
        %gt3A_336 = arith.constant 0 : i32
        %gt3A_337 = arith.cmpi sgt, %squeeze3A_335, %gt3A_336 : i32
        %convert_element_type3A_338 = arith.extui %gt3A_337 : i1 to i32
        %cond3A_339 = arith.constant 0 : i32
        %cond3A_340 = arith.cmpi ne, %convert_element_type3A_338, %cond3A_339 : i32
        scf.if %cond3A_340 {
          %get3A_406 = arith.index_cast %add3A_333 : i32 to index
          %get3A_407 = tpu.vector_load %arg9[%get3A_406] {strides = array<i32>} : memref<272xi32, #tpu.memory_space<vmem>>, vector<16xi32>,
          %get3A_408 = vector.shape_cast %get3A_407 : vector<16xi32> to vector<16xi32>
          %eq3A = arith.constant 0 : i32
          %eq3A_409 = vector.broadcast %eq3A : i32 to vector<16xi32>
          %eq3A_410 = arith.cmpi eq, %iota3A, %eq3A_409 : vector<16xi32>
          %add3A_411 = arith.addi %mul3A_2, %mul3A_108 : i32
          %add3A_412 = arith.constant 7 : i32
          %add3A_413 = arith.addi %add3A_411, %add3A_412 : i32
          %broadcast_in_dim3A_414 = vector.broadcast %add3A_413 : i32 to vector<16xi32>
          %select_n3A_415 = arith.select %eq3A_410, %broadcast_in_dim3A_414, %get3A_408 : vector<16xi1>, vector<16xi32>
          %swap3A_416 = arith.index_cast %add3A_333 : i32 to index
          %swap3A_417 = tpu.vector_load %arg9[%swap3A_416] {strides = array<i32>} : memref<272xi32, #tpu.memory_space<vmem>>, vector<16xi32>,
          %swap3A_418 = vector.shape_cast %swap3A_417 : vector<16xi32> to vector<16xi32>
          %swap3A_419 = vector.shape_cast %select_n3A_415 : vector<16xi32> to vector<16xi32>
          tpu.vector_store %arg9[%swap3A_416], %swap3A_419 {strides = array<i32>} : memref<272xi32, #tpu.memory_space<vmem>>, vector<16xi32>,
        } else {
        }
        %add3A_341 = arith.addi %add3A_333, %squeeze3A_335 : i32
        %slice3A_342 = vector.extract_strided_slice %select_n3A_135 {offsets = [8], sizes = [1], strides = [1]} : vector<16xi32> to vector<1xi32>
        %squeeze3A_343 = vector.extract %slice3A_342[0] : i32 from vector<1xi32>
        %gt3A_344 = arith.constant 0 : i32
        %gt3A_345 = arith.cmpi sgt, %squeeze3A_343, %gt3A_344 : i32
        %convert_element_type3A_346 = arith.extui %gt3A_345 : i1 to i32
        %cond3A_347 = arith.constant 0 : i32
        %cond3A_348 = arith.cmpi ne, %convert_element_type3A_346, %cond3A_347 : i32
        scf.if %cond3A_348 {
          %get3A_406 = arith.index_cast %add3A_341 : i32 to index
          %get3A_407 = tpu.vector_load %arg9[%get3A_406] {strides = array<i32>} : memref<272xi32, #tpu.memory_space<vmem>>, vector<16xi32>,
          %get3A_408 = vector.shape_cast %get3A_407 : vector<16xi32> to vector<16xi32>
          %eq3A = arith.constant 0 : i32
          %eq3A_409 = vector.broadcast %eq3A : i32 to vector<16xi32>
          %eq3A_410 = arith.cmpi eq, %iota3A, %eq3A_409 : vector<16xi32>
          %add3A_411 = arith.addi %mul3A_2, %mul3A_108 : i32
          %add3A_412 = arith.constant 8 : i32
          %add3A_413 = arith.addi %add3A_411, %add3A_412 : i32
          %broadcast_in_dim3A_414 = vector.broadcast %add3A_413 : i32 to vector<16xi32>
          %select_n3A_415 = arith.select %eq3A_410, %broadcast_in_dim3A_414, %get3A_408 : vector<16xi1>, vector<16xi32>
          %swap3A_416 = arith.index_cast %add3A_341 : i32 to index
          %swap3A_417 = tpu.vector_load %arg9[%swap3A_416] {strides = array<i32>} : memref<272xi32, #tpu.memory_space<vmem>>, vector<16xi32>,
          %swap3A_418 = vector.shape_cast %swap3A_417 : vector<16xi32> to vector<16xi32>
          %swap3A_419 = vector.shape_cast %select_n3A_415 : vector<16xi32> to vector<16xi32>
          tpu.vector_store %arg9[%swap3A_416], %swap3A_419 {strides = array<i32>} : memref<272xi32, #tpu.memory_space<vmem>>, vector<16xi32>,
        } else {
        }
        %add3A_349 = arith.addi %add3A_341, %squeeze3A_343 : i32
        %slice3A_350 = vector.extract_strided_slice %select_n3A_135 {offsets = [9], sizes = [1], strides = [1]} : vector<16xi32> to vector<1xi32>
        %squeeze3A_351 = vector.extract %slice3A_350[0] : i32 from vector<1xi32>
        %gt3A_352 = arith.constant 0 : i32
        %gt3A_353 = arith.cmpi sgt, %squeeze3A_351, %gt3A_352 : i32
        %convert_element_type3A_354 = arith.extui %gt3A_353 : i1 to i32
        %cond3A_355 = arith.constant 0 : i32
        %cond3A_356 = arith.cmpi ne, %convert_element_type3A_354, %cond3A_355 : i32
        scf.if %cond3A_356 {
          %get3A_406 = arith.index_cast %add3A_349 : i32 to index
          %get3A_407 = tpu.vector_load %arg9[%get3A_406] {strides = array<i32>} : memref<272xi32, #tpu.memory_space<vmem>>, vector<16xi32>,
          %get3A_408 = vector.shape_cast %get3A_407 : vector<16xi32> to vector<16xi32>
          %eq3A = arith.constant 0 : i32
          %eq3A_409 = vector.broadcast %eq3A : i32 to vector<16xi32>
          %eq3A_410 = arith.cmpi eq, %iota3A, %eq3A_409 : vector<16xi32>
          %add3A_411 = arith.addi %mul3A_2, %mul3A_108 : i32
          %add3A_412 = arith.constant 9 : i32
          %add3A_413 = arith.addi %add3A_411, %add3A_412 : i32
          %broadcast_in_dim3A_414 = vector.broadcast %add3A_413 : i32 to vector<16xi32>
          %select_n3A_415 = arith.select %eq3A_410, %broadcast_in_dim3A_414, %get3A_408 : vector<16xi1>, vector<16xi32>
          %swap3A_416 = arith.index_cast %add3A_349 : i32 to index
          %swap3A_417 = tpu.vector_load %arg9[%swap3A_416] {strides = array<i32>} : memref<272xi32, #tpu.memory_space<vmem>>, vector<16xi32>,
          %swap3A_418 = vector.shape_cast %swap3A_417 : vector<16xi32> to vector<16xi32>
          %swap3A_419 = vector.shape_cast %select_n3A_415 : vector<16xi32> to vector<16xi32>
          tpu.vector_store %arg9[%swap3A_416], %swap3A_419 {strides = array<i32>} : memref<272xi32, #tpu.memory_space<vmem>>, vector<16xi32>,
        } else {
        }
        %add3A_357 = arith.addi %add3A_349, %squeeze3A_351 : i32
        %slice3A_358 = vector.extract_strided_slice %select_n3A_135 {offsets = [10], sizes = [1], strides = [1]} : vector<16xi32> to vector<1xi32>
        %squeeze3A_359 = vector.extract %slice3A_358[0] : i32 from vector<1xi32>
        %gt3A_360 = arith.constant 0 : i32
        %gt3A_361 = arith.cmpi sgt, %squeeze3A_359, %gt3A_360 : i32
        %convert_element_type3A_362 = arith.extui %gt3A_361 : i1 to i32
        %cond3A_363 = arith.constant 0 : i32
        %cond3A_364 = arith.cmpi ne, %convert_element_type3A_362, %cond3A_363 : i32
        scf.if %cond3A_364 {
          %get3A_406 = arith.index_cast %add3A_357 : i32 to index
          %get3A_407 = tpu.vector_load %arg9[%get3A_406] {strides = array<i32>} : memref<272xi32, #tpu.memory_space<vmem>>, vector<16xi32>,
          %get3A_408 = vector.shape_cast %get3A_407 : vector<16xi32> to vector<16xi32>
          %eq3A = arith.constant 0 : i32
          %eq3A_409 = vector.broadcast %eq3A : i32 to vector<16xi32>
          %eq3A_410 = arith.cmpi eq, %iota3A, %eq3A_409 : vector<16xi32>
          %add3A_411 = arith.addi %mul3A_2, %mul3A_108 : i32
          %add3A_412 = arith.constant 10 : i32
          %add3A_413 = arith.addi %add3A_411, %add3A_412 : i32
          %broadcast_in_dim3A_414 = vector.broadcast %add3A_413 : i32 to vector<16xi32>
          %select_n3A_415 = arith.select %eq3A_410, %broadcast_in_dim3A_414, %get3A_408 : vector<16xi1>, vector<16xi32>
          %swap3A_416 = arith.index_cast %add3A_357 : i32 to index
          %swap3A_417 = tpu.vector_load %arg9[%swap3A_416] {strides = array<i32>} : memref<272xi32, #tpu.memory_space<vmem>>, vector<16xi32>,
          %swap3A_418 = vector.shape_cast %swap3A_417 : vector<16xi32> to vector<16xi32>
          %swap3A_419 = vector.shape_cast %select_n3A_415 : vector<16xi32> to vector<16xi32>
          tpu.vector_store %arg9[%swap3A_416], %swap3A_419 {strides = array<i32>} : memref<272xi32, #tpu.memory_space<vmem>>, vector<16xi32>,
        } else {
        }
        %add3A_365 = arith.addi %add3A_357, %squeeze3A_359 : i32
        %slice3A_366 = vector.extract_strided_slice %select_n3A_135 {offsets = [11], sizes = [1], strides = [1]} : vector<16xi32> to vector<1xi32>
        %squeeze3A_367 = vector.extract %slice3A_366[0] : i32 from vector<1xi32>
        %gt3A_368 = arith.constant 0 : i32
        %gt3A_369 = arith.cmpi sgt, %squeeze3A_367, %gt3A_368 : i32
        %convert_element_type3A_370 = arith.extui %gt3A_369 : i1 to i32
        %cond3A_371 = arith.constant 0 : i32
        %cond3A_372 = arith.cmpi ne, %convert_element_type3A_370, %cond3A_371 : i32
        scf.if %cond3A_372 {
          %get3A_406 = arith.index_cast %add3A_365 : i32 to index
          %get3A_407 = tpu.vector_load %arg9[%get3A_406] {strides = array<i32>} : memref<272xi32, #tpu.memory_space<vmem>>, vector<16xi32>,
          %get3A_408 = vector.shape_cast %get3A_407 : vector<16xi32> to vector<16xi32>
          %eq3A = arith.constant 0 : i32
          %eq3A_409 = vector.broadcast %eq3A : i32 to vector<16xi32>
          %eq3A_410 = arith.cmpi eq, %iota3A, %eq3A_409 : vector<16xi32>
          %add3A_411 = arith.addi %mul3A_2, %mul3A_108 : i32
          %add3A_412 = arith.constant 11 : i32
          %add3A_413 = arith.addi %add3A_411, %add3A_412 : i32
          %broadcast_in_dim3A_414 = vector.broadcast %add3A_413 : i32 to vector<16xi32>
          %select_n3A_415 = arith.select %eq3A_410, %broadcast_in_dim3A_414, %get3A_408 : vector<16xi1>, vector<16xi32>
          %swap3A_416 = arith.index_cast %add3A_365 : i32 to index
          %swap3A_417 = tpu.vector_load %arg9[%swap3A_416] {strides = array<i32>} : memref<272xi32, #tpu.memory_space<vmem>>, vector<16xi32>,
          %swap3A_418 = vector.shape_cast %swap3A_417 : vector<16xi32> to vector<16xi32>
          %swap3A_419 = vector.shape_cast %select_n3A_415 : vector<16xi32> to vector<16xi32>
          tpu.vector_store %arg9[%swap3A_416], %swap3A_419 {strides = array<i32>} : memref<272xi32, #tpu.memory_space<vmem>>, vector<16xi32>,
        } else {
        }
        %add3A_373 = arith.addi %add3A_365, %squeeze3A_367 : i32
        %slice3A_374 = vector.extract_strided_slice %select_n3A_135 {offsets = [12], sizes = [1], strides = [1]} : vector<16xi32> to vector<1xi32>
        %squeeze3A_375 = vector.extract %slice3A_374[0] : i32 from vector<1xi32>
        %gt3A_376 = arith.constant 0 : i32
        %gt3A_377 = arith.cmpi sgt, %squeeze3A_375, %gt3A_376 : i32
        %convert_element_type3A_378 = arith.extui %gt3A_377 : i1 to i32
        %cond3A_379 = arith.constant 0 : i32
        %cond3A_380 = arith.cmpi ne, %convert_element_type3A_378, %cond3A_379 : i32
        scf.if %cond3A_380 {
          %get3A_406 = arith.index_cast %add3A_373 : i32 to index
          %get3A_407 = tpu.vector_load %arg9[%get3A_406] {strides = array<i32>} : memref<272xi32, #tpu.memory_space<vmem>>, vector<16xi32>,
          %get3A_408 = vector.shape_cast %get3A_407 : vector<16xi32> to vector<16xi32>
          %eq3A = arith.constant 0 : i32
          %eq3A_409 = vector.broadcast %eq3A : i32 to vector<16xi32>
          %eq3A_410 = arith.cmpi eq, %iota3A, %eq3A_409 : vector<16xi32>
          %add3A_411 = arith.addi %mul3A_2, %mul3A_108 : i32
          %add3A_412 = arith.constant 12 : i32
          %add3A_413 = arith.addi %add3A_411, %add3A_412 : i32
          %broadcast_in_dim3A_414 = vector.broadcast %add3A_413 : i32 to vector<16xi32>
          %select_n3A_415 = arith.select %eq3A_410, %broadcast_in_dim3A_414, %get3A_408 : vector<16xi1>, vector<16xi32>
          %swap3A_416 = arith.index_cast %add3A_373 : i32 to index
          %swap3A_417 = tpu.vector_load %arg9[%swap3A_416] {strides = array<i32>} : memref<272xi32, #tpu.memory_space<vmem>>, vector<16xi32>,
          %swap3A_418 = vector.shape_cast %swap3A_417 : vector<16xi32> to vector<16xi32>
          %swap3A_419 = vector.shape_cast %select_n3A_415 : vector<16xi32> to vector<16xi32>
          tpu.vector_store %arg9[%swap3A_416], %swap3A_419 {strides = array<i32>} : memref<272xi32, #tpu.memory_space<vmem>>, vector<16xi32>,
        } else {
        }
        %add3A_381 = arith.addi %add3A_373, %squeeze3A_375 : i32
        %slice3A_382 = vector.extract_strided_slice %select_n3A_135 {offsets = [13], sizes = [1], strides = [1]} : vector<16xi32> to vector<1xi32>
        %squeeze3A_383 = vector.extract %slice3A_382[0] : i32 from vector<1xi32>
        %gt3A_384 = arith.constant 0 : i32
        %gt3A_385 = arith.cmpi sgt, %squeeze3A_383, %gt3A_384 : i32
        %convert_element_type3A_386 = arith.extui %gt3A_385 : i1 to i32
        %cond3A_387 = arith.constant 0 : i32
        %cond3A_388 = arith.cmpi ne, %convert_element_type3A_386, %cond3A_387 : i32
        scf.if %cond3A_388 {
          %get3A_406 = arith.index_cast %add3A_381 : i32 to index
          %get3A_407 = tpu.vector_load %arg9[%get3A_406] {strides = array<i32>} : memref<272xi32, #tpu.memory_space<vmem>>, vector<16xi32>,
          %get3A_408 = vector.shape_cast %get3A_407 : vector<16xi32> to vector<16xi32>
          %eq3A = arith.constant 0 : i32
          %eq3A_409 = vector.broadcast %eq3A : i32 to vector<16xi32>
          %eq3A_410 = arith.cmpi eq, %iota3A, %eq3A_409 : vector<16xi32>
          %add3A_411 = arith.addi %mul3A_2, %mul3A_108 : i32
          %add3A_412 = arith.constant 13 : i32
          %add3A_413 = arith.addi %add3A_411, %add3A_412 : i32
          %broadcast_in_dim3A_414 = vector.broadcast %add3A_413 : i32 to vector<16xi32>
          %select_n3A_415 = arith.select %eq3A_410, %broadcast_in_dim3A_414, %get3A_408 : vector<16xi1>, vector<16xi32>
          %swap3A_416 = arith.index_cast %add3A_381 : i32 to index
          %swap3A_417 = tpu.vector_load %arg9[%swap3A_416] {strides = array<i32>} : memref<272xi32, #tpu.memory_space<vmem>>, vector<16xi32>,
          %swap3A_418 = vector.shape_cast %swap3A_417 : vector<16xi32> to vector<16xi32>
          %swap3A_419 = vector.shape_cast %select_n3A_415 : vector<16xi32> to vector<16xi32>
          tpu.vector_store %arg9[%swap3A_416], %swap3A_419 {strides = array<i32>} : memref<272xi32, #tpu.memory_space<vmem>>, vector<16xi32>,
        } else {
        }
        %add3A_389 = arith.addi %add3A_381, %squeeze3A_383 : i32
        %slice3A_390 = vector.extract_strided_slice %select_n3A_135 {offsets = [14], sizes = [1], strides = [1]} : vector<16xi32> to vector<1xi32>
        %squeeze3A_391 = vector.extract %slice3A_390[0] : i32 from vector<1xi32>
        %gt3A_392 = arith.constant 0 : i32
        %gt3A_393 = arith.cmpi sgt, %squeeze3A_391, %gt3A_392 : i32
        %convert_element_type3A_394 = arith.extui %gt3A_393 : i1 to i32
        %cond3A_395 = arith.constant 0 : i32
        %cond3A_396 = arith.cmpi ne, %convert_element_type3A_394, %cond3A_395 : i32
        scf.if %cond3A_396 {
          %get3A_406 = arith.index_cast %add3A_389 : i32 to index
          %get3A_407 = tpu.vector_load %arg9[%get3A_406] {strides = array<i32>} : memref<272xi32, #tpu.memory_space<vmem>>, vector<16xi32>,
          %get3A_408 = vector.shape_cast %get3A_407 : vector<16xi32> to vector<16xi32>
          %eq3A = arith.constant 0 : i32
          %eq3A_409 = vector.broadcast %eq3A : i32 to vector<16xi32>
          %eq3A_410 = arith.cmpi eq, %iota3A, %eq3A_409 : vector<16xi32>
          %add3A_411 = arith.addi %mul3A_2, %mul3A_108 : i32
          %add3A_412 = arith.constant 14 : i32
          %add3A_413 = arith.addi %add3A_411, %add3A_412 : i32
          %broadcast_in_dim3A_414 = vector.broadcast %add3A_413 : i32 to vector<16xi32>
          %select_n3A_415 = arith.select %eq3A_410, %broadcast_in_dim3A_414, %get3A_408 : vector<16xi1>, vector<16xi32>
          %swap3A_416 = arith.index_cast %add3A_389 : i32 to index
          %swap3A_417 = tpu.vector_load %arg9[%swap3A_416] {strides = array<i32>} : memref<272xi32, #tpu.memory_space<vmem>>, vector<16xi32>,
          %swap3A_418 = vector.shape_cast %swap3A_417 : vector<16xi32> to vector<16xi32>
          %swap3A_419 = vector.shape_cast %select_n3A_415 : vector<16xi32> to vector<16xi32>
          tpu.vector_store %arg9[%swap3A_416], %swap3A_419 {strides = array<i32>} : memref<272xi32, #tpu.memory_space<vmem>>, vector<16xi32>,
        } else {
        }
        %add3A_397 = arith.addi %add3A_389, %squeeze3A_391 : i32
        %slice3A_398 = vector.extract_strided_slice %select_n3A_135 {offsets = [15], sizes = [1], strides = [1]} : vector<16xi32> to vector<1xi32>
        %squeeze3A_399 = vector.extract %slice3A_398[0] : i32 from vector<1xi32>
        %gt3A_400 = arith.constant 0 : i32
        %gt3A_401 = arith.cmpi sgt, %squeeze3A_399, %gt3A_400 : i32
        %convert_element_type3A_402 = arith.extui %gt3A_401 : i1 to i32
        %cond3A_403 = arith.constant 0 : i32
        %cond3A_404 = arith.cmpi ne, %convert_element_type3A_402, %cond3A_403 : i32
        scf.if %cond3A_404 {
          %get3A_406 = arith.index_cast %add3A_397 : i32 to index
          %get3A_407 = tpu.vector_load %arg9[%get3A_406] {strides = array<i32>} : memref<272xi32, #tpu.memory_space<vmem>>, vector<16xi32>,
          %get3A_408 = vector.shape_cast %get3A_407 : vector<16xi32> to vector<16xi32>
          %eq3A = arith.constant 0 : i32
          %eq3A_409 = vector.broadcast %eq3A : i32 to vector<16xi32>
          %eq3A_410 = arith.cmpi eq, %iota3A, %eq3A_409 : vector<16xi32>
          %add3A_411 = arith.addi %mul3A_2, %mul3A_108 : i32
          %add3A_412 = arith.constant 15 : i32
          %add3A_413 = arith.addi %add3A_411, %add3A_412 : i32
          %broadcast_in_dim3A_414 = vector.broadcast %add3A_413 : i32 to vector<16xi32>
          %select_n3A_415 = arith.select %eq3A_410, %broadcast_in_dim3A_414, %get3A_408 : vector<16xi1>, vector<16xi32>
          %swap3A_416 = arith.index_cast %add3A_397 : i32 to index
          %swap3A_417 = tpu.vector_load %arg9[%swap3A_416] {strides = array<i32>} : memref<272xi32, #tpu.memory_space<vmem>>, vector<16xi32>,
          %swap3A_418 = vector.shape_cast %swap3A_417 : vector<16xi32> to vector<16xi32>
          %swap3A_419 = vector.shape_cast %select_n3A_415 : vector<16xi32> to vector<16xi32>
          tpu.vector_store %arg9[%swap3A_416], %swap3A_419 {strides = array<i32>} : memref<272xi32, #tpu.memory_space<vmem>>, vector<16xi32>,
        } else {
        }
        %add3A_405 = arith.addi %add3A_397, %squeeze3A_399 : i32
      } else {
      }
      %add3A_195 = arith.addi %scan3A_106, %squeeze3A : i32
      %lt3A_196 = arith.constant 9.99999968E+37 : f32
      %lt3A_197 = vector.broadcast %lt3A_196 : f32 to vector<16xf32>
      %lt3A_198 = arith.cmpf olt, %scan3A_122#1, %lt3A_197 : vector<16xf32>
      %sub3A_199 = arith.subf %get3A_115, %scan3A_122#1 : vector<16xf32>
      %neg3A_200 = arith.constant 0.000000e+00 : f32
      %neg3A_201 = vector.broadcast %neg3A_200 : f32 to vector<16xf32>
      %neg3A_202 = arith.subf %neg3A_201, %sub3A_199 : vector<16xf32>
      %exp3A_203 = math.exp %neg3A_202 : vector<16xf32>
      %select_n3A_204 = arith.select %lt3A_198, %exp3A_203, %broadcast_in_dim3A_12 : vector<16xi1>, vector<16xf32>
      %swap3A_205 = arith.index_cast %add3A_110 : i32 to index
      %swap3A_206 = tpu.vector_load %arg8[%swap3A_205] {strides = array<i32>} : memref<256xf32, #tpu.memory_space<vmem>>, vector<16xf32>,
      %swap3A_207 = vector.shape_cast %swap3A_206 : vector<16xf32> to vector<16xf32>
      %swap3A_208 = vector.shape_cast %select_n3A_204 : vector<16xf32> to vector<16xf32>
      tpu.vector_store %arg8[%swap3A_205], %swap3A_208 {strides = array<i32>} : memref<256xf32, #tpu.memory_space<vmem>>, vector<16xf32>,
      %jit3A_209 = arith.constant 0 : i32
      %jit3A_210 = arith.constant 1 : i32
      %broadcast_in_dim3A_211 = vector.broadcast %jit3A_209 : i32 to vector<16xi32>
      %broadcast_in_dim3A_212 = vector.broadcast %jit3A_210 : i32 to vector<16xi32>
      %select_n3A_213 = arith.select %lt3A_198, %broadcast_in_dim3A_211, %broadcast_in_dim3A_212 : vector<16xi1>, vector<16xi32>
      %xor3A_214 = arith.constant 1 : i32
      %xor3A_215 = vector.broadcast %xor3A_214 : i32 to vector<16xi32>
      %xor3A_216 = arith.xori %iota3A, %xor3A_215 : vector<16xi32>
      %lt3A_217 = arith.constant 0 : i32
      %lt3A_218 = vector.broadcast %lt3A_217 : i32 to vector<16xi32>
      %lt3A_219 = arith.cmpi slt, %xor3A_216, %lt3A_218 : vector<16xi32>
      %add3A_220 = arith.constant 16 : i32
      %add3A_221 = vector.broadcast %add3A_220 : i32 to vector<16xi32>
      %add3A_222 = arith.addi %xor3A_216, %add3A_221 : vector<16xi32>
      %select_n3A_223 = arith.select %lt3A_219, %add3A_222, %xor3A_216 : vector<16xi1>, vector<16xi32>
      %broadcast_in_dim3A_224 = vector.shape_cast %select_n3A_223 : vector<16xi32> to vector<16x1xi32>
      %gather3A_225 = vector.shape_cast %broadcast_in_dim3A_224 : vector<16x1xi32> to vector<16xi32>
      %gather3A_226 = tpu.dynamic_gather %select_n3A_213[%gather3A_225] in [0] : vector<16xi32>, vector<16xi32> -> vector<16xi32>
      %add3A_227 = arith.addi %select_n3A_213, %gather3A_226 : vector<16xi32>
      %xor3A_228 = arith.constant 2 : i32
      %xor3A_229 = vector.broadcast %xor3A_228 : i32 to vector<16xi32>
      %xor3A_230 = arith.xori %iota3A, %xor3A_229 : vector<16xi32>
      %lt3A_231 = arith.constant 0 : i32
      %lt3A_232 = vector.broadcast %lt3A_231 : i32 to vector<16xi32>
      %lt3A_233 = arith.cmpi slt, %xor3A_230, %lt3A_232 : vector<16xi32>
      %add3A_234 = arith.constant 16 : i32
      %add3A_235 = vector.broadcast %add3A_234 : i32 to vector<16xi32>
      %add3A_236 = arith.addi %xor3A_230, %add3A_235 : vector<16xi32>
      %select_n3A_237 = arith.select %lt3A_233, %add3A_236, %xor3A_230 : vector<16xi1>, vector<16xi32>
      %broadcast_in_dim3A_238 = vector.shape_cast %select_n3A_237 : vector<16xi32> to vector<16x1xi32>
      %gather3A_239 = vector.shape_cast %broadcast_in_dim3A_238 : vector<16x1xi32> to vector<16xi32>
      %gather3A_240 = tpu.dynamic_gather %add3A_227[%gather3A_239] in [0] : vector<16xi32>, vector<16xi32> -> vector<16xi32>
      %add3A_241 = arith.addi %add3A_227, %gather3A_240 : vector<16xi32>
      %xor3A_242 = arith.constant 4 : i32
      %xor3A_243 = vector.broadcast %xor3A_242 : i32 to vector<16xi32>
      %xor3A_244 = arith.xori %iota3A, %xor3A_243 : vector<16xi32>
      %lt3A_245 = arith.constant 0 : i32
      %lt3A_246 = vector.broadcast %lt3A_245 : i32 to vector<16xi32>
      %lt3A_247 = arith.cmpi slt, %xor3A_244, %lt3A_246 : vector<16xi32>
      %add3A_248 = arith.constant 16 : i32
      %add3A_249 = vector.broadcast %add3A_248 : i32 to vector<16xi32>
      %add3A_250 = arith.addi %xor3A_244, %add3A_249 : vector<16xi32>
      %select_n3A_251 = arith.select %lt3A_247, %add3A_250, %xor3A_244 : vector<16xi1>, vector<16xi32>
      %broadcast_in_dim3A_252 = vector.shape_cast %select_n3A_251 : vector<16xi32> to vector<16x1xi32>
      %gather3A_253 = vector.shape_cast %broadcast_in_dim3A_252 : vector<16x1xi32> to vector<16xi32>
      %gather3A_254 = tpu.dynamic_gather %add3A_241[%gather3A_253] in [0] : vector<16xi32>, vector<16xi32> -> vector<16xi32>
      %add3A_255 = arith.addi %add3A_241, %gather3A_254 : vector<16xi32>
      %xor3A_256 = arith.constant 8 : i32
      %xor3A_257 = vector.broadcast %xor3A_256 : i32 to vector<16xi32>
      %xor3A_258 = arith.xori %iota3A, %xor3A_257 : vector<16xi32>
      %lt3A_259 = arith.constant 0 : i32
      %lt3A_260 = vector.broadcast %lt3A_259 : i32 to vector<16xi32>
      %lt3A_261 = arith.cmpi slt, %xor3A_258, %lt3A_260 : vector<16xi32>
      %add3A_262 = arith.constant 16 : i32
      %add3A_263 = vector.broadcast %add3A_262 : i32 to vector<16xi32>
      %add3A_264 = arith.addi %xor3A_258, %add3A_263 : vector<16xi32>
      %select_n3A_265 = arith.select %lt3A_261, %add3A_264, %xor3A_258 : vector<16xi1>, vector<16xi32>
      %broadcast_in_dim3A_266 = vector.shape_cast %select_n3A_265 : vector<16xi32> to vector<16x1xi32>
      %gather3A_267 = vector.shape_cast %broadcast_in_dim3A_266 : vector<16x1xi32> to vector<16xi32>
      %gather3A_268 = tpu.dynamic_gather %add3A_255[%gather3A_267] in [0] : vector<16xi32>, vector<16xi32> -> vector<16xi32>
      %add3A_269 = arith.addi %add3A_255, %gather3A_268 : vector<16xi32>
      %slice3A_270 = vector.extract_strided_slice %add3A_269 {offsets = [0], sizes = [1], strides = [1]} : vector<16xi32> to vector<1xi32>
      %squeeze3A_271 = vector.extract %slice3A_270[0] : i32 from vector<1xi32>
      %gt3A_272 = arith.constant 0 : i32
      %gt3A_273 = arith.cmpi sgt, %squeeze3A_271, %gt3A_272 : i32
      %convert_element_type3A_274 = arith.extui %gt3A_273 : i1 to i32
      %cond3A_275 = arith.constant 0 : i32
      %cond3A_276 = arith.cmpi ne, %convert_element_type3A_274, %cond3A_275 : i32
      scf.if %cond3A_276 {
        %slice3A_278 = vector.extract_strided_slice %select_n3A_213 {offsets = [0], sizes = [1], strides = [1]} : vector<16xi32> to vector<1xi32>
        %squeeze3A_279 = vector.extract %slice3A_278[0] : i32 from vector<1xi32>
        %gt3A_280 = arith.constant 0 : i32
        %gt3A_281 = arith.cmpi sgt, %squeeze3A_279, %gt3A_280 : i32
        %convert_element_type3A_282 = arith.extui %gt3A_281 : i1 to i32
        %cond3A_283 = arith.constant 0 : i32
        %cond3A_284 = arith.cmpi ne, %convert_element_type3A_282, %cond3A_283 : i32
        scf.if %cond3A_284 {
          %get3A_406 = arith.index_cast %add3A_195 : i32 to index
          %get3A_407 = tpu.vector_load %arg9[%get3A_406] {strides = array<i32>} : memref<272xi32, #tpu.memory_space<vmem>>, vector<16xi32>,
          %get3A_408 = vector.shape_cast %get3A_407 : vector<16xi32> to vector<16xi32>
          %eq3A = arith.constant 0 : i32
          %eq3A_409 = vector.broadcast %eq3A : i32 to vector<16xi32>
          %eq3A_410 = arith.cmpi eq, %iota3A, %eq3A_409 : vector<16xi32>
          %add3A_411 = arith.addi %mul3A_2, %add3A_110 : i32
          %add3A_412 = arith.constant 0 : i32
          %add3A_413 = arith.addi %add3A_411, %add3A_412 : i32
          %broadcast_in_dim3A_414 = vector.broadcast %add3A_413 : i32 to vector<16xi32>
          %select_n3A_415 = arith.select %eq3A_410, %broadcast_in_dim3A_414, %get3A_408 : vector<16xi1>, vector<16xi32>
          %swap3A_416 = arith.index_cast %add3A_195 : i32 to index
          %swap3A_417 = tpu.vector_load %arg9[%swap3A_416] {strides = array<i32>} : memref<272xi32, #tpu.memory_space<vmem>>, vector<16xi32>,
          %swap3A_418 = vector.shape_cast %swap3A_417 : vector<16xi32> to vector<16xi32>
          %swap3A_419 = vector.shape_cast %select_n3A_415 : vector<16xi32> to vector<16xi32>
          tpu.vector_store %arg9[%swap3A_416], %swap3A_419 {strides = array<i32>} : memref<272xi32, #tpu.memory_space<vmem>>, vector<16xi32>,
        } else {
        }
        %add3A_285 = arith.addi %add3A_195, %squeeze3A_279 : i32
        %slice3A_286 = vector.extract_strided_slice %select_n3A_213 {offsets = [1], sizes = [1], strides = [1]} : vector<16xi32> to vector<1xi32>
        %squeeze3A_287 = vector.extract %slice3A_286[0] : i32 from vector<1xi32>
        %gt3A_288 = arith.constant 0 : i32
        %gt3A_289 = arith.cmpi sgt, %squeeze3A_287, %gt3A_288 : i32
        %convert_element_type3A_290 = arith.extui %gt3A_289 : i1 to i32
        %cond3A_291 = arith.constant 0 : i32
        %cond3A_292 = arith.cmpi ne, %convert_element_type3A_290, %cond3A_291 : i32
        scf.if %cond3A_292 {
          %get3A_406 = arith.index_cast %add3A_285 : i32 to index
          %get3A_407 = tpu.vector_load %arg9[%get3A_406] {strides = array<i32>} : memref<272xi32, #tpu.memory_space<vmem>>, vector<16xi32>,
          %get3A_408 = vector.shape_cast %get3A_407 : vector<16xi32> to vector<16xi32>
          %eq3A = arith.constant 0 : i32
          %eq3A_409 = vector.broadcast %eq3A : i32 to vector<16xi32>
          %eq3A_410 = arith.cmpi eq, %iota3A, %eq3A_409 : vector<16xi32>
          %add3A_411 = arith.addi %mul3A_2, %add3A_110 : i32
          %add3A_412 = arith.constant 1 : i32
          %add3A_413 = arith.addi %add3A_411, %add3A_412 : i32
          %broadcast_in_dim3A_414 = vector.broadcast %add3A_413 : i32 to vector<16xi32>
          %select_n3A_415 = arith.select %eq3A_410, %broadcast_in_dim3A_414, %get3A_408 : vector<16xi1>, vector<16xi32>
          %swap3A_416 = arith.index_cast %add3A_285 : i32 to index
          %swap3A_417 = tpu.vector_load %arg9[%swap3A_416] {strides = array<i32>} : memref<272xi32, #tpu.memory_space<vmem>>, vector<16xi32>,
          %swap3A_418 = vector.shape_cast %swap3A_417 : vector<16xi32> to vector<16xi32>
          %swap3A_419 = vector.shape_cast %select_n3A_415 : vector<16xi32> to vector<16xi32>
          tpu.vector_store %arg9[%swap3A_416], %swap3A_419 {strides = array<i32>} : memref<272xi32, #tpu.memory_space<vmem>>, vector<16xi32>,
        } else {
        }
        %add3A_293 = arith.addi %add3A_285, %squeeze3A_287 : i32
        %slice3A_294 = vector.extract_strided_slice %select_n3A_213 {offsets = [2], sizes = [1], strides = [1]} : vector<16xi32> to vector<1xi32>
        %squeeze3A_295 = vector.extract %slice3A_294[0] : i32 from vector<1xi32>
        %gt3A_296 = arith.constant 0 : i32
        %gt3A_297 = arith.cmpi sgt, %squeeze3A_295, %gt3A_296 : i32
        %convert_element_type3A_298 = arith.extui %gt3A_297 : i1 to i32
        %cond3A_299 = arith.constant 0 : i32
        %cond3A_300 = arith.cmpi ne, %convert_element_type3A_298, %cond3A_299 : i32
        scf.if %cond3A_300 {
          %get3A_406 = arith.index_cast %add3A_293 : i32 to index
          %get3A_407 = tpu.vector_load %arg9[%get3A_406] {strides = array<i32>} : memref<272xi32, #tpu.memory_space<vmem>>, vector<16xi32>,
          %get3A_408 = vector.shape_cast %get3A_407 : vector<16xi32> to vector<16xi32>
          %eq3A = arith.constant 0 : i32
          %eq3A_409 = vector.broadcast %eq3A : i32 to vector<16xi32>
          %eq3A_410 = arith.cmpi eq, %iota3A, %eq3A_409 : vector<16xi32>
          %add3A_411 = arith.addi %mul3A_2, %add3A_110 : i32
          %add3A_412 = arith.constant 2 : i32
          %add3A_413 = arith.addi %add3A_411, %add3A_412 : i32
          %broadcast_in_dim3A_414 = vector.broadcast %add3A_413 : i32 to vector<16xi32>
          %select_n3A_415 = arith.select %eq3A_410, %broadcast_in_dim3A_414, %get3A_408 : vector<16xi1>, vector<16xi32>
          %swap3A_416 = arith.index_cast %add3A_293 : i32 to index
          %swap3A_417 = tpu.vector_load %arg9[%swap3A_416] {strides = array<i32>} : memref<272xi32, #tpu.memory_space<vmem>>, vector<16xi32>,
          %swap3A_418 = vector.shape_cast %swap3A_417 : vector<16xi32> to vector<16xi32>
          %swap3A_419 = vector.shape_cast %select_n3A_415 : vector<16xi32> to vector<16xi32>
          tpu.vector_store %arg9[%swap3A_416], %swap3A_419 {strides = array<i32>} : memref<272xi32, #tpu.memory_space<vmem>>, vector<16xi32>,
        } else {
        }
        %add3A_301 = arith.addi %add3A_293, %squeeze3A_295 : i32
        %slice3A_302 = vector.extract_strided_slice %select_n3A_213 {offsets = [3], sizes = [1], strides = [1]} : vector<16xi32> to vector<1xi32>
        %squeeze3A_303 = vector.extract %slice3A_302[0] : i32 from vector<1xi32>
        %gt3A_304 = arith.constant 0 : i32
        %gt3A_305 = arith.cmpi sgt, %squeeze3A_303, %gt3A_304 : i32
        %convert_element_type3A_306 = arith.extui %gt3A_305 : i1 to i32
        %cond3A_307 = arith.constant 0 : i32
        %cond3A_308 = arith.cmpi ne, %convert_element_type3A_306, %cond3A_307 : i32
        scf.if %cond3A_308 {
          %get3A_406 = arith.index_cast %add3A_301 : i32 to index
          %get3A_407 = tpu.vector_load %arg9[%get3A_406] {strides = array<i32>} : memref<272xi32, #tpu.memory_space<vmem>>, vector<16xi32>,
          %get3A_408 = vector.shape_cast %get3A_407 : vector<16xi32> to vector<16xi32>
          %eq3A = arith.constant 0 : i32
          %eq3A_409 = vector.broadcast %eq3A : i32 to vector<16xi32>
          %eq3A_410 = arith.cmpi eq, %iota3A, %eq3A_409 : vector<16xi32>
          %add3A_411 = arith.addi %mul3A_2, %add3A_110 : i32
          %add3A_412 = arith.constant 3 : i32
          %add3A_413 = arith.addi %add3A_411, %add3A_412 : i32
          %broadcast_in_dim3A_414 = vector.broadcast %add3A_413 : i32 to vector<16xi32>
          %select_n3A_415 = arith.select %eq3A_410, %broadcast_in_dim3A_414, %get3A_408 : vector<16xi1>, vector<16xi32>
          %swap3A_416 = arith.index_cast %add3A_301 : i32 to index
          %swap3A_417 = tpu.vector_load %arg9[%swap3A_416] {strides = array<i32>} : memref<272xi32, #tpu.memory_space<vmem>>, vector<16xi32>,
          %swap3A_418 = vector.shape_cast %swap3A_417 : vector<16xi32> to vector<16xi32>
          %swap3A_419 = vector.shape_cast %select_n3A_415 : vector<16xi32> to vector<16xi32>
          tpu.vector_store %arg9[%swap3A_416], %swap3A_419 {strides = array<i32>} : memref<272xi32, #tpu.memory_space<vmem>>, vector<16xi32>,
        } else {
        }
        %add3A_309 = arith.addi %add3A_301, %squeeze3A_303 : i32
        %slice3A_310 = vector.extract_strided_slice %select_n3A_213 {offsets = [4], sizes = [1], strides = [1]} : vector<16xi32> to vector<1xi32>
        %squeeze3A_311 = vector.extract %slice3A_310[0] : i32 from vector<1xi32>
        %gt3A_312 = arith.constant 0 : i32
        %gt3A_313 = arith.cmpi sgt, %squeeze3A_311, %gt3A_312 : i32
        %convert_element_type3A_314 = arith.extui %gt3A_313 : i1 to i32
        %cond3A_315 = arith.constant 0 : i32
        %cond3A_316 = arith.cmpi ne, %convert_element_type3A_314, %cond3A_315 : i32
        scf.if %cond3A_316 {
          %get3A_406 = arith.index_cast %add3A_309 : i32 to index
          %get3A_407 = tpu.vector_load %arg9[%get3A_406] {strides = array<i32>} : memref<272xi32, #tpu.memory_space<vmem>>, vector<16xi32>,
          %get3A_408 = vector.shape_cast %get3A_407 : vector<16xi32> to vector<16xi32>
          %eq3A = arith.constant 0 : i32
          %eq3A_409 = vector.broadcast %eq3A : i32 to vector<16xi32>
          %eq3A_410 = arith.cmpi eq, %iota3A, %eq3A_409 : vector<16xi32>
          %add3A_411 = arith.addi %mul3A_2, %add3A_110 : i32
          %add3A_412 = arith.constant 4 : i32
          %add3A_413 = arith.addi %add3A_411, %add3A_412 : i32
          %broadcast_in_dim3A_414 = vector.broadcast %add3A_413 : i32 to vector<16xi32>
          %select_n3A_415 = arith.select %eq3A_410, %broadcast_in_dim3A_414, %get3A_408 : vector<16xi1>, vector<16xi32>
          %swap3A_416 = arith.index_cast %add3A_309 : i32 to index
          %swap3A_417 = tpu.vector_load %arg9[%swap3A_416] {strides = array<i32>} : memref<272xi32, #tpu.memory_space<vmem>>, vector<16xi32>,
          %swap3A_418 = vector.shape_cast %swap3A_417 : vector<16xi32> to vector<16xi32>
          %swap3A_419 = vector.shape_cast %select_n3A_415 : vector<16xi32> to vector<16xi32>
          tpu.vector_store %arg9[%swap3A_416], %swap3A_419 {strides = array<i32>} : memref<272xi32, #tpu.memory_space<vmem>>, vector<16xi32>,
        } else {
        }
        %add3A_317 = arith.addi %add3A_309, %squeeze3A_311 : i32
        %slice3A_318 = vector.extract_strided_slice %select_n3A_213 {offsets = [5], sizes = [1], strides = [1]} : vector<16xi32> to vector<1xi32>
        %squeeze3A_319 = vector.extract %slice3A_318[0] : i32 from vector<1xi32>
        %gt3A_320 = arith.constant 0 : i32
        %gt3A_321 = arith.cmpi sgt, %squeeze3A_319, %gt3A_320 : i32
        %convert_element_type3A_322 = arith.extui %gt3A_321 : i1 to i32
        %cond3A_323 = arith.constant 0 : i32
        %cond3A_324 = arith.cmpi ne, %convert_element_type3A_322, %cond3A_323 : i32
        scf.if %cond3A_324 {
          %get3A_406 = arith.index_cast %add3A_317 : i32 to index
          %get3A_407 = tpu.vector_load %arg9[%get3A_406] {strides = array<i32>} : memref<272xi32, #tpu.memory_space<vmem>>, vector<16xi32>,
          %get3A_408 = vector.shape_cast %get3A_407 : vector<16xi32> to vector<16xi32>
          %eq3A = arith.constant 0 : i32
          %eq3A_409 = vector.broadcast %eq3A : i32 to vector<16xi32>
          %eq3A_410 = arith.cmpi eq, %iota3A, %eq3A_409 : vector<16xi32>
          %add3A_411 = arith.addi %mul3A_2, %add3A_110 : i32
          %add3A_412 = arith.constant 5 : i32
          %add3A_413 = arith.addi %add3A_411, %add3A_412 : i32
          %broadcast_in_dim3A_414 = vector.broadcast %add3A_413 : i32 to vector<16xi32>
          %select_n3A_415 = arith.select %eq3A_410, %broadcast_in_dim3A_414, %get3A_408 : vector<16xi1>, vector<16xi32>
          %swap3A_416 = arith.index_cast %add3A_317 : i32 to index
          %swap3A_417 = tpu.vector_load %arg9[%swap3A_416] {strides = array<i32>} : memref<272xi32, #tpu.memory_space<vmem>>, vector<16xi32>,
          %swap3A_418 = vector.shape_cast %swap3A_417 : vector<16xi32> to vector<16xi32>
          %swap3A_419 = vector.shape_cast %select_n3A_415 : vector<16xi32> to vector<16xi32>
          tpu.vector_store %arg9[%swap3A_416], %swap3A_419 {strides = array<i32>} : memref<272xi32, #tpu.memory_space<vmem>>, vector<16xi32>,
        } else {
        }
        %add3A_325 = arith.addi %add3A_317, %squeeze3A_319 : i32
        %slice3A_326 = vector.extract_strided_slice %select_n3A_213 {offsets = [6], sizes = [1], strides = [1]} : vector<16xi32> to vector<1xi32>
        %squeeze3A_327 = vector.extract %slice3A_326[0] : i32 from vector<1xi32>
        %gt3A_328 = arith.constant 0 : i32
        %gt3A_329 = arith.cmpi sgt, %squeeze3A_327, %gt3A_328 : i32
        %convert_element_type3A_330 = arith.extui %gt3A_329 : i1 to i32
        %cond3A_331 = arith.constant 0 : i32
        %cond3A_332 = arith.cmpi ne, %convert_element_type3A_330, %cond3A_331 : i32
        scf.if %cond3A_332 {
          %get3A_406 = arith.index_cast %add3A_325 : i32 to index
          %get3A_407 = tpu.vector_load %arg9[%get3A_406] {strides = array<i32>} : memref<272xi32, #tpu.memory_space<vmem>>, vector<16xi32>,
          %get3A_408 = vector.shape_cast %get3A_407 : vector<16xi32> to vector<16xi32>
          %eq3A = arith.constant 0 : i32
          %eq3A_409 = vector.broadcast %eq3A : i32 to vector<16xi32>
          %eq3A_410 = arith.cmpi eq, %iota3A, %eq3A_409 : vector<16xi32>
          %add3A_411 = arith.addi %mul3A_2, %add3A_110 : i32
          %add3A_412 = arith.constant 6 : i32
          %add3A_413 = arith.addi %add3A_411, %add3A_412 : i32
          %broadcast_in_dim3A_414 = vector.broadcast %add3A_413 : i32 to vector<16xi32>
          %select_n3A_415 = arith.select %eq3A_410, %broadcast_in_dim3A_414, %get3A_408 : vector<16xi1>, vector<16xi32>
          %swap3A_416 = arith.index_cast %add3A_325 : i32 to index
          %swap3A_417 = tpu.vector_load %arg9[%swap3A_416] {strides = array<i32>} : memref<272xi32, #tpu.memory_space<vmem>>, vector<16xi32>,
          %swap3A_418 = vector.shape_cast %swap3A_417 : vector<16xi32> to vector<16xi32>
          %swap3A_419 = vector.shape_cast %select_n3A_415 : vector<16xi32> to vector<16xi32>
          tpu.vector_store %arg9[%swap3A_416], %swap3A_419 {strides = array<i32>} : memref<272xi32, #tpu.memory_space<vmem>>, vector<16xi32>,
        } else {
        }
        %add3A_333 = arith.addi %add3A_325, %squeeze3A_327 : i32
        %slice3A_334 = vector.extract_strided_slice %select_n3A_213 {offsets = [7], sizes = [1], strides = [1]} : vector<16xi32> to vector<1xi32>
        %squeeze3A_335 = vector.extract %slice3A_334[0] : i32 from vector<1xi32>
        %gt3A_336 = arith.constant 0 : i32
        %gt3A_337 = arith.cmpi sgt, %squeeze3A_335, %gt3A_336 : i32
        %convert_element_type3A_338 = arith.extui %gt3A_337 : i1 to i32
        %cond3A_339 = arith.constant 0 : i32
        %cond3A_340 = arith.cmpi ne, %convert_element_type3A_338, %cond3A_339 : i32
        scf.if %cond3A_340 {
          %get3A_406 = arith.index_cast %add3A_333 : i32 to index
          %get3A_407 = tpu.vector_load %arg9[%get3A_406] {strides = array<i32>} : memref<272xi32, #tpu.memory_space<vmem>>, vector<16xi32>,
          %get3A_408 = vector.shape_cast %get3A_407 : vector<16xi32> to vector<16xi32>
          %eq3A = arith.constant 0 : i32
          %eq3A_409 = vector.broadcast %eq3A : i32 to vector<16xi32>
          %eq3A_410 = arith.cmpi eq, %iota3A, %eq3A_409 : vector<16xi32>
          %add3A_411 = arith.addi %mul3A_2, %add3A_110 : i32
          %add3A_412 = arith.constant 7 : i32
          %add3A_413 = arith.addi %add3A_411, %add3A_412 : i32
          %broadcast_in_dim3A_414 = vector.broadcast %add3A_413 : i32 to vector<16xi32>
          %select_n3A_415 = arith.select %eq3A_410, %broadcast_in_dim3A_414, %get3A_408 : vector<16xi1>, vector<16xi32>
          %swap3A_416 = arith.index_cast %add3A_333 : i32 to index
          %swap3A_417 = tpu.vector_load %arg9[%swap3A_416] {strides = array<i32>} : memref<272xi32, #tpu.memory_space<vmem>>, vector<16xi32>,
          %swap3A_418 = vector.shape_cast %swap3A_417 : vector<16xi32> to vector<16xi32>
          %swap3A_419 = vector.shape_cast %select_n3A_415 : vector<16xi32> to vector<16xi32>
          tpu.vector_store %arg9[%swap3A_416], %swap3A_419 {strides = array<i32>} : memref<272xi32, #tpu.memory_space<vmem>>, vector<16xi32>,
        } else {
        }
        %add3A_341 = arith.addi %add3A_333, %squeeze3A_335 : i32
        %slice3A_342 = vector.extract_strided_slice %select_n3A_213 {offsets = [8], sizes = [1], strides = [1]} : vector<16xi32> to vector<1xi32>
        %squeeze3A_343 = vector.extract %slice3A_342[0] : i32 from vector<1xi32>
        %gt3A_344 = arith.constant 0 : i32
        %gt3A_345 = arith.cmpi sgt, %squeeze3A_343, %gt3A_344 : i32
        %convert_element_type3A_346 = arith.extui %gt3A_345 : i1 to i32
        %cond3A_347 = arith.constant 0 : i32
        %cond3A_348 = arith.cmpi ne, %convert_element_type3A_346, %cond3A_347 : i32
        scf.if %cond3A_348 {
          %get3A_406 = arith.index_cast %add3A_341 : i32 to index
          %get3A_407 = tpu.vector_load %arg9[%get3A_406] {strides = array<i32>} : memref<272xi32, #tpu.memory_space<vmem>>, vector<16xi32>,
          %get3A_408 = vector.shape_cast %get3A_407 : vector<16xi32> to vector<16xi32>
          %eq3A = arith.constant 0 : i32
          %eq3A_409 = vector.broadcast %eq3A : i32 to vector<16xi32>
          %eq3A_410 = arith.cmpi eq, %iota3A, %eq3A_409 : vector<16xi32>
          %add3A_411 = arith.addi %mul3A_2, %add3A_110 : i32
          %add3A_412 = arith.constant 8 : i32
          %add3A_413 = arith.addi %add3A_411, %add3A_412 : i32
          %broadcast_in_dim3A_414 = vector.broadcast %add3A_413 : i32 to vector<16xi32>
          %select_n3A_415 = arith.select %eq3A_410, %broadcast_in_dim3A_414, %get3A_408 : vector<16xi1>, vector<16xi32>
          %swap3A_416 = arith.index_cast %add3A_341 : i32 to index
          %swap3A_417 = tpu.vector_load %arg9[%swap3A_416] {strides = array<i32>} : memref<272xi32, #tpu.memory_space<vmem>>, vector<16xi32>,
          %swap3A_418 = vector.shape_cast %swap3A_417 : vector<16xi32> to vector<16xi32>
          %swap3A_419 = vector.shape_cast %select_n3A_415 : vector<16xi32> to vector<16xi32>
          tpu.vector_store %arg9[%swap3A_416], %swap3A_419 {strides = array<i32>} : memref<272xi32, #tpu.memory_space<vmem>>, vector<16xi32>,
        } else {
        }
        %add3A_349 = arith.addi %add3A_341, %squeeze3A_343 : i32
        %slice3A_350 = vector.extract_strided_slice %select_n3A_213 {offsets = [9], sizes = [1], strides = [1]} : vector<16xi32> to vector<1xi32>
        %squeeze3A_351 = vector.extract %slice3A_350[0] : i32 from vector<1xi32>
        %gt3A_352 = arith.constant 0 : i32
        %gt3A_353 = arith.cmpi sgt, %squeeze3A_351, %gt3A_352 : i32
        %convert_element_type3A_354 = arith.extui %gt3A_353 : i1 to i32
        %cond3A_355 = arith.constant 0 : i32
        %cond3A_356 = arith.cmpi ne, %convert_element_type3A_354, %cond3A_355 : i32
        scf.if %cond3A_356 {
          %get3A_406 = arith.index_cast %add3A_349 : i32 to index
          %get3A_407 = tpu.vector_load %arg9[%get3A_406] {strides = array<i32>} : memref<272xi32, #tpu.memory_space<vmem>>, vector<16xi32>,
          %get3A_408 = vector.shape_cast %get3A_407 : vector<16xi32> to vector<16xi32>
          %eq3A = arith.constant 0 : i32
          %eq3A_409 = vector.broadcast %eq3A : i32 to vector<16xi32>
          %eq3A_410 = arith.cmpi eq, %iota3A, %eq3A_409 : vector<16xi32>
          %add3A_411 = arith.addi %mul3A_2, %add3A_110 : i32
          %add3A_412 = arith.constant 9 : i32
          %add3A_413 = arith.addi %add3A_411, %add3A_412 : i32
          %broadcast_in_dim3A_414 = vector.broadcast %add3A_413 : i32 to vector<16xi32>
          %select_n3A_415 = arith.select %eq3A_410, %broadcast_in_dim3A_414, %get3A_408 : vector<16xi1>, vector<16xi32>
          %swap3A_416 = arith.index_cast %add3A_349 : i32 to index
          %swap3A_417 = tpu.vector_load %arg9[%swap3A_416] {strides = array<i32>} : memref<272xi32, #tpu.memory_space<vmem>>, vector<16xi32>,
          %swap3A_418 = vector.shape_cast %swap3A_417 : vector<16xi32> to vector<16xi32>
          %swap3A_419 = vector.shape_cast %select_n3A_415 : vector<16xi32> to vector<16xi32>
          tpu.vector_store %arg9[%swap3A_416], %swap3A_419 {strides = array<i32>} : memref<272xi32, #tpu.memory_space<vmem>>, vector<16xi32>,
        } else {
        }
        %add3A_357 = arith.addi %add3A_349, %squeeze3A_351 : i32
        %slice3A_358 = vector.extract_strided_slice %select_n3A_213 {offsets = [10], sizes = [1], strides = [1]} : vector<16xi32> to vector<1xi32>
        %squeeze3A_359 = vector.extract %slice3A_358[0] : i32 from vector<1xi32>
        %gt3A_360 = arith.constant 0 : i32
        %gt3A_361 = arith.cmpi sgt, %squeeze3A_359, %gt3A_360 : i32
        %convert_element_type3A_362 = arith.extui %gt3A_361 : i1 to i32
        %cond3A_363 = arith.constant 0 : i32
        %cond3A_364 = arith.cmpi ne, %convert_element_type3A_362, %cond3A_363 : i32
        scf.if %cond3A_364 {
          %get3A_406 = arith.index_cast %add3A_357 : i32 to index
          %get3A_407 = tpu.vector_load %arg9[%get3A_406] {strides = array<i32>} : memref<272xi32, #tpu.memory_space<vmem>>, vector<16xi32>,
          %get3A_408 = vector.shape_cast %get3A_407 : vector<16xi32> to vector<16xi32>
          %eq3A = arith.constant 0 : i32
          %eq3A_409 = vector.broadcast %eq3A : i32 to vector<16xi32>
          %eq3A_410 = arith.cmpi eq, %iota3A, %eq3A_409 : vector<16xi32>
          %add3A_411 = arith.addi %mul3A_2, %add3A_110 : i32
          %add3A_412 = arith.constant 10 : i32
          %add3A_413 = arith.addi %add3A_411, %add3A_412 : i32
          %broadcast_in_dim3A_414 = vector.broadcast %add3A_413 : i32 to vector<16xi32>
          %select_n3A_415 = arith.select %eq3A_410, %broadcast_in_dim3A_414, %get3A_408 : vector<16xi1>, vector<16xi32>
          %swap3A_416 = arith.index_cast %add3A_357 : i32 to index
          %swap3A_417 = tpu.vector_load %arg9[%swap3A_416] {strides = array<i32>} : memref<272xi32, #tpu.memory_space<vmem>>, vector<16xi32>,
          %swap3A_418 = vector.shape_cast %swap3A_417 : vector<16xi32> to vector<16xi32>
          %swap3A_419 = vector.shape_cast %select_n3A_415 : vector<16xi32> to vector<16xi32>
          tpu.vector_store %arg9[%swap3A_416], %swap3A_419 {strides = array<i32>} : memref<272xi32, #tpu.memory_space<vmem>>, vector<16xi32>,
        } else {
        }
        %add3A_365 = arith.addi %add3A_357, %squeeze3A_359 : i32
        %slice3A_366 = vector.extract_strided_slice %select_n3A_213 {offsets = [11], sizes = [1], strides = [1]} : vector<16xi32> to vector<1xi32>
        %squeeze3A_367 = vector.extract %slice3A_366[0] : i32 from vector<1xi32>
        %gt3A_368 = arith.constant 0 : i32
        %gt3A_369 = arith.cmpi sgt, %squeeze3A_367, %gt3A_368 : i32
        %convert_element_type3A_370 = arith.extui %gt3A_369 : i1 to i32
        %cond3A_371 = arith.constant 0 : i32
        %cond3A_372 = arith.cmpi ne, %convert_element_type3A_370, %cond3A_371 : i32
        scf.if %cond3A_372 {
          %get3A_406 = arith.index_cast %add3A_365 : i32 to index
          %get3A_407 = tpu.vector_load %arg9[%get3A_406] {strides = array<i32>} : memref<272xi32, #tpu.memory_space<vmem>>, vector<16xi32>,
          %get3A_408 = vector.shape_cast %get3A_407 : vector<16xi32> to vector<16xi32>
          %eq3A = arith.constant 0 : i32
          %eq3A_409 = vector.broadcast %eq3A : i32 to vector<16xi32>
          %eq3A_410 = arith.cmpi eq, %iota3A, %eq3A_409 : vector<16xi32>
          %add3A_411 = arith.addi %mul3A_2, %add3A_110 : i32
          %add3A_412 = arith.constant 11 : i32
          %add3A_413 = arith.addi %add3A_411, %add3A_412 : i32
          %broadcast_in_dim3A_414 = vector.broadcast %add3A_413 : i32 to vector<16xi32>
          %select_n3A_415 = arith.select %eq3A_410, %broadcast_in_dim3A_414, %get3A_408 : vector<16xi1>, vector<16xi32>
          %swap3A_416 = arith.index_cast %add3A_365 : i32 to index
          %swap3A_417 = tpu.vector_load %arg9[%swap3A_416] {strides = array<i32>} : memref<272xi32, #tpu.memory_space<vmem>>, vector<16xi32>,
          %swap3A_418 = vector.shape_cast %swap3A_417 : vector<16xi32> to vector<16xi32>
          %swap3A_419 = vector.shape_cast %select_n3A_415 : vector<16xi32> to vector<16xi32>
          tpu.vector_store %arg9[%swap3A_416], %swap3A_419 {strides = array<i32>} : memref<272xi32, #tpu.memory_space<vmem>>, vector<16xi32>,
        } else {
        }
        %add3A_373 = arith.addi %add3A_365, %squeeze3A_367 : i32
        %slice3A_374 = vector.extract_strided_slice %select_n3A_213 {offsets = [12], sizes = [1], strides = [1]} : vector<16xi32> to vector<1xi32>
        %squeeze3A_375 = vector.extract %slice3A_374[0] : i32 from vector<1xi32>
        %gt3A_376 = arith.constant 0 : i32
        %gt3A_377 = arith.cmpi sgt, %squeeze3A_375, %gt3A_376 : i32
        %convert_element_type3A_378 = arith.extui %gt3A_377 : i1 to i32
        %cond3A_379 = arith.constant 0 : i32
        %cond3A_380 = arith.cmpi ne, %convert_element_type3A_378, %cond3A_379 : i32
        scf.if %cond3A_380 {
          %get3A_406 = arith.index_cast %add3A_373 : i32 to index
          %get3A_407 = tpu.vector_load %arg9[%get3A_406] {strides = array<i32>} : memref<272xi32, #tpu.memory_space<vmem>>, vector<16xi32>,
          %get3A_408 = vector.shape_cast %get3A_407 : vector<16xi32> to vector<16xi32>
          %eq3A = arith.constant 0 : i32
          %eq3A_409 = vector.broadcast %eq3A : i32 to vector<16xi32>
          %eq3A_410 = arith.cmpi eq, %iota3A, %eq3A_409 : vector<16xi32>
          %add3A_411 = arith.addi %mul3A_2, %add3A_110 : i32
          %add3A_412 = arith.constant 12 : i32
          %add3A_413 = arith.addi %add3A_411, %add3A_412 : i32
          %broadcast_in_dim3A_414 = vector.broadcast %add3A_413 : i32 to vector<16xi32>
          %select_n3A_415 = arith.select %eq3A_410, %broadcast_in_dim3A_414, %get3A_408 : vector<16xi1>, vector<16xi32>
          %swap3A_416 = arith.index_cast %add3A_373 : i32 to index
          %swap3A_417 = tpu.vector_load %arg9[%swap3A_416] {strides = array<i32>} : memref<272xi32, #tpu.memory_space<vmem>>, vector<16xi32>,
          %swap3A_418 = vector.shape_cast %swap3A_417 : vector<16xi32> to vector<16xi32>
          %swap3A_419 = vector.shape_cast %select_n3A_415 : vector<16xi32> to vector<16xi32>
          tpu.vector_store %arg9[%swap3A_416], %swap3A_419 {strides = array<i32>} : memref<272xi32, #tpu.memory_space<vmem>>, vector<16xi32>,
        } else {
        }
        %add3A_381 = arith.addi %add3A_373, %squeeze3A_375 : i32
        %slice3A_382 = vector.extract_strided_slice %select_n3A_213 {offsets = [13], sizes = [1], strides = [1]} : vector<16xi32> to vector<1xi32>
        %squeeze3A_383 = vector.extract %slice3A_382[0] : i32 from vector<1xi32>
        %gt3A_384 = arith.constant 0 : i32
        %gt3A_385 = arith.cmpi sgt, %squeeze3A_383, %gt3A_384 : i32
        %convert_element_type3A_386 = arith.extui %gt3A_385 : i1 to i32
        %cond3A_387 = arith.constant 0 : i32
        %cond3A_388 = arith.cmpi ne, %convert_element_type3A_386, %cond3A_387 : i32
        scf.if %cond3A_388 {
          %get3A_406 = arith.index_cast %add3A_381 : i32 to index
          %get3A_407 = tpu.vector_load %arg9[%get3A_406] {strides = array<i32>} : memref<272xi32, #tpu.memory_space<vmem>>, vector<16xi32>,
          %get3A_408 = vector.shape_cast %get3A_407 : vector<16xi32> to vector<16xi32>
          %eq3A = arith.constant 0 : i32
          %eq3A_409 = vector.broadcast %eq3A : i32 to vector<16xi32>
          %eq3A_410 = arith.cmpi eq, %iota3A, %eq3A_409 : vector<16xi32>
          %add3A_411 = arith.addi %mul3A_2, %add3A_110 : i32
          %add3A_412 = arith.constant 13 : i32
          %add3A_413 = arith.addi %add3A_411, %add3A_412 : i32
          %broadcast_in_dim3A_414 = vector.broadcast %add3A_413 : i32 to vector<16xi32>
          %select_n3A_415 = arith.select %eq3A_410, %broadcast_in_dim3A_414, %get3A_408 : vector<16xi1>, vector<16xi32>
          %swap3A_416 = arith.index_cast %add3A_381 : i32 to index
          %swap3A_417 = tpu.vector_load %arg9[%swap3A_416] {strides = array<i32>} : memref<272xi32, #tpu.memory_space<vmem>>, vector<16xi32>,
          %swap3A_418 = vector.shape_cast %swap3A_417 : vector<16xi32> to vector<16xi32>
          %swap3A_419 = vector.shape_cast %select_n3A_415 : vector<16xi32> to vector<16xi32>
          tpu.vector_store %arg9[%swap3A_416], %swap3A_419 {strides = array<i32>} : memref<272xi32, #tpu.memory_space<vmem>>, vector<16xi32>,
        } else {
        }
        %add3A_389 = arith.addi %add3A_381, %squeeze3A_383 : i32
        %slice3A_390 = vector.extract_strided_slice %select_n3A_213 {offsets = [14], sizes = [1], strides = [1]} : vector<16xi32> to vector<1xi32>
        %squeeze3A_391 = vector.extract %slice3A_390[0] : i32 from vector<1xi32>
        %gt3A_392 = arith.constant 0 : i32
        %gt3A_393 = arith.cmpi sgt, %squeeze3A_391, %gt3A_392 : i32
        %convert_element_type3A_394 = arith.extui %gt3A_393 : i1 to i32
        %cond3A_395 = arith.constant 0 : i32
        %cond3A_396 = arith.cmpi ne, %convert_element_type3A_394, %cond3A_395 : i32
        scf.if %cond3A_396 {
          %get3A_406 = arith.index_cast %add3A_389 : i32 to index
          %get3A_407 = tpu.vector_load %arg9[%get3A_406] {strides = array<i32>} : memref<272xi32, #tpu.memory_space<vmem>>, vector<16xi32>,
          %get3A_408 = vector.shape_cast %get3A_407 : vector<16xi32> to vector<16xi32>
          %eq3A = arith.constant 0 : i32
          %eq3A_409 = vector.broadcast %eq3A : i32 to vector<16xi32>
          %eq3A_410 = arith.cmpi eq, %iota3A, %eq3A_409 : vector<16xi32>
          %add3A_411 = arith.addi %mul3A_2, %add3A_110 : i32
          %add3A_412 = arith.constant 14 : i32
          %add3A_413 = arith.addi %add3A_411, %add3A_412 : i32
          %broadcast_in_dim3A_414 = vector.broadcast %add3A_413 : i32 to vector<16xi32>
          %select_n3A_415 = arith.select %eq3A_410, %broadcast_in_dim3A_414, %get3A_408 : vector<16xi1>, vector<16xi32>
          %swap3A_416 = arith.index_cast %add3A_389 : i32 to index
          %swap3A_417 = tpu.vector_load %arg9[%swap3A_416] {strides = array<i32>} : memref<272xi32, #tpu.memory_space<vmem>>, vector<16xi32>,
          %swap3A_418 = vector.shape_cast %swap3A_417 : vector<16xi32> to vector<16xi32>
          %swap3A_419 = vector.shape_cast %select_n3A_415 : vector<16xi32> to vector<16xi32>
          tpu.vector_store %arg9[%swap3A_416], %swap3A_419 {strides = array<i32>} : memref<272xi32, #tpu.memory_space<vmem>>, vector<16xi32>,
        } else {
        }
        %add3A_397 = arith.addi %add3A_389, %squeeze3A_391 : i32
        %slice3A_398 = vector.extract_strided_slice %select_n3A_213 {offsets = [15], sizes = [1], strides = [1]} : vector<16xi32> to vector<1xi32>
        %squeeze3A_399 = vector.extract %slice3A_398[0] : i32 from vector<1xi32>
        %gt3A_400 = arith.constant 0 : i32
        %gt3A_401 = arith.cmpi sgt, %squeeze3A_399, %gt3A_400 : i32
        %convert_element_type3A_402 = arith.extui %gt3A_401 : i1 to i32
        %cond3A_403 = arith.constant 0 : i32
        %cond3A_404 = arith.cmpi ne, %convert_element_type3A_402, %cond3A_403 : i32
        scf.if %cond3A_404 {
          %get3A_406 = arith.index_cast %add3A_397 : i32 to index
          %get3A_407 = tpu.vector_load %arg9[%get3A_406] {strides = array<i32>} : memref<272xi32, #tpu.memory_space<vmem>>, vector<16xi32>,
          %get3A_408 = vector.shape_cast %get3A_407 : vector<16xi32> to vector<16xi32>
          %eq3A = arith.constant 0 : i32
          %eq3A_409 = vector.broadcast %eq3A : i32 to vector<16xi32>
          %eq3A_410 = arith.cmpi eq, %iota3A, %eq3A_409 : vector<16xi32>
          %add3A_411 = arith.addi %mul3A_2, %add3A_110 : i32
          %add3A_412 = arith.constant 15 : i32
          %add3A_413 = arith.addi %add3A_411, %add3A_412 : i32
          %broadcast_in_dim3A_414 = vector.broadcast %add3A_413 : i32 to vector<16xi32>
          %select_n3A_415 = arith.select %eq3A_410, %broadcast_in_dim3A_414, %get3A_408 : vector<16xi1>, vector<16xi32>
          %swap3A_416 = arith.index_cast %add3A_397 : i32 to index
          %swap3A_417 = tpu.vector_load %arg9[%swap3A_416] {strides = array<i32>} : memref<272xi32, #tpu.memory_space<vmem>>, vector<16xi32>,
          %swap3A_418 = vector.shape_cast %swap3A_417 : vector<16xi32> to vector<16xi32>
          %swap3A_419 = vector.shape_cast %select_n3A_415 : vector<16xi32> to vector<16xi32>
          tpu.vector_store %arg9[%swap3A_416], %swap3A_419 {strides = array<i32>} : memref<272xi32, #tpu.memory_space<vmem>>, vector<16xi32>,
        } else {
        }
        %add3A_405 = arith.addi %add3A_397, %squeeze3A_399 : i32
      } else {
      }
      %add3A_277 = arith.addi %add3A_195, %squeeze3A_271 : i32
      scf.yield %add3A_277 : i32
    }
    %scan3A_102 = arith.constant 8 : i32
    %gt3A = arith.constant 0 : i32
    %gt3A_103 = arith.cmpi sgt, %scan3A_101, %gt3A : i32
    %convert_element_type3A = arith.extui %gt3A_103 : i1 to i32
    %cond3A = arith.constant 0 : i32
    %cond3A_104 = arith.cmpi ne, %convert_element_type3A, %cond3A : i32
    scf.if %cond3A_104 {
      %add3A_105 = arith.constant 15 : i32
      %add3A_106 = arith.addi %scan3A_101, %add3A_105 : i32
      %jit3A = arith.constant 16 : i32
      %div3A = arith.divsi %add3A_106, %jit3A : i32
      %sign3A = arith.constant 0 : i32
      %sign3A_107 = arith.cmpi sgt, %add3A_106, %sign3A : i32
      %sign3A_108 = arith.extui %sign3A_107 : i1 to i32
      %sign3A_109 = arith.constant 0 : i32
      %sign3A_110 = arith.cmpi slt, %add3A_106, %sign3A_109 : i32
      %sign3A_111 = arith.extui %sign3A_110 : i1 to i32
      %sign3A_112 = arith.subi %sign3A_108, %sign3A_111 : i32
      %sign3A_113 = arith.constant 0 : i32
      %sign3A_114 = arith.cmpi sgt, %jit3A, %sign3A_113 : i32
      %sign3A_115 = arith.extui %sign3A_114 : i1 to i32
      %sign3A_116 = arith.constant 0 : i32
      %sign3A_117 = arith.cmpi slt, %jit3A, %sign3A_116 : i32
      %sign3A_118 = arith.extui %sign3A_117 : i1 to i32
      %sign3A_119 = arith.subi %sign3A_115, %sign3A_118 : i32
      %ne3A = arith.cmpi ne, %sign3A_112, %sign3A_119 : i32
      %rem3A = arith.remsi %add3A_106, %jit3A : i32
      %ne3A_120 = arith.constant 0 : i32
      %ne3A_121 = arith.cmpi ne, %rem3A, %ne3A_120 : i32
      %and3A = arith.andi %ne3A, %ne3A_121 : i1
      %sub3A = arith.constant 1 : i32
      %sub3A_122 = arith.subi %div3A, %sub3A : i32
      %select_n3A = arith.select %and3A, %sub3A_122, %div3A : i32
      %while3A = arith.constant 0 : i32
      %while3A_123 = arith.constant 0 : i32
      %while3A_124 = arith.subi %select_n3A, %while3A_123 : i32
      %while3A_125 = arith.addi %while3A_123, %while3A_124 : i32
      %while3A_126 = arith.constant 1 : i32
      %while3A_127 = arith.divsi %while3A_124, %while3A_126 : i32
      %while3A_128 = arith.muli %while3A_127, %while3A_126 : i32
      %while3A_129 = arith.addi %while3A_123, %while3A_128 : i32
      %while3A_130 = arith.constant 1 : i32
      scf.for %while3A_132 = %while3A_123 to %while3A_129 step %while3A_130  : i32 {
        %mul3A_133 = arith.constant 16 : i32
        %mul3A_134 = arith.muli %while3A_132, %mul3A_133 : i32
        %dma_start3A_135 = tpu.memref_slice %arg9[%mul3A_134] : memref<272xi32, #tpu.memory_space<vmem>> -> memref<16xi32, #tpu.memory_space<vmem>>
        %dma_start3A_136 = arith.constant 0 : i32
        %dma_start3A_137 = arith.constant 0 : i32
        %dma_start3A_138 = tpu.memref_slice %arg3[%dma_start3A_136, %dma_start3A_137] : memref<8192x2048xf32, #tpu.memory_space<hbm>> -> memref<8192x2048xf32, #tpu.memory_space<hbm>>
        tpu.enqueue_indirect_dma source(%dma_start3A_138 : memref<8192x2048xf32, #tpu.memory_space<hbm>>) target(%arg10 : memref<16x2048xf32, #tpu.memory_space<vmem>>) offsets(%dma_start3A_135 : memref<16xi32, #tpu.memory_space<vmem>>) semaphore(%arg11 : memref<!tpu.dma_semaphore, #tpu.memory_space<semaphore_mem>>)
        %dma_wait3A_139 = tpu.memref_slice %arg9[%mul3A_134] : memref<272xi32, #tpu.memory_space<vmem>> -> memref<16xi32, #tpu.memory_space<vmem>>
        %dma_wait3A_140 = arith.constant 0 : i32
        %dma_wait3A_141 = arith.constant 0 : i32
        %dma_wait3A_142 = tpu.memref_slice %arg3[%dma_wait3A_140, %dma_wait3A_141] : memref<8192x2048xf32, #tpu.memory_space<hbm>> -> memref<8192x2048xf32, #tpu.memory_space<hbm>>
        tpu.wait_indirect_dma semaphore(%arg11 : memref<!tpu.dma_semaphore, #tpu.memory_space<semaphore_mem>>) src(%dma_wait3A_142 : memref<8192x2048xf32, #tpu.memory_space<hbm>>) dst(%arg10 : memref<16x2048xf32, #tpu.memory_space<vmem>>)
        %scan3A_143 = arith.constant 0 : i32
        %scan3A_144 = arith.constant 0 : i32
        %scan3A_145 = arith.constant 16 : i32
        %scan3A_146 = arith.addi %scan3A_144, %scan3A_145 : i32
        %scan3A_147 = arith.constant 1 : i32
        scf.for %scan3A_149 = %scan3A_144 to %scan3A_146 step %scan3A_147  : i32 {
          %mul3A_150 = arith.constant 16 : i32
          %mul3A_151 = arith.muli %while3A_132, %mul3A_150 : i32
          %add3A_152 = arith.addi %mul3A_151, %scan3A_149 : i32
          %lt3A = arith.cmpi slt, %add3A_152, %scan3A_101 : i32
          %convert_element_type3A_153 = arith.extui %lt3A : i1 to i32
          %cond3A_154 = arith.constant 0 : i32
          %cond3A_155 = arith.cmpi ne, %convert_element_type3A_153, %cond3A_154 : i32
          scf.if %cond3A_155 {
            %mul3A_156 = arith.constant 16 : i32
            %mul3A_157 = arith.muli %while3A_132, %mul3A_156 : i32
            %add3A_158 = arith.addi %mul3A_157, %scan3A_149 : i32
            %get3A = arith.index_cast %add3A_158 : i32 to index
            %get3A_159 = tpu.vector_load %arg9[%get3A] {strides = array<i32>} : memref<272xi32, #tpu.memory_space<vmem>>, vector<16xi32>,
            %get3A_160 = vector.shape_cast %get3A_159 : vector<16xi32> to vector<16xi32>
            %slice3A = vector.extract_strided_slice %get3A_160 {offsets = [0], sizes = [1], strides = [1]} : vector<16xi32> to vector<1xi32>
            %squeeze3A = vector.extract %slice3A[0] : i32 from vector<1xi32>
            %sub3A_161 = arith.subi %squeeze3A, %mul3A_2 : i32
            %jit3A_162 = arith.constant 16 : i32
            %div3A_163 = arith.divsi %sub3A_161, %jit3A_162 : i32
            %sign3A_164 = arith.constant 0 : i32
            %sign3A_165 = arith.cmpi sgt, %sub3A_161, %sign3A_164 : i32
            %sign3A_166 = arith.extui %sign3A_165 : i1 to i32
            %sign3A_167 = arith.constant 0 : i32
            %sign3A_168 = arith.cmpi slt, %sub3A_161, %sign3A_167 : i32
            %sign3A_169 = arith.extui %sign3A_168 : i1 to i32
            %sign3A_170 = arith.subi %sign3A_166, %sign3A_169 : i32
            %sign3A_171 = arith.constant 0 : i32
            %sign3A_172 = arith.cmpi sgt, %jit3A_162, %sign3A_171 : i32
            %sign3A_173 = arith.extui %sign3A_172 : i1 to i32
            %sign3A_174 = arith.constant 0 : i32
            %sign3A_175 = arith.cmpi slt, %jit3A_162, %sign3A_174 : i32
            %sign3A_176 = arith.extui %sign3A_175 : i1 to i32
            %sign3A_177 = arith.subi %sign3A_173, %sign3A_176 : i32
            %ne3A_178 = arith.cmpi ne, %sign3A_170, %sign3A_177 : i32
            %rem3A_179 = arith.remsi %sub3A_161, %jit3A_162 : i32
            %ne3A_180 = arith.constant 0 : i32
            %ne3A_181 = arith.cmpi ne, %rem3A_179, %ne3A_180 : i32
            %and3A_182 = arith.andi %ne3A_178, %ne3A_181 : i1
            %sub3A_183 = arith.constant 1 : i32
            %sub3A_184 = arith.subi %div3A_163, %sub3A_183 : i32
            %select_n3A_185 = arith.select %and3A_182, %sub3A_184, %div3A_163 : i32
            %mul3A_186 = arith.constant 16 : i32
            %mul3A_187 = arith.muli %select_n3A_185, %mul3A_186 : i32
            %sub3A_188 = arith.subi %sub3A_161, %mul3A_187 : i32
            %eq3A = vector.broadcast %sub3A_188 : i32 to vector<16xi32>
            %eq3A_189 = arith.cmpi eq, %iota3A, %eq3A : vector<16xi32>
            %get3A_190 = arith.index_cast %mul3A_187 : i32 to index
            %get3A_191 = tpu.vector_load %arg7[%get3A_190] {strides = array<i32>} : memref<256xf32, #tpu.memory_space<vmem>>, vector<16xf32>,
            %get3A_192 = vector.shape_cast %get3A_191 : vector<16xf32> to vector<16xf32>
            %select_n3A_193 = arith.select %eq3A_189, %get3A_192, %broadcast_in_dim3A_14 : vector<16xi1>, vector<16xf32>
            %xor3A = arith.constant 1 : i32
            %xor3A_194 = vector.broadcast %xor3A : i32 to vector<16xi32>
            %xor3A_195 = arith.xori %iota3A, %xor3A_194 : vector<16xi32>
            %lt3A_196 = arith.constant 0 : i32
            %lt3A_197 = vector.broadcast %lt3A_196 : i32 to vector<16xi32>
            %lt3A_198 = arith.cmpi slt, %xor3A_195, %lt3A_197 : vector<16xi32>
            %add3A_199 = arith.constant 16 : i32
            %add3A_200 = vector.broadcast %add3A_199 : i32 to vector<16xi32>
            %add3A_201 = arith.addi %xor3A_195, %add3A_200 : vector<16xi32>
            %select_n3A_202 = arith.select %lt3A_198, %add3A_201, %xor3A_195 : vector<16xi1>, vector<16xi32>
            %broadcast_in_dim3A_203 = vector.shape_cast %select_n3A_202 : vector<16xi32> to vector<16x1xi32>
            %gather3A = vector.shape_cast %broadcast_in_dim3A_203 : vector<16x1xi32> to vector<16xi32>
            %gather3A_204 = tpu.dynamic_gather %select_n3A_193[%gather3A] in [0] : vector<16xf32>, vector<16xi32> -> vector<16xf32>
            %max3A = arith.maximumf %select_n3A_193, %gather3A_204 : vector<16xf32>
            %xor3A_205 = arith.constant 2 : i32
            %xor3A_206 = vector.broadcast %xor3A_205 : i32 to vector<16xi32>
            %xor3A_207 = arith.xori %iota3A, %xor3A_206 : vector<16xi32>
            %lt3A_208 = arith.constant 0 : i32
            %lt3A_209 = vector.broadcast %lt3A_208 : i32 to vector<16xi32>
            %lt3A_210 = arith.cmpi slt, %xor3A_207, %lt3A_209 : vector<16xi32>
            %add3A_211 = arith.constant 16 : i32
            %add3A_212 = vector.broadcast %add3A_211 : i32 to vector<16xi32>
            %add3A_213 = arith.addi %xor3A_207, %add3A_212 : vector<16xi32>
            %select_n3A_214 = arith.select %lt3A_210, %add3A_213, %xor3A_207 : vector<16xi1>, vector<16xi32>
            %broadcast_in_dim3A_215 = vector.shape_cast %select_n3A_214 : vector<16xi32> to vector<16x1xi32>
            %gather3A_216 = vector.shape_cast %broadcast_in_dim3A_215 : vector<16x1xi32> to vector<16xi32>
            %gather3A_217 = tpu.dynamic_gather %max3A[%gather3A_216] in [0] : vector<16xf32>, vector<16xi32> -> vector<16xf32>
            %max3A_218 = arith.maximumf %max3A, %gather3A_217 : vector<16xf32>
            %xor3A_219 = arith.constant 4 : i32
            %xor3A_220 = vector.broadcast %xor3A_219 : i32 to vector<16xi32>
            %xor3A_221 = arith.xori %iota3A, %xor3A_220 : vector<16xi32>
            %lt3A_222 = arith.constant 0 : i32
            %lt3A_223 = vector.broadcast %lt3A_222 : i32 to vector<16xi32>
            %lt3A_224 = arith.cmpi slt, %xor3A_221, %lt3A_223 : vector<16xi32>
            %add3A_225 = arith.constant 16 : i32
            %add3A_226 = vector.broadcast %add3A_225 : i32 to vector<16xi32>
            %add3A_227 = arith.addi %xor3A_221, %add3A_226 : vector<16xi32>
            %select_n3A_228 = arith.select %lt3A_224, %add3A_227, %xor3A_221 : vector<16xi1>, vector<16xi32>
            %broadcast_in_dim3A_229 = vector.shape_cast %select_n3A_228 : vector<16xi32> to vector<16x1xi32>
            %gather3A_230 = vector.shape_cast %broadcast_in_dim3A_229 : vector<16x1xi32> to vector<16xi32>
            %gather3A_231 = tpu.dynamic_gather %max3A_218[%gather3A_230] in [0] : vector<16xf32>, vector<16xi32> -> vector<16xf32>
            %max3A_232 = arith.maximumf %max3A_218, %gather3A_231 : vector<16xf32>
            %xor3A_233 = arith.constant 8 : i32
            %xor3A_234 = vector.broadcast %xor3A_233 : i32 to vector<16xi32>
            %xor3A_235 = arith.xori %iota3A, %xor3A_234 : vector<16xi32>
            %lt3A_236 = arith.constant 0 : i32
            %lt3A_237 = vector.broadcast %lt3A_236 : i32 to vector<16xi32>
            %lt3A_238 = arith.cmpi slt, %xor3A_235, %lt3A_237 : vector<16xi32>
            %add3A_239 = arith.constant 16 : i32
            %add3A_240 = vector.broadcast %add3A_239 : i32 to vector<16xi32>
            %add3A_241 = arith.addi %xor3A_235, %add3A_240 : vector<16xi32>
            %select_n3A_242 = arith.select %lt3A_238, %add3A_241, %xor3A_235 : vector<16xi1>, vector<16xi32>
            %broadcast_in_dim3A_243 = vector.shape_cast %select_n3A_242 : vector<16xi32> to vector<16x1xi32>
            %gather3A_244 = vector.shape_cast %broadcast_in_dim3A_243 : vector<16x1xi32> to vector<16xi32>
            %gather3A_245 = tpu.dynamic_gather %max3A_232[%gather3A_244] in [0] : vector<16xf32>, vector<16xi32> -> vector<16xf32>
            %max3A_246 = arith.maximumf %max3A_232, %gather3A_245 : vector<16xf32>
            %scan3A_247 = arith.constant 0 : i32
            %scan3A_248 = arith.constant 16 : i32
            %scan3A_249 = arith.addi %scan3A_247, %scan3A_248 : i32
            %scan3A_250 = arith.constant 1 : i32
            %scan3A_251:2 = scf.for %scan3A_391 = %scan3A_247 to %scan3A_249 step %scan3A_250 iter_args(%scan3A_392 = %broadcast_in_dim3A_16, %scan3A_393 = %broadcast_in_dim3A_12) -> (vector<16xi32>, vector<16xf32>)  : i32 {
              %mul3A_394 = arith.constant 8 : i32
              %mul3A_395 = arith.muli %scan3A_391, %mul3A_394 : i32
              %add3A_396 = arith.constant 0 : i32
              %add3A_397 = arith.addi %mul3A_395, %add3A_396 : i32
              %mul3A_398 = arith.constant 16 : i32
              %mul3A_399 = arith.muli %add3A_397, %mul3A_398 : i32
              %get3A_400 = arith.index_cast %scan3A_149 : i32 to index
              %get3A_401 = arith.index_cast %mul3A_399 : i32 to index
              %get3A_402 = tpu.vector_load %arg10[%get3A_400, %get3A_401] {strides = array<i32>} : memref<16x2048xf32, #tpu.memory_space<vmem>>, vector<1x16xf32>,
              %get3A_403 = vector.shape_cast %get3A_402 : vector<1x16xf32> to vector<16xf32>
              %le3A = arith.cmpf ole, %get3A_403, %max3A_246 : vector<16xf32>
              %broadcast_in_dim3A_404 = vector.broadcast %add3A_397 : i32 to vector<16xi32>
              %select_n3A_405 = arith.select %le3A, %broadcast_in_dim3A_404, %scan3A_392 : vector<16xi1>, vector<16xi32>
              %select_n3A_406 = arith.select %le3A, %get3A_403, %scan3A_393 : vector<16xi1>, vector<16xf32>
              %mul3A_407 = arith.constant 8 : i32
              %mul3A_408 = arith.muli %scan3A_391, %mul3A_407 : i32
              %add3A_409 = arith.constant 1 : i32
              %add3A_410 = arith.addi %mul3A_408, %add3A_409 : i32
              %mul3A_411 = arith.constant 16 : i32
              %mul3A_412 = arith.muli %add3A_410, %mul3A_411 : i32
              %get3A_413 = arith.index_cast %scan3A_149 : i32 to index
              %get3A_414 = arith.index_cast %mul3A_412 : i32 to index
              %get3A_415 = tpu.vector_load %arg10[%get3A_413, %get3A_414] {strides = array<i32>} : memref<16x2048xf32, #tpu.memory_space<vmem>>, vector<1x16xf32>,
              %get3A_416 = vector.shape_cast %get3A_415 : vector<1x16xf32> to vector<16xf32>
              %le3A_417 = arith.cmpf ole, %get3A_416, %max3A_246 : vector<16xf32>
              %broadcast_in_dim3A_418 = vector.broadcast %add3A_410 : i32 to vector<16xi32>
              %select_n3A_419 = arith.select %le3A_417, %broadcast_in_dim3A_418, %select_n3A_405 : vector<16xi1>, vector<16xi32>
              %select_n3A_420 = arith.select %le3A_417, %get3A_416, %select_n3A_406 : vector<16xi1>, vector<16xf32>
              %mul3A_421 = arith.constant 8 : i32
              %mul3A_422 = arith.muli %scan3A_391, %mul3A_421 : i32
              %add3A_423 = arith.constant 2 : i32
              %add3A_424 = arith.addi %mul3A_422, %add3A_423 : i32
              %mul3A_425 = arith.constant 16 : i32
              %mul3A_426 = arith.muli %add3A_424, %mul3A_425 : i32
              %get3A_427 = arith.index_cast %scan3A_149 : i32 to index
              %get3A_428 = arith.index_cast %mul3A_426 : i32 to index
              %get3A_429 = tpu.vector_load %arg10[%get3A_427, %get3A_428] {strides = array<i32>} : memref<16x2048xf32, #tpu.memory_space<vmem>>, vector<1x16xf32>,
              %get3A_430 = vector.shape_cast %get3A_429 : vector<1x16xf32> to vector<16xf32>
              %le3A_431 = arith.cmpf ole, %get3A_430, %max3A_246 : vector<16xf32>
              %broadcast_in_dim3A_432 = vector.broadcast %add3A_424 : i32 to vector<16xi32>
              %select_n3A_433 = arith.select %le3A_431, %broadcast_in_dim3A_432, %select_n3A_419 : vector<16xi1>, vector<16xi32>
              %select_n3A_434 = arith.select %le3A_431, %get3A_430, %select_n3A_420 : vector<16xi1>, vector<16xf32>
              %mul3A_435 = arith.constant 8 : i32
              %mul3A_436 = arith.muli %scan3A_391, %mul3A_435 : i32
              %add3A_437 = arith.constant 3 : i32
              %add3A_438 = arith.addi %mul3A_436, %add3A_437 : i32
              %mul3A_439 = arith.constant 16 : i32
              %mul3A_440 = arith.muli %add3A_438, %mul3A_439 : i32
              %get3A_441 = arith.index_cast %scan3A_149 : i32 to index
              %get3A_442 = arith.index_cast %mul3A_440 : i32 to index
              %get3A_443 = tpu.vector_load %arg10[%get3A_441, %get3A_442] {strides = array<i32>} : memref<16x2048xf32, #tpu.memory_space<vmem>>, vector<1x16xf32>,
              %get3A_444 = vector.shape_cast %get3A_443 : vector<1x16xf32> to vector<16xf32>
              %le3A_445 = arith.cmpf ole, %get3A_444, %max3A_246 : vector<16xf32>
              %broadcast_in_dim3A_446 = vector.broadcast %add3A_438 : i32 to vector<16xi32>
              %select_n3A_447 = arith.select %le3A_445, %broadcast_in_dim3A_446, %select_n3A_433 : vector<16xi1>, vector<16xi32>
              %select_n3A_448 = arith.select %le3A_445, %get3A_444, %select_n3A_434 : vector<16xi1>, vector<16xf32>
              %mul3A_449 = arith.constant 8 : i32
              %mul3A_450 = arith.muli %scan3A_391, %mul3A_449 : i32
              %add3A_451 = arith.constant 4 : i32
              %add3A_452 = arith.addi %mul3A_450, %add3A_451 : i32
              %mul3A_453 = arith.constant 16 : i32
              %mul3A_454 = arith.muli %add3A_452, %mul3A_453 : i32
              %get3A_455 = arith.index_cast %scan3A_149 : i32 to index
              %get3A_456 = arith.index_cast %mul3A_454 : i32 to index
              %get3A_457 = tpu.vector_load %arg10[%get3A_455, %get3A_456] {strides = array<i32>} : memref<16x2048xf32, #tpu.memory_space<vmem>>, vector<1x16xf32>,
              %get3A_458 = vector.shape_cast %get3A_457 : vector<1x16xf32> to vector<16xf32>
              %le3A_459 = arith.cmpf ole, %get3A_458, %max3A_246 : vector<16xf32>
              %broadcast_in_dim3A_460 = vector.broadcast %add3A_452 : i32 to vector<16xi32>
              %select_n3A_461 = arith.select %le3A_459, %broadcast_in_dim3A_460, %select_n3A_447 : vector<16xi1>, vector<16xi32>
              %select_n3A_462 = arith.select %le3A_459, %get3A_458, %select_n3A_448 : vector<16xi1>, vector<16xf32>
              %mul3A_463 = arith.constant 8 : i32
              %mul3A_464 = arith.muli %scan3A_391, %mul3A_463 : i32
              %add3A_465 = arith.constant 5 : i32
              %add3A_466 = arith.addi %mul3A_464, %add3A_465 : i32
              %mul3A_467 = arith.constant 16 : i32
              %mul3A_468 = arith.muli %add3A_466, %mul3A_467 : i32
              %get3A_469 = arith.index_cast %scan3A_149 : i32 to index
              %get3A_470 = arith.index_cast %mul3A_468 : i32 to index
              %get3A_471 = tpu.vector_load %arg10[%get3A_469, %get3A_470] {strides = array<i32>} : memref<16x2048xf32, #tpu.memory_space<vmem>>, vector<1x16xf32>,
              %get3A_472 = vector.shape_cast %get3A_471 : vector<1x16xf32> to vector<16xf32>
              %le3A_473 = arith.cmpf ole, %get3A_472, %max3A_246 : vector<16xf32>
              %broadcast_in_dim3A_474 = vector.broadcast %add3A_466 : i32 to vector<16xi32>
              %select_n3A_475 = arith.select %le3A_473, %broadcast_in_dim3A_474, %select_n3A_461 : vector<16xi1>, vector<16xi32>
              %select_n3A_476 = arith.select %le3A_473, %get3A_472, %select_n3A_462 : vector<16xi1>, vector<16xf32>
              %mul3A_477 = arith.constant 8 : i32
              %mul3A_478 = arith.muli %scan3A_391, %mul3A_477 : i32
              %add3A_479 = arith.constant 6 : i32
              %add3A_480 = arith.addi %mul3A_478, %add3A_479 : i32
              %mul3A_481 = arith.constant 16 : i32
              %mul3A_482 = arith.muli %add3A_480, %mul3A_481 : i32
              %get3A_483 = arith.index_cast %scan3A_149 : i32 to index
              %get3A_484 = arith.index_cast %mul3A_482 : i32 to index
              %get3A_485 = tpu.vector_load %arg10[%get3A_483, %get3A_484] {strides = array<i32>} : memref<16x2048xf32, #tpu.memory_space<vmem>>, vector<1x16xf32>,
              %get3A_486 = vector.shape_cast %get3A_485 : vector<1x16xf32> to vector<16xf32>
              %le3A_487 = arith.cmpf ole, %get3A_486, %max3A_246 : vector<16xf32>
              %broadcast_in_dim3A_488 = vector.broadcast %add3A_480 : i32 to vector<16xi32>
              %select_n3A_489 = arith.select %le3A_487, %broadcast_in_dim3A_488, %select_n3A_475 : vector<16xi1>, vector<16xi32>
              %select_n3A_490 = arith.select %le3A_487, %get3A_486, %select_n3A_476 : vector<16xi1>, vector<16xf32>
              %mul3A_491 = arith.constant 8 : i32
              %mul3A_492 = arith.muli %scan3A_391, %mul3A_491 : i32
              %add3A_493 = arith.constant 7 : i32
              %add3A_494 = arith.addi %mul3A_492, %add3A_493 : i32
              %mul3A_495 = arith.constant 16 : i32
              %mul3A_496 = arith.muli %add3A_494, %mul3A_495 : i32
              %get3A_497 = arith.index_cast %scan3A_149 : i32 to index
              %get3A_498 = arith.index_cast %mul3A_496 : i32 to index
              %get3A_499 = tpu.vector_load %arg10[%get3A_497, %get3A_498] {strides = array<i32>} : memref<16x2048xf32, #tpu.memory_space<vmem>>, vector<1x16xf32>,
              %get3A_500 = vector.shape_cast %get3A_499 : vector<1x16xf32> to vector<16xf32>
              %le3A_501 = arith.cmpf ole, %get3A_500, %max3A_246 : vector<16xf32>
              %broadcast_in_dim3A_502 = vector.broadcast %add3A_494 : i32 to vector<16xi32>
              %select_n3A_503 = arith.select %le3A_501, %broadcast_in_dim3A_502, %select_n3A_489 : vector<16xi1>, vector<16xi32>
              %select_n3A_504 = arith.select %le3A_501, %get3A_500, %select_n3A_490 : vector<16xi1>, vector<16xf32>
              scf.yield %select_n3A_503, %select_n3A_504 : vector<16xi32>, vector<16xf32>
            }
            %scan3A_252 = arith.constant 16 : i32
            %ge3A = arith.constant 0 : i32
            %ge3A_253 = vector.broadcast %ge3A : i32 to vector<16xi32>
            %ge3A_254 = arith.cmpi sge, %scan3A_251#0, %ge3A_253 : vector<16xi32>
            %mul3A_255 = arith.constant 16 : i32
            %mul3A_256 = vector.broadcast %mul3A_255 : i32 to vector<16xi32>
            %mul3A_257 = arith.muli %scan3A_251#0, %mul3A_256 : vector<16xi32>
            %add3A_258 = arith.addi %mul3A_257, %iota3A : vector<16xi32>
            %select_n3A_259 = arith.select %ge3A_254, %add3A_258, %broadcast_in_dim3A_16 : vector<16xi1>, vector<16xi32>
            %xor3A_260 = arith.constant 1 : i32
            %xor3A_261 = vector.broadcast %xor3A_260 : i32 to vector<16xi32>
            %xor3A_262 = arith.xori %iota3A, %xor3A_261 : vector<16xi32>
            %lt3A_263 = arith.constant 0 : i32
            %lt3A_264 = vector.broadcast %lt3A_263 : i32 to vector<16xi32>
            %lt3A_265 = arith.cmpi slt, %xor3A_262, %lt3A_264 : vector<16xi32>
            %add3A_266 = arith.constant 16 : i32
            %add3A_267 = vector.broadcast %add3A_266 : i32 to vector<16xi32>
            %add3A_268 = arith.addi %xor3A_262, %add3A_267 : vector<16xi32>
            %select_n3A_269 = arith.select %lt3A_265, %add3A_268, %xor3A_262 : vector<16xi1>, vector<16xi32>
            %broadcast_in_dim3A_270 = vector.shape_cast %select_n3A_269 : vector<16xi32> to vector<16x1xi32>
            %gather3A_271 = vector.shape_cast %broadcast_in_dim3A_270 : vector<16x1xi32> to vector<16xi32>
            %gather3A_272 = tpu.dynamic_gather %select_n3A_259[%gather3A_271] in [0] : vector<16xi32>, vector<16xi32> -> vector<16xi32>
            %xor3A_273 = arith.constant 1 : i32
            %xor3A_274 = vector.broadcast %xor3A_273 : i32 to vector<16xi32>
            %xor3A_275 = arith.xori %iota3A, %xor3A_274 : vector<16xi32>
            %lt3A_276 = arith.constant 0 : i32
            %lt3A_277 = vector.broadcast %lt3A_276 : i32 to vector<16xi32>
            %lt3A_278 = arith.cmpi slt, %xor3A_275, %lt3A_277 : vector<16xi32>
            %add3A_279 = arith.constant 16 : i32
            %add3A_280 = vector.broadcast %add3A_279 : i32 to vector<16xi32>
            %add3A_281 = arith.addi %xor3A_275, %add3A_280 : vector<16xi32>
            %select_n3A_282 = arith.select %lt3A_278, %add3A_281, %xor3A_275 : vector<16xi1>, vector<16xi32>
            %broadcast_in_dim3A_283 = vector.shape_cast %select_n3A_282 : vector<16xi32> to vector<16x1xi32>
            %gather3A_284 = vector.shape_cast %broadcast_in_dim3A_283 : vector<16x1xi32> to vector<16xi32>
            %gather3A_285 = tpu.dynamic_gather %scan3A_251#1[%gather3A_284] in [0] : vector<16xf32>, vector<16xi32> -> vector<16xf32>
            %gt3A_286 = arith.cmpi sgt, %gather3A_272, %select_n3A_259 : vector<16xi32>
            %select_n3A_287 = arith.select %gt3A_286, %gather3A_272, %select_n3A_259 : vector<16xi1>, vector<16xi32>
            %select_n3A_288 = arith.select %gt3A_286, %gather3A_285, %scan3A_251#1 : vector<16xi1>, vector<16xf32>
            %xor3A_289 = arith.constant 2 : i32
            %xor3A_290 = vector.broadcast %xor3A_289 : i32 to vector<16xi32>
            %xor3A_291 = arith.xori %iota3A, %xor3A_290 : vector<16xi32>
            %lt3A_292 = arith.constant 0 : i32
            %lt3A_293 = vector.broadcast %lt3A_292 : i32 to vector<16xi32>
            %lt3A_294 = arith.cmpi slt, %xor3A_291, %lt3A_293 : vector<16xi32>
            %add3A_295 = arith.constant 16 : i32
            %add3A_296 = vector.broadcast %add3A_295 : i32 to vector<16xi32>
            %add3A_297 = arith.addi %xor3A_291, %add3A_296 : vector<16xi32>
            %select_n3A_298 = arith.select %lt3A_294, %add3A_297, %xor3A_291 : vector<16xi1>, vector<16xi32>
            %broadcast_in_dim3A_299 = vector.shape_cast %select_n3A_298 : vector<16xi32> to vector<16x1xi32>
            %gather3A_300 = vector.shape_cast %broadcast_in_dim3A_299 : vector<16x1xi32> to vector<16xi32>
            %gather3A_301 = tpu.dynamic_gather %select_n3A_287[%gather3A_300] in [0] : vector<16xi32>, vector<16xi32> -> vector<16xi32>
            %xor3A_302 = arith.constant 2 : i32
            %xor3A_303 = vector.broadcast %xor3A_302 : i32 to vector<16xi32>
            %xor3A_304 = arith.xori %iota3A, %xor3A_303 : vector<16xi32>
            %lt3A_305 = arith.constant 0 : i32
            %lt3A_306 = vector.broadcast %lt3A_305 : i32 to vector<16xi32>
            %lt3A_307 = arith.cmpi slt, %xor3A_304, %lt3A_306 : vector<16xi32>
            %add3A_308 = arith.constant 16 : i32
            %add3A_309 = vector.broadcast %add3A_308 : i32 to vector<16xi32>
            %add3A_310 = arith.addi %xor3A_304, %add3A_309 : vector<16xi32>
            %select_n3A_311 = arith.select %lt3A_307, %add3A_310, %xor3A_304 : vector<16xi1>, vector<16xi32>
            %broadcast_in_dim3A_312 = vector.shape_cast %select_n3A_311 : vector<16xi32> to vector<16x1xi32>
            %gather3A_313 = vector.shape_cast %broadcast_in_dim3A_312 : vector<16x1xi32> to vector<16xi32>
            %gather3A_314 = tpu.dynamic_gather %select_n3A_288[%gather3A_313] in [0] : vector<16xf32>, vector<16xi32> -> vector<16xf32>
            %gt3A_315 = arith.cmpi sgt, %gather3A_301, %select_n3A_287 : vector<16xi32>
            %select_n3A_316 = arith.select %gt3A_315, %gather3A_301, %select_n3A_287 : vector<16xi1>, vector<16xi32>
            %select_n3A_317 = arith.select %gt3A_315, %gather3A_314, %select_n3A_288 : vector<16xi1>, vector<16xf32>
            %xor3A_318 = arith.constant 4 : i32
            %xor3A_319 = vector.broadcast %xor3A_318 : i32 to vector<16xi32>
            %xor3A_320 = arith.xori %iota3A, %xor3A_319 : vector<16xi32>
            %lt3A_321 = arith.constant 0 : i32
            %lt3A_322 = vector.broadcast %lt3A_321 : i32 to vector<16xi32>
            %lt3A_323 = arith.cmpi slt, %xor3A_320, %lt3A_322 : vector<16xi32>
            %add3A_324 = arith.constant 16 : i32
            %add3A_325 = vector.broadcast %add3A_324 : i32 to vector<16xi32>
            %add3A_326 = arith.addi %xor3A_320, %add3A_325 : vector<16xi32>
            %select_n3A_327 = arith.select %lt3A_323, %add3A_326, %xor3A_320 : vector<16xi1>, vector<16xi32>
            %broadcast_in_dim3A_328 = vector.shape_cast %select_n3A_327 : vector<16xi32> to vector<16x1xi32>
            %gather3A_329 = vector.shape_cast %broadcast_in_dim3A_328 : vector<16x1xi32> to vector<16xi32>
            %gather3A_330 = tpu.dynamic_gather %select_n3A_316[%gather3A_329] in [0] : vector<16xi32>, vector<16xi32> -> vector<16xi32>
            %xor3A_331 = arith.constant 4 : i32
            %xor3A_332 = vector.broadcast %xor3A_331 : i32 to vector<16xi32>
            %xor3A_333 = arith.xori %iota3A, %xor3A_332 : vector<16xi32>
            %lt3A_334 = arith.constant 0 : i32
            %lt3A_335 = vector.broadcast %lt3A_334 : i32 to vector<16xi32>
            %lt3A_336 = arith.cmpi slt, %xor3A_333, %lt3A_335 : vector<16xi32>
            %add3A_337 = arith.constant 16 : i32
            %add3A_338 = vector.broadcast %add3A_337 : i32 to vector<16xi32>
            %add3A_339 = arith.addi %xor3A_333, %add3A_338 : vector<16xi32>
            %select_n3A_340 = arith.select %lt3A_336, %add3A_339, %xor3A_333 : vector<16xi1>, vector<16xi32>
            %broadcast_in_dim3A_341 = vector.shape_cast %select_n3A_340 : vector<16xi32> to vector<16x1xi32>
            %gather3A_342 = vector.shape_cast %broadcast_in_dim3A_341 : vector<16x1xi32> to vector<16xi32>
            %gather3A_343 = tpu.dynamic_gather %select_n3A_317[%gather3A_342] in [0] : vector<16xf32>, vector<16xi32> -> vector<16xf32>
            %gt3A_344 = arith.cmpi sgt, %gather3A_330, %select_n3A_316 : vector<16xi32>
            %select_n3A_345 = arith.select %gt3A_344, %gather3A_330, %select_n3A_316 : vector<16xi1>, vector<16xi32>
            %select_n3A_346 = arith.select %gt3A_344, %gather3A_343, %select_n3A_317 : vector<16xi1>, vector<16xf32>
            %xor3A_347 = arith.constant 8 : i32
            %xor3A_348 = vector.broadcast %xor3A_347 : i32 to vector<16xi32>
            %xor3A_349 = arith.xori %iota3A, %xor3A_348 : vector<16xi32>
            %lt3A_350 = arith.constant 0 : i32
            %lt3A_351 = vector.broadcast %lt3A_350 : i32 to vector<16xi32>
            %lt3A_352 = arith.cmpi slt, %xor3A_349, %lt3A_351 : vector<16xi32>
            %add3A_353 = arith.constant 16 : i32
            %add3A_354 = vector.broadcast %add3A_353 : i32 to vector<16xi32>
            %add3A_355 = arith.addi %xor3A_349, %add3A_354 : vector<16xi32>
            %select_n3A_356 = arith.select %lt3A_352, %add3A_355, %xor3A_349 : vector<16xi1>, vector<16xi32>
            %broadcast_in_dim3A_357 = vector.shape_cast %select_n3A_356 : vector<16xi32> to vector<16x1xi32>
            %gather3A_358 = vector.shape_cast %broadcast_in_dim3A_357 : vector<16x1xi32> to vector<16xi32>
            %gather3A_359 = tpu.dynamic_gather %select_n3A_345[%gather3A_358] in [0] : vector<16xi32>, vector<16xi32> -> vector<16xi32>
            %xor3A_360 = arith.constant 8 : i32
            %xor3A_361 = vector.broadcast %xor3A_360 : i32 to vector<16xi32>
            %xor3A_362 = arith.xori %iota3A, %xor3A_361 : vector<16xi32>
            %lt3A_363 = arith.constant 0 : i32
            %lt3A_364 = vector.broadcast %lt3A_363 : i32 to vector<16xi32>
            %lt3A_365 = arith.cmpi slt, %xor3A_362, %lt3A_364 : vector<16xi32>
            %add3A_366 = arith.constant 16 : i32
            %add3A_367 = vector.broadcast %add3A_366 : i32 to vector<16xi32>
            %add3A_368 = arith.addi %xor3A_362, %add3A_367 : vector<16xi32>
            %select_n3A_369 = arith.select %lt3A_365, %add3A_368, %xor3A_362 : vector<16xi1>, vector<16xi32>
            %broadcast_in_dim3A_370 = vector.shape_cast %select_n3A_369 : vector<16xi32> to vector<16x1xi32>
            %gather3A_371 = vector.shape_cast %broadcast_in_dim3A_370 : vector<16x1xi32> to vector<16xi32>
            %gather3A_372 = tpu.dynamic_gather %select_n3A_346[%gather3A_371] in [0] : vector<16xf32>, vector<16xi32> -> vector<16xf32>
            %gt3A_373 = arith.cmpi sgt, %gather3A_359, %select_n3A_345 : vector<16xi32>
            %select_n3A_374 = arith.select %gt3A_373, %gather3A_359, %select_n3A_345 : vector<16xi1>, vector<16xi32>
            %select_n3A_375 = arith.select %gt3A_373, %gather3A_372, %select_n3A_346 : vector<16xi1>, vector<16xf32>
            %ge3A_376 = arith.constant 0 : i32
            %ge3A_377 = vector.broadcast %ge3A_376 : i32 to vector<16xi32>
            %ge3A_378 = arith.cmpi sge, %select_n3A_374, %ge3A_377 : vector<16xi32>
            %sub3A_379 = arith.subf %max3A_246, %select_n3A_375 : vector<16xf32>
            %neg3A = arith.constant 0.000000e+00 : f32
            %neg3A_380 = vector.broadcast %neg3A : f32 to vector<16xf32>
            %neg3A_381 = arith.subf %neg3A_380, %sub3A_379 : vector<16xf32>
            %exp3A = math.exp %neg3A_381 : vector<16xf32>
            %select_n3A_382 = arith.select %ge3A_378, %exp3A, %broadcast_in_dim3A_12 : vector<16xi1>, vector<16xf32>
            %get3A_383 = arith.index_cast %mul3A_187 : i32 to index
            %get3A_384 = tpu.vector_load %arg8[%get3A_383] {strides = array<i32>} : memref<256xf32, #tpu.memory_space<vmem>>, vector<16xf32>,
            %get3A_385 = vector.shape_cast %get3A_384 : vector<16xf32> to vector<16xf32>
            %select_n3A_386 = arith.select %eq3A_189, %select_n3A_382, %get3A_385 : vector<16xi1>, vector<16xf32>
            %swap3A_387 = arith.index_cast %mul3A_187 : i32 to index
            %swap3A_388 = tpu.vector_load %arg8[%swap3A_387] {strides = array<i32>} : memref<256xf32, #tpu.memory_space<vmem>>, vector<16xf32>,
            %swap3A_389 = vector.shape_cast %swap3A_388 : vector<16xf32> to vector<16xf32>
            %swap3A_390 = vector.shape_cast %select_n3A_386 : vector<16xf32> to vector<16xf32>
            tpu.vector_store %arg8[%swap3A_387], %swap3A_390 {strides = array<i32>} : memref<256xf32, #tpu.memory_space<vmem>>, vector<16xf32>,
          } else {
          }
        }
        %scan3A_148 = arith.constant 16 : i32
      }
      %while3A_131 = arith.constant 1 : i32
      scf.for %while3A_132 = %while3A_129 to %while3A_125 step %while3A_131  : i32 {
        %mul3A_133 = arith.constant 16 : i32
        %mul3A_134 = arith.muli %while3A_132, %mul3A_133 : i32
        %dma_start3A_135 = tpu.memref_slice %arg9[%mul3A_134] : memref<272xi32, #tpu.memory_space<vmem>> -> memref<16xi32, #tpu.memory_space<vmem>>
        %dma_start3A_136 = arith.constant 0 : i32
        %dma_start3A_137 = arith.constant 0 : i32
        %dma_start3A_138 = tpu.memref_slice %arg3[%dma_start3A_136, %dma_start3A_137] : memref<8192x2048xf32, #tpu.memory_space<hbm>> -> memref<8192x2048xf32, #tpu.memory_space<hbm>>
        tpu.enqueue_indirect_dma source(%dma_start3A_138 : memref<8192x2048xf32, #tpu.memory_space<hbm>>) target(%arg10 : memref<16x2048xf32, #tpu.memory_space<vmem>>) offsets(%dma_start3A_135 : memref<16xi32, #tpu.memory_space<vmem>>) semaphore(%arg11 : memref<!tpu.dma_semaphore, #tpu.memory_space<semaphore_mem>>)
        %dma_wait3A_139 = tpu.memref_slice %arg9[%mul3A_134] : memref<272xi32, #tpu.memory_space<vmem>> -> memref<16xi32, #tpu.memory_space<vmem>>
        %dma_wait3A_140 = arith.constant 0 : i32
        %dma_wait3A_141 = arith.constant 0 : i32
        %dma_wait3A_142 = tpu.memref_slice %arg3[%dma_wait3A_140, %dma_wait3A_141] : memref<8192x2048xf32, #tpu.memory_space<hbm>> -> memref<8192x2048xf32, #tpu.memory_space<hbm>>
        tpu.wait_indirect_dma semaphore(%arg11 : memref<!tpu.dma_semaphore, #tpu.memory_space<semaphore_mem>>) src(%dma_wait3A_142 : memref<8192x2048xf32, #tpu.memory_space<hbm>>) dst(%arg10 : memref<16x2048xf32, #tpu.memory_space<vmem>>)
        %scan3A_143 = arith.constant 0 : i32
        %scan3A_144 = arith.constant 0 : i32
        %scan3A_145 = arith.constant 16 : i32
        %scan3A_146 = arith.addi %scan3A_144, %scan3A_145 : i32
        %scan3A_147 = arith.constant 1 : i32
        scf.for %scan3A_149 = %scan3A_144 to %scan3A_146 step %scan3A_147  : i32 {
          %mul3A_150 = arith.constant 16 : i32
          %mul3A_151 = arith.muli %while3A_132, %mul3A_150 : i32
          %add3A_152 = arith.addi %mul3A_151, %scan3A_149 : i32
          %lt3A = arith.cmpi slt, %add3A_152, %scan3A_101 : i32
          %convert_element_type3A_153 = arith.extui %lt3A : i1 to i32
          %cond3A_154 = arith.constant 0 : i32
          %cond3A_155 = arith.cmpi ne, %convert_element_type3A_153, %cond3A_154 : i32
          scf.if %cond3A_155 {
            %mul3A_156 = arith.constant 16 : i32
            %mul3A_157 = arith.muli %while3A_132, %mul3A_156 : i32
            %add3A_158 = arith.addi %mul3A_157, %scan3A_149 : i32
            %get3A = arith.index_cast %add3A_158 : i32 to index
            %get3A_159 = tpu.vector_load %arg9[%get3A] {strides = array<i32>} : memref<272xi32, #tpu.memory_space<vmem>>, vector<16xi32>,
            %get3A_160 = vector.shape_cast %get3A_159 : vector<16xi32> to vector<16xi32>
            %slice3A = vector.extract_strided_slice %get3A_160 {offsets = [0], sizes = [1], strides = [1]} : vector<16xi32> to vector<1xi32>
            %squeeze3A = vector.extract %slice3A[0] : i32 from vector<1xi32>
            %sub3A_161 = arith.subi %squeeze3A, %mul3A_2 : i32
            %jit3A_162 = arith.constant 16 : i32
            %div3A_163 = arith.divsi %sub3A_161, %jit3A_162 : i32
            %sign3A_164 = arith.constant 0 : i32
            %sign3A_165 = arith.cmpi sgt, %sub3A_161, %sign3A_164 : i32
            %sign3A_166 = arith.extui %sign3A_165 : i1 to i32
            %sign3A_167 = arith.constant 0 : i32
            %sign3A_168 = arith.cmpi slt, %sub3A_161, %sign3A_167 : i32
            %sign3A_169 = arith.extui %sign3A_168 : i1 to i32
            %sign3A_170 = arith.subi %sign3A_166, %sign3A_169 : i32
            %sign3A_171 = arith.constant 0 : i32
            %sign3A_172 = arith.cmpi sgt, %jit3A_162, %sign3A_171 : i32
            %sign3A_173 = arith.extui %sign3A_172 : i1 to i32
            %sign3A_174 = arith.constant 0 : i32
            %sign3A_175 = arith.cmpi slt, %jit3A_162, %sign3A_174 : i32
            %sign3A_176 = arith.extui %sign3A_175 : i1 to i32
            %sign3A_177 = arith.subi %sign3A_173, %sign3A_176 : i32
            %ne3A_178 = arith.cmpi ne, %sign3A_170, %sign3A_177 : i32
            %rem3A_179 = arith.remsi %sub3A_161, %jit3A_162 : i32
            %ne3A_180 = arith.constant 0 : i32
            %ne3A_181 = arith.cmpi ne, %rem3A_179, %ne3A_180 : i32
            %and3A_182 = arith.andi %ne3A_178, %ne3A_181 : i1
            %sub3A_183 = arith.constant 1 : i32
            %sub3A_184 = arith.subi %div3A_163, %sub3A_183 : i32
            %select_n3A_185 = arith.select %and3A_182, %sub3A_184, %div3A_163 : i32
            %mul3A_186 = arith.constant 16 : i32
            %mul3A_187 = arith.muli %select_n3A_185, %mul3A_186 : i32
            %sub3A_188 = arith.subi %sub3A_161, %mul3A_187 : i32
            %eq3A = vector.broadcast %sub3A_188 : i32 to vector<16xi32>
            %eq3A_189 = arith.cmpi eq, %iota3A, %eq3A : vector<16xi32>
            %get3A_190 = arith.index_cast %mul3A_187 : i32 to index
            %get3A_191 = tpu.vector_load %arg7[%get3A_190] {strides = array<i32>} : memref<256xf32, #tpu.memory_space<vmem>>, vector<16xf32>,
            %get3A_192 = vector.shape_cast %get3A_191 : vector<16xf32> to vector<16xf32>
            %select_n3A_193 = arith.select %eq3A_189, %get3A_192, %broadcast_in_dim3A_14 : vector<16xi1>, vector<16xf32>
            %xor3A = arith.constant 1 : i32
            %xor3A_194 = vector.broadcast %xor3A : i32 to vector<16xi32>
            %xor3A_195 = arith.xori %iota3A, %xor3A_194 : vector<16xi32>
            %lt3A_196 = arith.constant 0 : i32
            %lt3A_197 = vector.broadcast %lt3A_196 : i32 to vector<16xi32>
            %lt3A_198 = arith.cmpi slt, %xor3A_195, %lt3A_197 : vector<16xi32>
            %add3A_199 = arith.constant 16 : i32
            %add3A_200 = vector.broadcast %add3A_199 : i32 to vector<16xi32>
            %add3A_201 = arith.addi %xor3A_195, %add3A_200 : vector<16xi32>
            %select_n3A_202 = arith.select %lt3A_198, %add3A_201, %xor3A_195 : vector<16xi1>, vector<16xi32>
            %broadcast_in_dim3A_203 = vector.shape_cast %select_n3A_202 : vector<16xi32> to vector<16x1xi32>
            %gather3A = vector.shape_cast %broadcast_in_dim3A_203 : vector<16x1xi32> to vector<16xi32>
            %gather3A_204 = tpu.dynamic_gather %select_n3A_193[%gather3A] in [0] : vector<16xf32>, vector<16xi32> -> vector<16xf32>
            %max3A = arith.maximumf %select_n3A_193, %gather3A_204 : vector<16xf32>
            %xor3A_205 = arith.constant 2 : i32
            %xor3A_206 = vector.broadcast %xor3A_205 : i32 to vector<16xi32>
            %xor3A_207 = arith.xori %iota3A, %xor3A_206 : vector<16xi32>
            %lt3A_208 = arith.constant 0 : i32
            %lt3A_209 = vector.broadcast %lt3A_208 : i32 to vector<16xi32>
            %lt3A_210 = arith.cmpi slt, %xor3A_207, %lt3A_209 : vector<16xi32>
            %add3A_211 = arith.constant 16 : i32
            %add3A_212 = vector.broadcast %add3A_211 : i32 to vector<16xi32>
            %add3A_213 = arith.addi %xor3A_207, %add3A_212 : vector<16xi32>
            %select_n3A_214 = arith.select %lt3A_210, %add3A_213, %xor3A_207 : vector<16xi1>, vector<16xi32>
            %broadcast_in_dim3A_215 = vector.shape_cast %select_n3A_214 : vector<16xi32> to vector<16x1xi32>
            %gather3A_216 = vector.shape_cast %broadcast_in_dim3A_215 : vector<16x1xi32> to vector<16xi32>
            %gather3A_217 = tpu.dynamic_gather %max3A[%gather3A_216] in [0] : vector<16xf32>, vector<16xi32> -> vector<16xf32>
            %max3A_218 = arith.maximumf %max3A, %gather3A_217 : vector<16xf32>
            %xor3A_219 = arith.constant 4 : i32
            %xor3A_220 = vector.broadcast %xor3A_219 : i32 to vector<16xi32>
            %xor3A_221 = arith.xori %iota3A, %xor3A_220 : vector<16xi32>
            %lt3A_222 = arith.constant 0 : i32
            %lt3A_223 = vector.broadcast %lt3A_222 : i32 to vector<16xi32>
            %lt3A_224 = arith.cmpi slt, %xor3A_221, %lt3A_223 : vector<16xi32>
            %add3A_225 = arith.constant 16 : i32
            %add3A_226 = vector.broadcast %add3A_225 : i32 to vector<16xi32>
            %add3A_227 = arith.addi %xor3A_221, %add3A_226 : vector<16xi32>
            %select_n3A_228 = arith.select %lt3A_224, %add3A_227, %xor3A_221 : vector<16xi1>, vector<16xi32>
            %broadcast_in_dim3A_229 = vector.shape_cast %select_n3A_228 : vector<16xi32> to vector<16x1xi32>
            %gather3A_230 = vector.shape_cast %broadcast_in_dim3A_229 : vector<16x1xi32> to vector<16xi32>
            %gather3A_231 = tpu.dynamic_gather %max3A_218[%gather3A_230] in [0] : vector<16xf32>, vector<16xi32> -> vector<16xf32>
            %max3A_232 = arith.maximumf %max3A_218, %gather3A_231 : vector<16xf32>
            %xor3A_233 = arith.constant 8 : i32
            %xor3A_234 = vector.broadcast %xor3A_233 : i32 to vector<16xi32>
            %xor3A_235 = arith.xori %iota3A, %xor3A_234 : vector<16xi32>
            %lt3A_236 = arith.constant 0 : i32
            %lt3A_237 = vector.broadcast %lt3A_236 : i32 to vector<16xi32>
            %lt3A_238 = arith.cmpi slt, %xor3A_235, %lt3A_237 : vector<16xi32>
            %add3A_239 = arith.constant 16 : i32
            %add3A_240 = vector.broadcast %add3A_239 : i32 to vector<16xi32>
            %add3A_241 = arith.addi %xor3A_235, %add3A_240 : vector<16xi32>
            %select_n3A_242 = arith.select %lt3A_238, %add3A_241, %xor3A_235 : vector<16xi1>, vector<16xi32>
            %broadcast_in_dim3A_243 = vector.shape_cast %select_n3A_242 : vector<16xi32> to vector<16x1xi32>
            %gather3A_244 = vector.shape_cast %broadcast_in_dim3A_243 : vector<16x1xi32> to vector<16xi32>
            %gather3A_245 = tpu.dynamic_gather %max3A_232[%gather3A_244] in [0] : vector<16xf32>, vector<16xi32> -> vector<16xf32>
            %max3A_246 = arith.maximumf %max3A_232, %gather3A_245 : vector<16xf32>
            %scan3A_247 = arith.constant 0 : i32
            %scan3A_248 = arith.constant 16 : i32
            %scan3A_249 = arith.addi %scan3A_247, %scan3A_248 : i32
            %scan3A_250 = arith.constant 1 : i32
            %scan3A_251:2 = scf.for %scan3A_391 = %scan3A_247 to %scan3A_249 step %scan3A_250 iter_args(%scan3A_392 = %broadcast_in_dim3A_16, %scan3A_393 = %broadcast_in_dim3A_12) -> (vector<16xi32>, vector<16xf32>)  : i32 {
              %mul3A_394 = arith.constant 8 : i32
              %mul3A_395 = arith.muli %scan3A_391, %mul3A_394 : i32
              %add3A_396 = arith.constant 0 : i32
              %add3A_397 = arith.addi %mul3A_395, %add3A_396 : i32
              %mul3A_398 = arith.constant 16 : i32
              %mul3A_399 = arith.muli %add3A_397, %mul3A_398 : i32
              %get3A_400 = arith.index_cast %scan3A_149 : i32 to index
              %get3A_401 = arith.index_cast %mul3A_399 : i32 to index
              %get3A_402 = tpu.vector_load %arg10[%get3A_400, %get3A_401] {strides = array<i32>} : memref<16x2048xf32, #tpu.memory_space<vmem>>, vector<1x16xf32>,
              %get3A_403 = vector.shape_cast %get3A_402 : vector<1x16xf32> to vector<16xf32>
              %le3A = arith.cmpf ole, %get3A_403, %max3A_246 : vector<16xf32>
              %broadcast_in_dim3A_404 = vector.broadcast %add3A_397 : i32 to vector<16xi32>
              %select_n3A_405 = arith.select %le3A, %broadcast_in_dim3A_404, %scan3A_392 : vector<16xi1>, vector<16xi32>
              %select_n3A_406 = arith.select %le3A, %get3A_403, %scan3A_393 : vector<16xi1>, vector<16xf32>
              %mul3A_407 = arith.constant 8 : i32
              %mul3A_408 = arith.muli %scan3A_391, %mul3A_407 : i32
              %add3A_409 = arith.constant 1 : i32
              %add3A_410 = arith.addi %mul3A_408, %add3A_409 : i32
              %mul3A_411 = arith.constant 16 : i32
              %mul3A_412 = arith.muli %add3A_410, %mul3A_411 : i32
              %get3A_413 = arith.index_cast %scan3A_149 : i32 to index
              %get3A_414 = arith.index_cast %mul3A_412 : i32 to index
              %get3A_415 = tpu.vector_load %arg10[%get3A_413, %get3A_414] {strides = array<i32>} : memref<16x2048xf32, #tpu.memory_space<vmem>>, vector<1x16xf32>,
              %get3A_416 = vector.shape_cast %get3A_415 : vector<1x16xf32> to vector<16xf32>
              %le3A_417 = arith.cmpf ole, %get3A_416, %max3A_246 : vector<16xf32>
              %broadcast_in_dim3A_418 = vector.broadcast %add3A_410 : i32 to vector<16xi32>
              %select_n3A_419 = arith.select %le3A_417, %broadcast_in_dim3A_418, %select_n3A_405 : vector<16xi1>, vector<16xi32>
              %select_n3A_420 = arith.select %le3A_417, %get3A_416, %select_n3A_406 : vector<16xi1>, vector<16xf32>
              %mul3A_421 = arith.constant 8 : i32
              %mul3A_422 = arith.muli %scan3A_391, %mul3A_421 : i32
              %add3A_423 = arith.constant 2 : i32
              %add3A_424 = arith.addi %mul3A_422, %add3A_423 : i32
              %mul3A_425 = arith.constant 16 : i32
              %mul3A_426 = arith.muli %add3A_424, %mul3A_425 : i32
              %get3A_427 = arith.index_cast %scan3A_149 : i32 to index
              %get3A_428 = arith.index_cast %mul3A_426 : i32 to index
              %get3A_429 = tpu.vector_load %arg10[%get3A_427, %get3A_428] {strides = array<i32>} : memref<16x2048xf32, #tpu.memory_space<vmem>>, vector<1x16xf32>,
              %get3A_430 = vector.shape_cast %get3A_429 : vector<1x16xf32> to vector<16xf32>
              %le3A_431 = arith.cmpf ole, %get3A_430, %max3A_246 : vector<16xf32>
              %broadcast_in_dim3A_432 = vector.broadcast %add3A_424 : i32 to vector<16xi32>
              %select_n3A_433 = arith.select %le3A_431, %broadcast_in_dim3A_432, %select_n3A_419 : vector<16xi1>, vector<16xi32>
              %select_n3A_434 = arith.select %le3A_431, %get3A_430, %select_n3A_420 : vector<16xi1>, vector<16xf32>
              %mul3A_435 = arith.constant 8 : i32
              %mul3A_436 = arith.muli %scan3A_391, %mul3A_435 : i32
              %add3A_437 = arith.constant 3 : i32
              %add3A_438 = arith.addi %mul3A_436, %add3A_437 : i32
              %mul3A_439 = arith.constant 16 : i32
              %mul3A_440 = arith.muli %add3A_438, %mul3A_439 : i32
              %get3A_441 = arith.index_cast %scan3A_149 : i32 to index
              %get3A_442 = arith.index_cast %mul3A_440 : i32 to index
              %get3A_443 = tpu.vector_load %arg10[%get3A_441, %get3A_442] {strides = array<i32>} : memref<16x2048xf32, #tpu.memory_space<vmem>>, vector<1x16xf32>,
              %get3A_444 = vector.shape_cast %get3A_443 : vector<1x16xf32> to vector<16xf32>
              %le3A_445 = arith.cmpf ole, %get3A_444, %max3A_246 : vector<16xf32>
              %broadcast_in_dim3A_446 = vector.broadcast %add3A_438 : i32 to vector<16xi32>
              %select_n3A_447 = arith.select %le3A_445, %broadcast_in_dim3A_446, %select_n3A_433 : vector<16xi1>, vector<16xi32>
              %select_n3A_448 = arith.select %le3A_445, %get3A_444, %select_n3A_434 : vector<16xi1>, vector<16xf32>
              %mul3A_449 = arith.constant 8 : i32
              %mul3A_450 = arith.muli %scan3A_391, %mul3A_449 : i32
              %add3A_451 = arith.constant 4 : i32
              %add3A_452 = arith.addi %mul3A_450, %add3A_451 : i32
              %mul3A_453 = arith.constant 16 : i32
              %mul3A_454 = arith.muli %add3A_452, %mul3A_453 : i32
              %get3A_455 = arith.index_cast %scan3A_149 : i32 to index
              %get3A_456 = arith.index_cast %mul3A_454 : i32 to index
              %get3A_457 = tpu.vector_load %arg10[%get3A_455, %get3A_456] {strides = array<i32>} : memref<16x2048xf32, #tpu.memory_space<vmem>>, vector<1x16xf32>,
              %get3A_458 = vector.shape_cast %get3A_457 : vector<1x16xf32> to vector<16xf32>
              %le3A_459 = arith.cmpf ole, %get3A_458, %max3A_246 : vector<16xf32>
              %broadcast_in_dim3A_460 = vector.broadcast %add3A_452 : i32 to vector<16xi32>
              %select_n3A_461 = arith.select %le3A_459, %broadcast_in_dim3A_460, %select_n3A_447 : vector<16xi1>, vector<16xi32>
              %select_n3A_462 = arith.select %le3A_459, %get3A_458, %select_n3A_448 : vector<16xi1>, vector<16xf32>
              %mul3A_463 = arith.constant 8 : i32
              %mul3A_464 = arith.muli %scan3A_391, %mul3A_463 : i32
              %add3A_465 = arith.constant 5 : i32
              %add3A_466 = arith.addi %mul3A_464, %add3A_465 : i32
              %mul3A_467 = arith.constant 16 : i32
              %mul3A_468 = arith.muli %add3A_466, %mul3A_467 : i32
              %get3A_469 = arith.index_cast %scan3A_149 : i32 to index
              %get3A_470 = arith.index_cast %mul3A_468 : i32 to index
              %get3A_471 = tpu.vector_load %arg10[%get3A_469, %get3A_470] {strides = array<i32>} : memref<16x2048xf32, #tpu.memory_space<vmem>>, vector<1x16xf32>,
              %get3A_472 = vector.shape_cast %get3A_471 : vector<1x16xf32> to vector<16xf32>
              %le3A_473 = arith.cmpf ole, %get3A_472, %max3A_246 : vector<16xf32>
              %broadcast_in_dim3A_474 = vector.broadcast %add3A_466 : i32 to vector<16xi32>
              %select_n3A_475 = arith.select %le3A_473, %broadcast_in_dim3A_474, %select_n3A_461 : vector<16xi1>, vector<16xi32>
              %select_n3A_476 = arith.select %le3A_473, %get3A_472, %select_n3A_462 : vector<16xi1>, vector<16xf32>
              %mul3A_477 = arith.constant 8 : i32
              %mul3A_478 = arith.muli %scan3A_391, %mul3A_477 : i32
              %add3A_479 = arith.constant 6 : i32
              %add3A_480 = arith.addi %mul3A_478, %add3A_479 : i32
              %mul3A_481 = arith.constant 16 : i32
              %mul3A_482 = arith.muli %add3A_480, %mul3A_481 : i32
              %get3A_483 = arith.index_cast %scan3A_149 : i32 to index
              %get3A_484 = arith.index_cast %mul3A_482 : i32 to index
              %get3A_485 = tpu.vector_load %arg10[%get3A_483, %get3A_484] {strides = array<i32>} : memref<16x2048xf32, #tpu.memory_space<vmem>>, vector<1x16xf32>,
              %get3A_486 = vector.shape_cast %get3A_485 : vector<1x16xf32> to vector<16xf32>
              %le3A_487 = arith.cmpf ole, %get3A_486, %max3A_246 : vector<16xf32>
              %broadcast_in_dim3A_488 = vector.broadcast %add3A_480 : i32 to vector<16xi32>
              %select_n3A_489 = arith.select %le3A_487, %broadcast_in_dim3A_488, %select_n3A_475 : vector<16xi1>, vector<16xi32>
              %select_n3A_490 = arith.select %le3A_487, %get3A_486, %select_n3A_476 : vector<16xi1>, vector<16xf32>
              %mul3A_491 = arith.constant 8 : i32
              %mul3A_492 = arith.muli %scan3A_391, %mul3A_491 : i32
              %add3A_493 = arith.constant 7 : i32
              %add3A_494 = arith.addi %mul3A_492, %add3A_493 : i32
              %mul3A_495 = arith.constant 16 : i32
              %mul3A_496 = arith.muli %add3A_494, %mul3A_495 : i32
              %get3A_497 = arith.index_cast %scan3A_149 : i32 to index
              %get3A_498 = arith.index_cast %mul3A_496 : i32 to index
              %get3A_499 = tpu.vector_load %arg10[%get3A_497, %get3A_498] {strides = array<i32>} : memref<16x2048xf32, #tpu.memory_space<vmem>>, vector<1x16xf32>,
              %get3A_500 = vector.shape_cast %get3A_499 : vector<1x16xf32> to vector<16xf32>
              %le3A_501 = arith.cmpf ole, %get3A_500, %max3A_246 : vector<16xf32>
              %broadcast_in_dim3A_502 = vector.broadcast %add3A_494 : i32 to vector<16xi32>
              %select_n3A_503 = arith.select %le3A_501, %broadcast_in_dim3A_502, %select_n3A_489 : vector<16xi1>, vector<16xi32>
              %select_n3A_504 = arith.select %le3A_501, %get3A_500, %select_n3A_490 : vector<16xi1>, vector<16xf32>
              scf.yield %select_n3A_503, %select_n3A_504 : vector<16xi32>, vector<16xf32>
            }
            %scan3A_252 = arith.constant 16 : i32
            %ge3A = arith.constant 0 : i32
            %ge3A_253 = vector.broadcast %ge3A : i32 to vector<16xi32>
            %ge3A_254 = arith.cmpi sge, %scan3A_251#0, %ge3A_253 : vector<16xi32>
            %mul3A_255 = arith.constant 16 : i32
            %mul3A_256 = vector.broadcast %mul3A_255 : i32 to vector<16xi32>
            %mul3A_257 = arith.muli %scan3A_251#0, %mul3A_256 : vector<16xi32>
            %add3A_258 = arith.addi %mul3A_257, %iota3A : vector<16xi32>
            %select_n3A_259 = arith.select %ge3A_254, %add3A_258, %broadcast_in_dim3A_16 : vector<16xi1>, vector<16xi32>
            %xor3A_260 = arith.constant 1 : i32
            %xor3A_261 = vector.broadcast %xor3A_260 : i32 to vector<16xi32>
            %xor3A_262 = arith.xori %iota3A, %xor3A_261 : vector<16xi32>
            %lt3A_263 = arith.constant 0 : i32
            %lt3A_264 = vector.broadcast %lt3A_263 : i32 to vector<16xi32>
            %lt3A_265 = arith.cmpi slt, %xor3A_262, %lt3A_264 : vector<16xi32>
            %add3A_266 = arith.constant 16 : i32
            %add3A_267 = vector.broadcast %add3A_266 : i32 to vector<16xi32>
            %add3A_268 = arith.addi %xor3A_262, %add3A_267 : vector<16xi32>
            %select_n3A_269 = arith.select %lt3A_265, %add3A_268, %xor3A_262 : vector<16xi1>, vector<16xi32>
            %broadcast_in_dim3A_270 = vector.shape_cast %select_n3A_269 : vector<16xi32> to vector<16x1xi32>
            %gather3A_271 = vector.shape_cast %broadcast_in_dim3A_270 : vector<16x1xi32> to vector<16xi32>
            %gather3A_272 = tpu.dynamic_gather %select_n3A_259[%gather3A_271] in [0] : vector<16xi32>, vector<16xi32> -> vector<16xi32>
            %xor3A_273 = arith.constant 1 : i32
            %xor3A_274 = vector.broadcast %xor3A_273 : i32 to vector<16xi32>
            %xor3A_275 = arith.xori %iota3A, %xor3A_274 : vector<16xi32>
            %lt3A_276 = arith.constant 0 : i32
            %lt3A_277 = vector.broadcast %lt3A_276 : i32 to vector<16xi32>
            %lt3A_278 = arith.cmpi slt, %xor3A_275, %lt3A_277 : vector<16xi32>
            %add3A_279 = arith.constant 16 : i32
            %add3A_280 = vector.broadcast %add3A_279 : i32 to vector<16xi32>
            %add3A_281 = arith.addi %xor3A_275, %add3A_280 : vector<16xi32>
            %select_n3A_282 = arith.select %lt3A_278, %add3A_281, %xor3A_275 : vector<16xi1>, vector<16xi32>
            %broadcast_in_dim3A_283 = vector.shape_cast %select_n3A_282 : vector<16xi32> to vector<16x1xi32>
            %gather3A_284 = vector.shape_cast %broadcast_in_dim3A_283 : vector<16x1xi32> to vector<16xi32>
            %gather3A_285 = tpu.dynamic_gather %scan3A_251#1[%gather3A_284] in [0] : vector<16xf32>, vector<16xi32> -> vector<16xf32>
            %gt3A_286 = arith.cmpi sgt, %gather3A_272, %select_n3A_259 : vector<16xi32>
            %select_n3A_287 = arith.select %gt3A_286, %gather3A_272, %select_n3A_259 : vector<16xi1>, vector<16xi32>
            %select_n3A_288 = arith.select %gt3A_286, %gather3A_285, %scan3A_251#1 : vector<16xi1>, vector<16xf32>
            %xor3A_289 = arith.constant 2 : i32
            %xor3A_290 = vector.broadcast %xor3A_289 : i32 to vector<16xi32>
            %xor3A_291 = arith.xori %iota3A, %xor3A_290 : vector<16xi32>
            %lt3A_292 = arith.constant 0 : i32
            %lt3A_293 = vector.broadcast %lt3A_292 : i32 to vector<16xi32>
            %lt3A_294 = arith.cmpi slt, %xor3A_291, %lt3A_293 : vector<16xi32>
            %add3A_295 = arith.constant 16 : i32
            %add3A_296 = vector.broadcast %add3A_295 : i32 to vector<16xi32>
            %add3A_297 = arith.addi %xor3A_291, %add3A_296 : vector<16xi32>
            %select_n3A_298 = arith.select %lt3A_294, %add3A_297, %xor3A_291 : vector<16xi1>, vector<16xi32>
            %broadcast_in_dim3A_299 = vector.shape_cast %select_n3A_298 : vector<16xi32> to vector<16x1xi32>
            %gather3A_300 = vector.shape_cast %broadcast_in_dim3A_299 : vector<16x1xi32> to vector<16xi32>
            %gather3A_301 = tpu.dynamic_gather %select_n3A_287[%gather3A_300] in [0] : vector<16xi32>, vector<16xi32> -> vector<16xi32>
            %xor3A_302 = arith.constant 2 : i32
            %xor3A_303 = vector.broadcast %xor3A_302 : i32 to vector<16xi32>
            %xor3A_304 = arith.xori %iota3A, %xor3A_303 : vector<16xi32>
            %lt3A_305 = arith.constant 0 : i32
            %lt3A_306 = vector.broadcast %lt3A_305 : i32 to vector<16xi32>
            %lt3A_307 = arith.cmpi slt, %xor3A_304, %lt3A_306 : vector<16xi32>
            %add3A_308 = arith.constant 16 : i32
            %add3A_309 = vector.broadcast %add3A_308 : i32 to vector<16xi32>
            %add3A_310 = arith.addi %xor3A_304, %add3A_309 : vector<16xi32>
            %select_n3A_311 = arith.select %lt3A_307, %add3A_310, %xor3A_304 : vector<16xi1>, vector<16xi32>
            %broadcast_in_dim3A_312 = vector.shape_cast %select_n3A_311 : vector<16xi32> to vector<16x1xi32>
            %gather3A_313 = vector.shape_cast %broadcast_in_dim3A_312 : vector<16x1xi32> to vector<16xi32>
            %gather3A_314 = tpu.dynamic_gather %select_n3A_288[%gather3A_313] in [0] : vector<16xf32>, vector<16xi32> -> vector<16xf32>
            %gt3A_315 = arith.cmpi sgt, %gather3A_301, %select_n3A_287 : vector<16xi32>
            %select_n3A_316 = arith.select %gt3A_315, %gather3A_301, %select_n3A_287 : vector<16xi1>, vector<16xi32>
            %select_n3A_317 = arith.select %gt3A_315, %gather3A_314, %select_n3A_288 : vector<16xi1>, vector<16xf32>
            %xor3A_318 = arith.constant 4 : i32
            %xor3A_319 = vector.broadcast %xor3A_318 : i32 to vector<16xi32>
            %xor3A_320 = arith.xori %iota3A, %xor3A_319 : vector<16xi32>
            %lt3A_321 = arith.constant 0 : i32
            %lt3A_322 = vector.broadcast %lt3A_321 : i32 to vector<16xi32>
            %lt3A_323 = arith.cmpi slt, %xor3A_320, %lt3A_322 : vector<16xi32>
            %add3A_324 = arith.constant 16 : i32
            %add3A_325 = vector.broadcast %add3A_324 : i32 to vector<16xi32>
            %add3A_326 = arith.addi %xor3A_320, %add3A_325 : vector<16xi32>
            %select_n3A_327 = arith.select %lt3A_323, %add3A_326, %xor3A_320 : vector<16xi1>, vector<16xi32>
            %broadcast_in_dim3A_328 = vector.shape_cast %select_n3A_327 : vector<16xi32> to vector<16x1xi32>
            %gather3A_329 = vector.shape_cast %broadcast_in_dim3A_328 : vector<16x1xi32> to vector<16xi32>
            %gather3A_330 = tpu.dynamic_gather %select_n3A_316[%gather3A_329] in [0] : vector<16xi32>, vector<16xi32> -> vector<16xi32>
            %xor3A_331 = arith.constant 4 : i32
            %xor3A_332 = vector.broadcast %xor3A_331 : i32 to vector<16xi32>
            %xor3A_333 = arith.xori %iota3A, %xor3A_332 : vector<16xi32>
            %lt3A_334 = arith.constant 0 : i32
            %lt3A_335 = vector.broadcast %lt3A_334 : i32 to vector<16xi32>
            %lt3A_336 = arith.cmpi slt, %xor3A_333, %lt3A_335 : vector<16xi32>
            %add3A_337 = arith.constant 16 : i32
            %add3A_338 = vector.broadcast %add3A_337 : i32 to vector<16xi32>
            %add3A_339 = arith.addi %xor3A_333, %add3A_338 : vector<16xi32>
            %select_n3A_340 = arith.select %lt3A_336, %add3A_339, %xor3A_333 : vector<16xi1>, vector<16xi32>
            %broadcast_in_dim3A_341 = vector.shape_cast %select_n3A_340 : vector<16xi32> to vector<16x1xi32>
            %gather3A_342 = vector.shape_cast %broadcast_in_dim3A_341 : vector<16x1xi32> to vector<16xi32>
            %gather3A_343 = tpu.dynamic_gather %select_n3A_317[%gather3A_342] in [0] : vector<16xf32>, vector<16xi32> -> vector<16xf32>
            %gt3A_344 = arith.cmpi sgt, %gather3A_330, %select_n3A_316 : vector<16xi32>
            %select_n3A_345 = arith.select %gt3A_344, %gather3A_330, %select_n3A_316 : vector<16xi1>, vector<16xi32>
            %select_n3A_346 = arith.select %gt3A_344, %gather3A_343, %select_n3A_317 : vector<16xi1>, vector<16xf32>
            %xor3A_347 = arith.constant 8 : i32
            %xor3A_348 = vector.broadcast %xor3A_347 : i32 to vector<16xi32>
            %xor3A_349 = arith.xori %iota3A, %xor3A_348 : vector<16xi32>
            %lt3A_350 = arith.constant 0 : i32
            %lt3A_351 = vector.broadcast %lt3A_350 : i32 to vector<16xi32>
            %lt3A_352 = arith.cmpi slt, %xor3A_349, %lt3A_351 : vector<16xi32>
            %add3A_353 = arith.constant 16 : i32
            %add3A_354 = vector.broadcast %add3A_353 : i32 to vector<16xi32>
            %add3A_355 = arith.addi %xor3A_349, %add3A_354 : vector<16xi32>
            %select_n3A_356 = arith.select %lt3A_352, %add3A_355, %xor3A_349 : vector<16xi1>, vector<16xi32>
            %broadcast_in_dim3A_357 = vector.shape_cast %select_n3A_356 : vector<16xi32> to vector<16x1xi32>
            %gather3A_358 = vector.shape_cast %broadcast_in_dim3A_357 : vector<16x1xi32> to vector<16xi32>
            %gather3A_359 = tpu.dynamic_gather %select_n3A_345[%gather3A_358] in [0] : vector<16xi32>, vector<16xi32> -> vector<16xi32>
            %xor3A_360 = arith.constant 8 : i32
            %xor3A_361 = vector.broadcast %xor3A_360 : i32 to vector<16xi32>
            %xor3A_362 = arith.xori %iota3A, %xor3A_361 : vector<16xi32>
            %lt3A_363 = arith.constant 0 : i32
            %lt3A_364 = vector.broadcast %lt3A_363 : i32 to vector<16xi32>
            %lt3A_365 = arith.cmpi slt, %xor3A_362, %lt3A_364 : vector<16xi32>
            %add3A_366 = arith.constant 16 : i32
            %add3A_367 = vector.broadcast %add3A_366 : i32 to vector<16xi32>
            %add3A_368 = arith.addi %xor3A_362, %add3A_367 : vector<16xi32>
            %select_n3A_369 = arith.select %lt3A_365, %add3A_368, %xor3A_362 : vector<16xi1>, vector<16xi32>
            %broadcast_in_dim3A_370 = vector.shape_cast %select_n3A_369 : vector<16xi32> to vector<16x1xi32>
            %gather3A_371 = vector.shape_cast %broadcast_in_dim3A_370 : vector<16x1xi32> to vector<16xi32>
            %gather3A_372 = tpu.dynamic_gather %select_n3A_346[%gather3A_371] in [0] : vector<16xf32>, vector<16xi32> -> vector<16xf32>
            %gt3A_373 = arith.cmpi sgt, %gather3A_359, %select_n3A_345 : vector<16xi32>
            %select_n3A_374 = arith.select %gt3A_373, %gather3A_359, %select_n3A_345 : vector<16xi1>, vector<16xi32>
            %select_n3A_375 = arith.select %gt3A_373, %gather3A_372, %select_n3A_346 : vector<16xi1>, vector<16xf32>
            %ge3A_376 = arith.constant 0 : i32
            %ge3A_377 = vector.broadcast %ge3A_376 : i32 to vector<16xi32>
            %ge3A_378 = arith.cmpi sge, %select_n3A_374, %ge3A_377 : vector<16xi32>
            %sub3A_379 = arith.subf %max3A_246, %select_n3A_375 : vector<16xf32>
            %neg3A = arith.constant 0.000000e+00 : f32
            %neg3A_380 = vector.broadcast %neg3A : f32 to vector<16xf32>
            %neg3A_381 = arith.subf %neg3A_380, %sub3A_379 : vector<16xf32>
            %exp3A = math.exp %neg3A_381 : vector<16xf32>
            %select_n3A_382 = arith.select %ge3A_378, %exp3A, %broadcast_in_dim3A_12 : vector<16xi1>, vector<16xf32>
            %get3A_383 = arith.index_cast %mul3A_187 : i32 to index
            %get3A_384 = tpu.vector_load %arg8[%get3A_383] {strides = array<i32>} : memref<256xf32, #tpu.memory_space<vmem>>, vector<16xf32>,
            %get3A_385 = vector.shape_cast %get3A_384 : vector<16xf32> to vector<16xf32>
            %select_n3A_386 = arith.select %eq3A_189, %select_n3A_382, %get3A_385 : vector<16xi1>, vector<16xf32>
            %swap3A_387 = arith.index_cast %mul3A_187 : i32 to index
            %swap3A_388 = tpu.vector_load %arg8[%swap3A_387] {strides = array<i32>} : memref<256xf32, #tpu.memory_space<vmem>>, vector<16xf32>,
            %swap3A_389 = vector.shape_cast %swap3A_388 : vector<16xf32> to vector<16xf32>
            %swap3A_390 = vector.shape_cast %select_n3A_386 : vector<16xf32> to vector<16xf32>
            tpu.vector_store %arg8[%swap3A_387], %swap3A_390 {strides = array<i32>} : memref<256xf32, #tpu.memory_space<vmem>>, vector<16xf32>,
          } else {
          }
        }
        %scan3A_148 = arith.constant 16 : i32
      }
    } else {
    }
    "tpu.region"() ({
      %run_scoped3A = tpu.sem_alloc : memref<!tpu.dma_semaphore, #tpu.memory_space<semaphore_mem>>
      %dma_start3A_105 = tpu.memref_slice %arg5[%mul3A_2] : memref<8192xf32, #tpu.memory_space<hbm>> -> memref<256xf32, #tpu.memory_space<hbm>>
      %dma_start3A_106 = tpu.memref_slice %arg5[%mul3A_2] : memref<8192xf32, #tpu.memory_space<hbm>> -> memref<256xf32, #tpu.memory_space<hbm>>
      tpu.enqueue_dma source(%arg8 : memref<256xf32, #tpu.memory_space<vmem>>) target(%dma_start3A_106 : memref<256xf32, #tpu.memory_space<hbm>>) target_semaphore(%run_scoped3A : memref<!tpu.dma_semaphore, #tpu.memory_space<semaphore_mem>>)
      %dma_wait3A_107 = tpu.memref_slice %arg5[%mul3A_2] : memref<8192xf32, #tpu.memory_space<hbm>> -> memref<256xf32, #tpu.memory_space<hbm>>
      %dma_wait3A_108 = tpu.memref_slice %arg5[%mul3A_2] : memref<8192xf32, #tpu.memory_space<hbm>> -> memref<256xf32, #tpu.memory_space<hbm>>
      tpu.wait_dma2 semaphore(%run_scoped3A : memref<!tpu.dma_semaphore, #tpu.memory_space<semaphore_mem>>) src(%arg8 : memref<256xf32, #tpu.memory_space<vmem>>) dst(%dma_wait3A_108 : memref<256xf32, #tpu.memory_space<hbm>>)
      tpu.yield
    }) : () -> ()
    return
  }
}

</mosaic_0001>

<sc_bundles>
// kernel: _sc_call.3.cloned.1.call-start
scs
__scs_entry_jumppad:
0x0: {  	(pc) =	sbr.rel $0x88, $3  }
0x1: {  	(tag) =	ssettag $0x0;
	lr =	simm.s32 $0x1  }
0x2: {  	[smem:$0x3F9E] =	sst lr;
	_ =	strace $0xD0000000  }
0x3: {  	_ = 	snop  }
0x4: {  	_ = 	snop  }
0x5: {  	_ = 	snop  }
0x6: {  	_ = 	snop  }
0x7: {  	_ = 	snop  }
__scs_overlays_trampoline_lowered:
0x8: {  	[smem:$0x3FAD] =	sst s0  }
0x9: {  	[smem:$0x3FAE] =	sst s1  }
0xa: {  	[smem:$0x3FAF] =	sst s2  }
0xb: {  	[smem:$0x3FB0] =	sst s3  }
0xc: {  	[smem:$0x3FB1] =	sst s4  }
0xd: {  	[smem:$0x3FB2] =	sst s5  }
0xe: {  	[smem:$0x3FB3] =	sst s6  }
0xf: {  	[smem:$0x3FB4] =	sst s7  }
0x10: {  	[smem:$0x3FB5] =	sst s8  }
0x11: {  	[smem:$0x3FB6] =	sst s9;
	s0 =	simm.s32 @!p0 $0x0  }
0x12: {  	s1 =	sld [smem:$0x3F9C];
	s0 =	simm.s32 @p0 $0x1  }
0x13: {  	[smem:$0x3FB7] =	sst s0;
	s0 =	simm.s32 @!p1 $0x0  }
0x14: {  	s2 =	sld [smem:$0x3F9B];
	s0 =	simm.s32 @p1 $0x1  }
0x15: {  	[smem:$0x3FB8] =	sst s0;
	s0 =	simm.s32 @!p2 $0x0  }
0x16: {  	s3 =	sld [smem:$0x3FDB];
	s0 =	simm.s32 @p2 $0x1  }
0x17: {  	s4 =	simm.s32 $0x1BF5;
	[smem:$0x3FBA] =	sst s0  }
0x18: {  	s0 =	sld [smem:$0x3F9D];
	_ =	swait.ge [sflag:s4], $0x0  }
0x19: {  	s7 =	sld [smem:$0x3F9E]  }
0x1a: {  	s8 =	sadd.s32 $0xFFFFE003, lr  }
0x1b: {  	s9 =	sadd.s32 $0xFFFFFEF7, lr;
	s5 =	simm.s32 $0xFFFFFFFF;
	p2 =	slt.u32 s8, $0xFFFFF086  }
0x1c: {  	p1 =	slt.u32 s9, $0xF7A;
	s5 =	simm.s32 @!p2 $0x0  }
0x1d: {  	s5 =	simm.s32 @p1 $0x1;
	p0 =	seq.s32 s7, s2  }
0x1e: {  	s7 =	smul.u32 @!p0 $0xF7A, s2;
	p2 =	seq.s32 @!p0 s5, $0x0  }
0x1f: {  	s9 =	smul.u32 $0xF7A, s1;
	s8 =	simm.s32 @!p0 $0x1BF5;
	p2 =	por !p2, p0  }
0x20: {  	[sflag:s8] =	ssyncset.s32 @!p0 $0xFFFFF086;
	s6 =	sadd.s32 @!p0 s3, s7;
	s7 =	simm.s32 @!p0 $0x108  }
0x21: {  	s3 =	sadd.s32 s3, s9;
	s6 =	sadd.s32 @!p0 $0x88, s6;
	s7 =	simm.s32 @p2 $0x1082  }
0x22: {  	[simem:s7], [sflag:s8] =	dma.local @!p0 [hbm:s6], $0xF7A  }
0x23: {  	s9 =	sor.u32 $0xD0000000, s2;
	s6 =	simm.s32 $0x108;
	_ =	swait.ge @!p0 [sflag:s8], $0x0  }
0x24: {  	s3 =	sadd.s32 $0x88, s3;
	s6 =	simm.s32 @!p1 $0x1082;
	[sflag:s4] =	ssyncset.s32 $0xFFFFF086  }
0x25: {  	[simem:s6], [sflag:s4] =	dma.local [hbm:s3], $0xF7A  }
0x26: {  	[smem:$0x3F9E] =	sst s1;
	(tag) =	ssettag s2;
	_ =	strace s9  }
0x27: {  	s1 =	sld [smem:$0x3FAE]  }
0x28: {  	s2 =	sld [smem:$0x3FAF]  }
0x29: {  	s4 =	sld [smem:$0x3FB1]  }
0x2a: {  	p0 =	seq.s32 s5, $0x0;
	s5 =	sld [smem:$0x3FB2]  }
0x2b: {  	s6 =	sld [smem:$0x3FB3]  }
0x2c: {  	s7 =	sld [smem:$0x3FB4]  }
0x2d: {  	s3 =	simm.s32 $0x108;
	s8 =	sld [smem:$0x3FB5]  }
0x2e: {  	s3 =	simm.s32 @!p0 $0x1082;
	s9 =	sld [smem:$0x3FB6]  }
0x2f: {  	lr =	sadd.s32 s0, s3;
	s0 =	sld [smem:$0x3FAD]  }
0x30: {  	s3 =	sld [smem:$0x3FB0]  }
0x31: {  	[smem:$0x3FB9] =	sst s10  }
0x32: {  	s10 =	sld [smem:$0x3FB7];
	_ =	sdelay $0x3  }
0x33: {  	p0 =	seq.s32 s10, $0x1;
	s10 =	sld [smem:$0x3FB9];
	_ =	sdelay $0x3  }
0x34: {  	[smem:$0x3FB9] =	sst s10  }
0x35: {  	s10 =	sld [smem:$0x3FB8];
	_ =	sdelay $0x3  }
0x36: {  	p1 =	seq.s32 s10, $0x1;
	s10 =	sld [smem:$0x3FB9];
	_ =	sdelay $0x3  }
0x37: {  	[smem:$0x3FB9] =	sst s10  }
0x38: {  	s10 =	sld [smem:$0x3FBA]  }
0x39: {  	_ = 	snop;
	(pc) =	sbr.ind lr, $3  }
0x3a: {  	_ = 	snop  }
0x3b: {  	_ = 	snop  }
0x3c: {  	p2 =	seq.s32 s10, $0x1;
	s10 =	sld [smem:$0x3FB9]  }
0x3d: {  	_ =	shalt  }
0x3e: {  	_ =	shalt  }
0x3f: {  	_ =	shalt  }
0x40: {  	_ =	shalt  }
0x41: {  	_ =	shalt  }
0x42: {  	_ =	shalt  }
0x43: {  	_ =	shalt  }
0x44: {  	_ =	shalt  }
0x45: {  	_ =	shalt  }
0x46: {  	_ =	shalt  }
0x47: {  	_ =	shalt  }
0x48: {  	_ =	shalt  }
0x49: {  	_ =	shalt  }
0x4a: {  	_ =	shalt  }
0x4b: {  	_ =	shalt  }
0x4c: {  	_ =	shalt  }
0x4d: {  	_ =	shalt  }
0x4e: {  	_ =	shalt  }
0x4f: {  	_ =	shalt  }
0x50: {  	_ =	shalt  }
0x51: {  	_ =	shalt  }
0x52: {  	_ =	shalt  }
0x53: {  	_ =	shalt  }
0x54: {  	_ =	shalt  }
0x55: {  	_ =	shalt  }
0x56: {  	_ =	shalt  }
0x57: {  	_ =	shalt  }
0x58: {  	_ =	shalt  }
0x59: {  	_ =	shalt  }
0x5a: {  	_ =	shalt  }
0x5b: {  	_ =	shalt  }
0x5c: {  	_ =	shalt  }
0x5d: {  	_ =	shalt  }
0x5e: {  	_ =	shalt  }
0x5f: {  	_ =	shalt  }
0x60: {  	_ =	shalt  }
0x61: {  	_ =	shalt  }
0x62: {  	_ =	shalt  }
0x63: {  	_ =	shalt  }
0x64: {  	_ =	shalt  }
0x65: {  	_ =	shalt  }
0x66: {  	_ =	shalt  }
0x67: {  	_ =	shalt  }
0x68: {  	_ =	shalt  }
0x69: {  	_ =	shalt  }
0x6a: {  	_ =	shalt  }
0x6b: {  	_ =	shalt  }
0x6c: {  	_ =	shalt  }
0x6d: {  	_ =	shalt  }
0x6e: {  	_ =	shalt  }
0x6f: {  	_ =	shalt  }
0x70: {  	_ =	shalt  }
0x71: {  	_ =	shalt  }
0x72: {  	_ =	shalt  }
0x73: {  	_ =	shalt  }
0x74: {  	_ =	shalt  }
0x75: {  	_ =	shalt  }
0x76: {  	_ =	shalt  }
0x77: {  	_ =	shalt  }
0x78: {  	_ =	shalt  }
0x79: {  	_ =	shalt  }
0x7a: {  	_ =	shalt  }
0x7b: {  	_ =	shalt  }
0x7c: {  	_ =	shalt  }
0x7d: {  	_ =	shalt  }
0x7e: {  	_ =	shalt  }
0x7f: {  	_ =	shalt  }
0x80: {  	_ =	shalt  }
0x81: {  	_ =	shalt  }
0x82: {  	_ =	shalt  }
0x83: {  	_ =	shalt  }
0x84: {  	_ =	shalt  }
0x85: {  	_ =	shalt  }
0x86: {  	_ =	shalt  }
0x87: {  	_ =	shalt  }
.Lfunc_end0:
.L_simem_size_0:
called_computation_lowered:
.L_overlay_start_0:
0x88: {  	s2 =	sld [smem:$0x3FD9]  }
0x89: {  	s3 =	sld [smem:$0x3FFE];
	_ =	sdelay $0x1  }
0x8a: {  	s1 =	srdreg.scid  }
0x8b: {  	s0 =	sand.u32 $0x1, s1  }
0x8c: {  	s18 =	sshll.u32 s0, $0xA;
	s2 =	sadd.s32 s3, s2  }
0x8d: {  	s2 =	sadd.s32 s2, s18  }
0x8e: {  	[smem:$0x3FC5] =	sst s2  }
0x8f: {  	_ = 	snop  }
0x90: {  	s2 =	sld [smem:$0x3FC9]  }
0x91: {  	s19 =	sld [smem:$0x3FC8]  }
0x92: {  	s4 =	sld [smem:$0x3FC7]  }
0x93: {  	s5 =	sld [smem:$0x3FD0];
	(tm) =	ssettm $0x1  }
0x94: {  	s6 =	sld [smem:$0x3FFB];
	_ =	sdelay $0x3  }
0x95: {  	_ =	strace s6  }
0x96: {  	s6 =	sld [smem:$0x3FFC];
	_ =	sdelay $0x3  }
0x97: {  	_ =	strace s6  }
0x98: {  	s6 =	sld [smem:$0x3FFD];
	_ =	sdelay $0x3  }
0x99: {  	_ =	strace s6  }
0x9a: {  	_ =	strace $0x8FFFFFFF  }
0x9b: {  	s20 =	sld [smem:$0x3FDB];
	_ =	sdelay $0x1  }
0x9c: {  	s7 =	simm.s32 $_scs_section_size  }
0x9d: {  	s8 =	simm.s32 $_size__tile_overlayer_lowered;
	s9 =	simm.s32 $_tile_overlayer_lowered  }
0x9e: {  	s23 =	simm.s32 $0x1BFF;
	s22 =	sshll.u32 s9, $0x1;
	s6 =	sadd.s32 s7, s20  }
0x9f: {  	s10 =	simm.s32 $0x0;
	s21 =	sshll.u32 s8, $0x1;
	s8 =	sadd.s32 s22, s6  }
0xa0: {  	[timem:s10], [sflag:s23] =	dma.local [hbm:s8], s21  }
0xa1: {  	_ =	swait.ge [sflag:s23], s21  }
0xa2: {  	s7 =	ssub.s32 $0x0, s21;
	[sflag:s23] =	ssyncset.done $0x0  }
0xa3: {  	[sflag:s23] =	ssyncadd.s32 s7;
	_ =	sdelay $0x1  }
0xa4: {  	s24 =	simm.s32 $0x1B8B  }
0xa5: {  	_ =	swait.ge [sflag:s24], $0x1  }
0xa6: {  	[sflag:s24] =	ssyncset.done $0x0  }
0xa7: {  	s25 =	simm.s32 $0x1B8E;
	[sflag:s24] =	ssyncadd.s32 $0xFFFFFFFF  }
0xa8: {  	s26 =	simm.s32 $execute0_lowered;
	[smem:$0x3FD2] =	sst s25  }
0xa9: {  	s7 =	sshll.u32 s26, $0x1;
	_ =	strace $0x80000046;
	[dreg:$0x1] =	wrdreg $0xFFFFFFFF  }
0xaa: {  	s28 =	simm.s32 $_size_execute0_lowered;
	s6 =	sadd.s32 s6, s7;
	[dreg:$0x0] =	wrdreg $0x0  }
0xab: {  	s7 =	sshll.u32 s28, $0x1;
	[dreg:$0x2] =	wrdreg s6  }
0xac: {  	[dreg:$0x3] =	wrdreg s7  }
0xad: {  	[dreg:$0x4] =	wrdreg $0xC0  }
0xae: {  	_ =	task [dreg:s10], $0x5FFFF  }
0xaf: {  	[dreg:$0x1] =	wrdreg $0xFFFFFFFF  }
0xb0: {  	[dreg:$0x0] =	wrdreg $0x60  }
0xb1: {  	[dreg:$0x2] =	wrdreg s2  }
0xb2: {  	[dreg:$0x3] =	wrdreg s19  }
0xb3: {  	[dreg:$0x4] =	wrdreg s4  }
0xb4: {  	[dreg:$0x5] =	wrdreg s5  }
0xb5: {  	[dreg:$0x6] =	wrdreg $0x9  }
0xb6: {  	_ =	task.clear_ibuf [dreg:s10], $0x7FFFF;
	_ =	strace $0x90000046  }
0xb7: {  	s29 =	simm.s32 $0x9;
	_ =	strace $0x80000048  }
0xb8: {  	_ =	swait.ge [sflag:s29], $0x1  }
0xb9: {  	[sflag:s29] =	ssyncadd.s32 $0xFFFFFFFF  }
0xba: {  	_ =	strace $0x90000048  }
0xbb: {  	_ =	sfence  }
0xbc: {  	s30 =	sld [smem:$0x0];
	_ =	sdelay $0x2  }
0xbd: {  	s31 =	sshll.u32 s1, $0xD;
	s1 =	sshrl.u32 s1, $0x2  }
0xbe: {  	s3 =	sand.u32 $0x4000, s31;
	s1 =	sadd.s32 s1, s30  }
0xbf: {  	s0 =	sor.u32 s3, s0;
	s1 =	sshll.u32 s1, $0x11  }
0xc0: {  	s0 =	sor.u32 s1, s0  }
0xc1: {  	s0 =	sadd.s32 $0x8F2B, s0  }
0xc2: {  	[sflag:s0] =	ssyncadd.remote.s32 $0x1  }
0xc3: {  	_ =	sfence.sel $0xFFFF  }
0xc4: {  	[dreg:$0x0] =	wrdreg $0xFFFFFFFF;
	(pc) =	sbr.abs _section_cstart, $3  }
0xc5: {  	[dreg:$0x1] =	wrdreg $0xFFFFFFFF  }
0xc6: {  	_ =	task.clear_ibuf [dreg:s10], $0x2FFFF;
	_ =	strace $0x9FFFFFFF  }
0xc7: {  	(tm) =	ssettm $0x7FFFFFFF  }
tec
execute0_lowered:
.L_overlay_start_1:
0x0: {  	(tag) =	ssettag $0x1  }
0x1: {  	s0 =	rddreg [dreg:$0x0]  }
0x2: {  	s7 =	rddreg [dreg:$0x1]  }
0x3: {  	s1 =	rddreg [dreg:$0x2]  }
0x4: {  	s2 =	rddreg [dreg:$0x3]  }
0x5: {  	s3 =	srdreg.scid;
	s8 =	simm.s32 $0x0;
	s6 =	stileid.u32  }
0x6: {  	s3 =	sand.u32 $0x1, s3;
	[smem:$0x7FF] =	sst s8;
	s6 =	sshll.u32 s6, $0x1  }
0x7: {  	s20 =	sadd.s32 $0x100, s7;
	s21 =	sadd.s32 $0x200, s7;
	s22 =	sadd.s32 $0x300, s7  }
0x8: {  	v0 =	vimm.s32 $0xEFCDAB89;
	s23 =	sadd.s32 $0x400, s7;
	_ =	strace $0x80000047;
	[dreg:$0x7] =	wrdreg s20  }
0x9: {  	v3 =	vimm.s32 $0x67452301;
	v4 =	vimm.s32 $0xDCFE98BA;
	s24 =	sadd.s32 $0x500, s7;
	s12 =	sadd.s32 $0x600, s7;
	[dreg:$0x8] =	wrdreg s21  }
0xa: {  	v1 =	vimm.s32 $0x0;
	v5 =	vimm.s32 $0x54761032;
	v6 =	vimm.s32 $0xBA98FEDC;
	s13 =	sadd.s32 $0x700, s7;
	s4 =	ssub.s32 $0x2, s3;
	[dreg:$0x9] =	wrdreg s22  }
0xb: {  	v7 =	vimm.s32 $0x32107654;
	v8 =	vimm.s32 $0xFEDCBA98;
	v9 =	vimm.s32 $0x76543210;
	s3 =	sor.u32 s3, s6;
	[dreg:$0xa] =	wrdreg s23;
	s5 =	sshrl.u32 s4, $0x1  }
0xc: {  	v2 =	vunpack.c.l.s4.s8 v0;
	v3 =	vunpack.c.l.s4.s8 v3;
	v4 =	vunpack.c.l.s4.s8 v4;
	[dreg:$0xb] =	wrdreg s24;
	s6 =	sshll.u32 s3, $0xB;
	s5 =	ssub.s32 s4, s5  }
0xd: {  	v5 =	vunpack.c.l.s4.s8 v5;
	v6 =	vunpack.c.l.s4.s8 v6;
	v7 =	vunpack.c.l.s4.s8 v7;
	s4 =	sshll.u32 s3, $0x8;
	s3 =	sshll.u32 s3, $0x5;
	s1 =	sadd.s32 s1, s6  }
0xe: {  	v8 =	vunpack.c.l.s4.s8 v8;
	v9 =	vunpack.c.l.s4.s8 v9;
	v2 =	vunpack.c.0.s8.s32 v2;
	[dreg:$0x5] =	wrdreg s1;
	s0 =	sadd.s32 s0, s3;
	s25 =	sadd.s32 s2, s3  }
0xf: {  	v3 =	vunpack.c.0.s8.s32 v3;
	v4 =	vunpack.c.0.s8.s32 v4;
	v5 =	vunpack.c.0.s8.s32 v5;
	s26 =	smax.u32 s5, $0x1;
	s16 =	sor.u32 $0x1, s4;
	s17 =	sor.u32 $0x2, s4  }
0x10: {  	v6 =	vunpack.c.0.s8.s32 v6;
	v7 =	vunpack.c.0.s8.s32 v7;
	v8 =	vunpack.c.0.s8.s32 v8;
	s18 =	sor.u32 $0x3, s4;
	s19 =	sor.u32 $0x4, s4;
	s20 =	sor.u32 $0x5, s4  }
.Ltmp0:
0x11: {  	vm0 =	vmmov $0xffff;
	v9 =	vunpack.c.0.s8.s32 v9;
	s21 =	sor.u32 $0x9, s4;
	s22 =	sor.u32 $0xA, s4;
	v2 =	vcombine.low v3, v2;
	(pc) =	sbr.rel .LBB2_1-.Ltmp0, $4  }
0x12: {  	s23 =	sor.u32 $0x6, s4;
	s24 =	sor.u32 $0x7, s4;
	s28 =	sor.u32 $0xC, s4;
	v3 =	vcombine.low v5, v4;
	v4 =	vcombine.low v7, v6;
	v6 =	vand.u32 $0xF, v8  }
0x13: {  	s29 =	sor.u32 $0xD, s4;
	s30 =	sor.u32 $0xE, s4;
	v5 =	vlaneseq.u32;
	[dreg:$0x6] =	wrdreg s0;
	v6 =	vcombine.low v6, v9;
	v9 =	vimm.s32 $0x0  }
0x14: {  	v0 =	vmov s4;
	s31 =	sor.u32 $0xF, s4;
	s2 =	simm.s32 $0x0;
	[dreg:$0xc] =	wrdreg s25;
	v8 =	vshrl.u32 v5, $0x3;
	v9 =	vsel vm0, $0xFFFFFFFF, v9  }
0x15: {  	[dreg:$0xd] =	wrdreg s26;
	s25 =	sor.u32 $0x8, s4;
	s26 =	sor.u32 $0xB, s4;
	v7 =	vand.u32 $0x7, v5;
	v8 =	vmul.u32 $0x8, v8;
	[tilespmem:$0x1FFF0] =	vst v9;
	v9 =	vor.u32 $0x8, v5  }
.LBB2_17:
0x16: {  	s8 =	simm.s32 $0x0  }
0x17: {  	s0 =	rddreg [dreg:$0xc];
	s1 =	simm.s32 $0x4100;
	s14 =	simm.s32 $0x3  }
0x18: {  	[hbm4b:s0+s8] =	stream.linear.scatter [tilespmem:s1], [sflag:$0x3], $0x100, $0x38;
	[tilespmem:$0xC380] =	vst v63  }
0x19: {  	_ =	swait.ge [sflag:s14], $0x100  }
0x1a: {  	s2 =	rddreg [dreg:$0xe]  }
0x1b: {  	s15 =	rddreg [dreg:$0xd];
	s2 =	sadd.s32 $0x1, s2  }
0x1c: {  	p0 =	sne.s32 s2, s15  }
.Ltmp1:
0x1d: {  	_ = 	snop;
	(pc) =	sbr.rel @!p0 .LBB2_18-.Ltmp1, $3  }
0x1e: {  	_ =	sdelay $0x1  }
0x1f: {  	[sflag:s14] =	ssyncset.done $0x0  }
0x20: {  	[sflag:s14] =	ssyncadd.s32 $0xFFFFFF00  }
.LBB2_1:
0x21: {  	s0 =	rddreg [dreg:$0x5]  }
0x22: {  	[tilespmem:s8], [sflag:$0x1] =	stream.linear.gather [hbm4b:s0+s8], $0x4000, $0x38;
	[tilespmem:$0xC380] =	vst v63  }
0x23: {  	s11 =	rddreg [dreg:$0x6];
	s1 =	simm.s32 $0x4000  }
0x24: {  	[tilespmem:s1], [sflag:$0x2] =	stream.linear.gather [hbm4b:s11+s8], $0x100, $0x38;
	[tilespmem:$0xC380] =	vst v63  }
0x25: {  	[tilespmem:$0x4200] =	vst v0  }
0x26: {  	[tilespmem:$0x4210] =	vst v0  }
0x27: {  	[tilespmem:$0x4220] =	vst v0  }
0x28: {  	[tilespmem:$0x4230] =	vst v0  }
0x29: {  	[tilespmem:$0x4240] =	vst v0  }
0x2a: {  	[tilespmem:$0x4250] =	vst v0  }
0x2b: {  	[tilespmem:$0x4260] =	vst v0  }
0x2c: {  	[tilespmem:$0x4270] =	vst v0  }
0x2d: {  	[tilespmem:$0x4280] =	vst v0  }
0x2e: {  	[tilespmem:$0x4290] =	vst v0  }
0x2f: {  	[tilespmem:$0x42A0] =	vst v0  }
0x30: {  	[tilespmem:$0x42B0] =	vst v0  }
0x31: {  	[tilespmem:$0x42C0] =	vst v0  }
0x32: {  	[tilespmem:$0x42D0] =	vst v0  }
0x33: {  	[tilespmem:$0x42E0] =	vst v0  }
0x34: {  	[tilespmem:$0x42F0] =	vst v0  }
0x35: {  	[dreg:$0xe] =	wrdreg s2;
	s14 =	simm.s32 $0x1;
	[tilespmem:$0x4300] =	vst v0  }
0x36: {  	_ =	swait.ge [sflag:s14], $0x4000  }
.Ltmp2:
0x37: {  	[sflag:s14] =	ssyncset.done $0x0;
	(pc) =	sbr.rel .LBB2_2-.Ltmp2, $4  }
0x38: {  	s15 =	simm.s32 $0x2;
	[sflag:s14] =	ssyncadd.s32 $0xFFFFC000  }
0x39: {  	s5 =	simm.s32 $0x0;
	_ =	swait.ge [sflag:s15], $0x100  }
0x3a: {  	s6 =	simm.s32 $0x0;
	s3 =	simm.s32 $0x0;
	[sflag:s15] =	ssyncset.done $0x0  }
0x3b: {  	s0 =	simm.s32 $0x0;
	s14 =	simm.s32 $0x0;
	[sflag:s15] =	ssyncadd.s32 $0xFFFFFF00  }
.LBB2_8:
0x3c: {  	s14 =	sadd.s32 $0x1, s14  }
0x3d: {  	p0 =	sne.s32 s14, $0x8  }
.Ltmp3:
0x3e: {  	_ = 	snop;
	(pc) =	sbr.rel @!p0 .LBB2_9-.Ltmp3, $3  }
0x3f: {  	_ =	sdelay $0x1  }
0x40: {  	s3 =	sadd.s32 s2, s1  }
0x41: {  	s6 =	sadd.s32 $0x100, s6;
	s5 =	sadd.s32 $0x2, s5;
	s0 =	sadd.s32 $0x1, s0  }
.LBB2_2:
0x42: {  	s1 =	sshll.u32 s6, $0x2;
	s2 =	sand.u32 $0x3, s0  }
0x43: {  	s7 =	sand.u32 $0xFFFFF000, s1;
	s15 =	sshll.u32 s2, $0x7  }
0x44: {  	s1 =	sor.u32 s15, s7  }
0x45: {  	s1 =	sshrl.u32 s1, $0x2  }
0x46: {  	v18 =	vmov s1;
	_ =	sdelay $0x1  }
0x47: {  	s1 =	sshll.u32 s14, $0x5  }
0x48: {  	v12 =	vld [tilespmem:s1+$0x4000]  }
0x49: {  	s2 =	simm.s32 $0x0;
	v10 =	vld [tilespmem:s1+$0x4010]  }
0x4a: {  	v13 =	vld.idx.msk [tilespmem:v18+s2+$0xB80 ss:$0x1], $0xffff  }
0x4b: {  	v15 =	vld.idx.msk [tilespmem:v18+s2+$0xB00 ss:$0x1], $0xffff  }
0x4c: {  	v17 =	vld.idx.msk [tilespmem:v18+s2+$0xA80 ss:$0x1], $0xffff  }
0x4d: {  	v14 =	vld.idx.msk [tilespmem:v18+s2+$0xA00 ss:$0x1], $0xffff  }
0x4e: {  	v16 =	vld.idx.msk [tilespmem:v18+s2+$0x980 ss:$0x1], $0xffff  }
0x4f: {  	v19 =	vld.idx.msk [tilespmem:v18+s2+$0x900 ss:$0x1], $0xffff  }
0x50: {  	s8 =	sand.u32 $0x7, s5;
	v20 =	vld.idx.msk [tilespmem:v18+s2+$0x880 ss:$0x1], $0xffff  }
0x51: {  	s8 =	sshll.u32 s8, $0x6;
	v21 =	vld.idx.msk [tilespmem:v18+s2+$0x800 ss:$0x1], $0xffff  }
0x52: {  	s7 =	sor.u32 s8, s7;
	v22 =	vld.idx.msk [tilespmem:v18+s2+$0x380 ss:$0x1], $0xffff  }
0x53: {  	s7 =	sshrl.u32 s7, $0x2;
	v24 =	vld.idx.msk [tilespmem:v18+s2+$0x300 ss:$0x1], $0xffff  }
0x54: {  	s7 =	sadd.s32 $0xB90, s7;
	v25 =	vld.idx.msk [tilespmem:v18+s2+$0x280 ss:$0x1], $0xffff  }
0x55: {  	v11 =	vmov s7;
	v26 =	vld.idx.msk [tilespmem:v18+s2+$0x200 ss:$0x1], $0xffff  }
0x56: {  	v27 =	vld.idx.msk [tilespmem:v18+s2+$0x180 ss:$0x1], $0xffff  }
0x57: {  	v28 =	vld.idx.msk [tilespmem:v18+s2+$0x100 ss:$0x1], $0xffff  }
0x58: {  	v30 =	vld.idx.msk [tilespmem:v18+s2+$0x80 ss:$0x1], $0xffff  }
0x59: {  	v29 =	vimm.f32 $3.399999950e+38;
	v23 =	vimm.f32 $3.399999950e+38;
	s15 =	sor.u32 $0x10, s1;
	s7 =	simm.s32 $0x4000;
	v31 =	vld.idx.msk [tilespmem:v18+s2+$0x0 ss:$0x1], $0xffff  }
.LBB2_3:
0x5a: {  	v32 =	vld.idx.msk [tilespmem:v11+s2+$0xFFFFF480 ss:$0x1], $0xffff  }
0x5b: {  	v33 =	vld.idx.msk [tilespmem:v11+s2+$0xFFFFF500 ss:$0x1], $0xffff  }
0x5c: {  	vm0 =	vle.f32 v13, v12;
	v34 =	vimm.s32 $0x0;
	v63 =	vld.idx.msk [tilespmem:v11+s2+$0xFFFFF580 ss:$0x1], $0xffff  }
0x5d: {  	v35 =	vld.idx.msk [tilespmem:v11+s2+$0xFFFFF600 ss:$0x1], $0xffff;
	v34 =	vsel vm0, $0xFFFFFFFF, v34;
	vm8 =	vle.f32 v21, v12  }
0x5e: {  	v36 =	vld.idx.msk [tilespmem:v11+s2+$0xFFFFF680 ss:$0x1], $0xffff;
	vm11 =	vle.f32 v25, v12;
	vm10 =	vle.f32 v24, v12;
	vm9 =	vle.f32 v22, v12  }
0x5f: {  	v37 =	vld.idx.msk [tilespmem:v11+s2+$0xFFFFF700 ss:$0x1], $0xffff;
	vm12 =	vle.f32 v28, v12;
	vm13 =	vle.f32 v27, v12;
	vm14 =	vle.f32 v26, v12  }
0x60: {  	v38 =	vld.idx.msk [tilespmem:v11+s2+$0xFFFFF780 ss:$0x1], $0xffff;
	vm15 =	vle.f32 v31, v12;
	vm1 =	vle.f32 v30, v12;
	vm0 =	vle.f32 v32, v10  }
0x61: {  	v29 =	vsel vm15, v31, v29;
	vm15 =	vle.f32 v33, v10;
	v31 =	vld.idx.msk [tilespmem:v11+s2+$0xFFFFF800 ss:$0x1], $0xffff;
	v23 =	vsel vm0, v32, v23  }
0x62: {  	v29 =	vsel vm1, v30, v29;
	v30 =	vld.idx.msk [tilespmem:v11+s2+$0xFFFFFC80 ss:$0x1], $0xffff;
	v23 =	vsel vm15, v33, v23;
	vm15 =	vle.f32 v63, v10  }
0x63: {  	v28 =	vsel vm12, v28, v29;
	vm12 =	vle.f32 v35, v10;
	v29 =	vld.idx.msk [tilespmem:v11+s2+$0xFFFFFD00 ss:$0x1], $0xffff;
	v23 =	vsel vm15, v63, v23  }
0x64: {  	v27 =	vsel vm13, v27, v28;
	vm15 =	vle.f32 v36, v10;
	v28 =	vld.idx.msk [tilespmem:v11+s2+$0xFFFFFD80 ss:$0x1], $0xffff;
	v23 =	vsel vm12, v35, v23  }
0x65: {  	v26 =	vsel vm14, v26, v27;
	vm12 =	vle.f32 v37, v10;
	v27 =	vld.idx.msk [tilespmem:v11+s2+$0xFFFFFE00 ss:$0x1], $0xffff;
	v23 =	vsel vm15, v36, v23  }
0x66: {  	vm13 =	vle.f32 v38, v10;
	v25 =	vsel vm11, v25, v26;
	v26 =	vld.idx.msk [tilespmem:v11+s2+$0xFFFFFE80 ss:$0x1], $0xffff;
	v23 =	vsel vm12, v37, v23  }
0x67: {  	vm14 =	vle.f32 v31, v10;
	v24 =	vsel vm10, v24, v25;
	v25 =	vld.idx.msk [tilespmem:v11+s2+$0xFFFFFF00 ss:$0x1], $0xffff;
	v23 =	vsel vm13, v38, v23  }
0x68: {  	vm15 =	vle.f32 v30, v10;
	v22 =	vsel vm9, v22, v24;
	v24 =	vld.idx.msk [tilespmem:v11+s2+$0xFFFFFF80 ss:$0x1], $0xffff;
	v23 =	vsel vm14, v31, v23  }
0x69: {  	v21 =	vsel vm8, v21, v22;
	v22 =	vsel vm15, v30, v23;
	v23 =	vld.idx.msk [tilespmem:v11+s2+$0x0 ss:$0x1], $0xffff;
	s2 =	sshra.s32 s7, $0x2  }
0x6a: {  	vm7 =	vle.f32 v20, v12;
	vm8 =	vle.f32 v29, v10;
	v30 =	vld.idx.msk [tilespmem:v18+s2+$0xB80 ss:$0x1], $0xffff  }
0x6b: {  	v20 =	vsel vm7, v20, v21;
	v21 =	vsel vm8, v29, v22;
	v22 =	vld.idx.msk [tilespmem:v18+s2+$0xB00 ss:$0x1], $0xffff  }
0x6c: {  	[tilespmem:$0x1FFE0] =	vst v34;
	vm6 =	vle.f32 v19, v12;
	vm9 =	vle.f32 v28, v10;
	v31 =	vld.idx.msk [tilespmem:v18+s2+$0x0 ss:$0x1], $0xffff  }
0x6d: {  	vm5 =	vle.f32 v16, v12;
	v19 =	vsel vm6, v19, v20;
	v20 =	vsel vm9, v28, v21;
	v28 =	vld.idx.msk [tilespmem:v18+s2+$0xA80 ss:$0x1], $0xffff  }
0x6e: {  	vm4 =	vle.f32 v14, v12;
	vm10 =	vle.f32 v27, v10;
	v16 =	vsel vm5, v16, v19;
	v21 =	vld [tilespmem:$0x1FFE0]  }
0x6f: {  	v19 =	vsel vm10, v27, v20;
	v20 =	vsel vm4, v14, v16;
	v14 =	vld.idx.msk [tilespmem:v18+s2+$0xA00 ss:$0x1], $0xffff  }
0x70: {  	v16 =	vld.idx.msk [tilespmem:v18+s2+$0x980 ss:$0x1], $0xffff  }
0x71: {  	vm2 =	vle.f32 v15, v12;
	vm11 =	vle.f32 v26, v10;
	v27 =	vld.idx.msk [tilespmem:v18+s2+$0x180 ss:$0x1], $0xffff  }
0x72: {  	vm3 =	vle.f32 v17, v12;
	vm12 =	vle.f32 v25, v10;
	v19 =	vsel vm11, v26, v19;
	v26 =	vld.idx.msk [tilespmem:v18+s2+$0x200 ss:$0x1], $0xffff  }
0x73: {  	vm13 =	vle.f32 v24, v10;
	v17 =	vsel vm3, v17, v20;
	v20 =	vsel vm12, v25, v19;
	v19 =	vld.idx.msk [tilespmem:v18+s2+$0x900 ss:$0x1], $0xffff  }
0x74: {  	v25 =	vsel vm2, v15, v17;
	v17 =	vsel vm13, v24, v20;
	v20 =	vld.idx.msk [tilespmem:v18+s2+$0x880 ss:$0x1], $0xffff  }
0x75: {  	p0 =	sne.s32 s7, $0xC000;
	v15 =	vmov v22;
	v22 =	vld.idx.msk [tilespmem:v18+s2+$0x380 ss:$0x1], $0xffff  }
.Ltmp4:
0x76: {  	v24 =	vld.idx.msk [tilespmem:v18+s2+$0x300 ss:$0x1], $0xffff;
	(pc) =	sbr.rel @p0 .LBB2_3-.Ltmp4, $4  }
0x77: {  	vm15 =	vnez.u8 v21;
	v21 =	vld.idx.msk [tilespmem:v18+s2+$0x800 ss:$0x1], $0xffff  }
0x78: {  	v29 =	vsel vm15, v13, v25;
	v25 =	vld.idx.msk [tilespmem:v18+s2+$0x280 ss:$0x1], $0xffff  }
0x79: {  	vm14 =	vle.f32 v23, v10;
	v13 =	vmov v30;
	v30 =	vld.idx.msk [tilespmem:v18+s2+$0x80 ss:$0x1], $0xffff  }
0x7a: {  	s7 =	sadd.s32 $0x4000, s7;
	v23 =	vsel vm14, v23, v17;
	v17 =	vmov v28;
	v28 =	vld.idx.msk [tilespmem:v18+s2+$0x100 ss:$0x1], $0xffff  }
0x7b: {  	_ =	sdelay $0x1  }
0x7c: {  	vm0 =	vle.f32 v31, v12  }
0x7d: {  	v18 =	vsel vm0, v31, v29;
	vm1 =	vle.f32 v30, v12  }
0x7e: {  	vm9 =	vle.f32 v28, v12;
	v18 =	vsel vm1, v30, v18  }
0x7f: {  	vm10 =	vle.f32 v27, v12;
	v18 =	vsel vm9, v28, v18  }
0x80: {  	vm11 =	vle.f32 v26, v12;
	v18 =	vsel vm10, v27, v18  }
0x81: {  	vm12 =	vle.f32 v25, v12;
	v18 =	vsel vm11, v26, v18  }
0x82: {  	vm13 =	vle.f32 v24, v12;
	v18 =	vsel vm12, v25, v18  }
0x83: {  	vm14 =	vle.f32 v22, v12;
	v18 =	vsel vm13, v24, v18  }
0x84: {  	vm15 =	vle.f32 v21, v12;
	v18 =	vsel vm14, v22, v18  }
0x85: {  	vm4 =	vle.f32 v20, v12;
	v18 =	vsel vm15, v21, v18  }
0x86: {  	vm5 =	vle.f32 v19, v12;
	v18 =	vsel vm4, v20, v18  }
0x87: {  	vm6 =	vle.f32 v16, v12;
	v18 =	vsel vm5, v19, v18  }
0x88: {  	vm7 =	vle.f32 v14, v12;
	v16 =	vsel vm6, v16, v18  }
0x89: {  	vm8 =	vle.f32 v17, v12;
	v14 =	vsel vm7, v14, v16  }
0x8a: {  	vm9 =	vle.f32 v15, v12;
	v14 =	vsel vm8, v17, v14  }
0x8b: {  	vm10 =	vle.f32 v13, v12;
	v14 =	vsel vm9, v15, v14  }
0x8c: {  	v14 =	vsel vm10, v13, v14  }
0x8d: {  	vm11 =	vlt.f32 v14, $9.999999680e+37  }
0x8e: {  	vm1 =	vmneg vm11  }
0x8f: {  	v13 =	vsel vm1, $0x1, v1  }
0x90: {  	v15 =	vperm.xlane v13, v2;
	_ =	sdelay $0x1  }
0x91: {  	v15 =	vadd.s32 v13, v15  }
0x92: {  	v51 =	vperm.xlane v15, v3;
	_ =	sdelay $0x1  }
0x93: {  	v15 =	vadd.s32 v51, v15  }
0x94: {  	v16 =	vperm.xlane v15, v4;
	_ =	sdelay $0x1  }
0x95: {  	v15 =	vadd.s32 v16, v15  }
0x96: {  	v54 =	vperm.xlane v15, v6;
	_ =	sdelay $0x1  }
0x97: {  	v15 =	vadd.s32 v54, v15  }
0x98: {  	v52 =	vld.idx.msk [tilespmem:v11+s2+$0xFFFFF480 ss:$0x1], $0xffff;
	(v2sf) =	vpush v15, $0x0  }
0x99: {  	v53 =	vld.idx.msk [tilespmem:v11+s2+$0xFFFFF500 ss:$0x1], $0xffff  }
0x9a: {  	v55 =	vld.idx.msk [tilespmem:v11+s2+$0xFFFFF580 ss:$0x1], $0xffff  }
0x9b: {  	v56 =	vld.idx.msk [tilespmem:v11+s2+$0xFFFFF600 ss:$0x1], $0xffff  }
0x9c: {  	v57 =	vld.idx.msk [tilespmem:v11+s2+$0xFFFFF680 ss:$0x1], $0xffff;
	v12 =	vsub.f32 v14, v12  }
0x9d: {  	vm12 =	vle.f32 v52, v10;
	v14 =	vld.idx.msk [tilespmem:v11+s2+$0xFFFFF700 ss:$0x1], $0xffff  }
0x9e: {  	vm13 =	vle.f32 v53, v10;
	v17 =	vsel vm12, v52, v23;
	v12 =	vadd.f32 $0.0e+00, v12;
	v15 =	vld.idx.msk [tilespmem:v11+s2+$0xFFFFF780 ss:$0x1], $0xffff  }
0x9f: {  	v58 =	vld.idx.msk [tilespmem:v11+s2+$0xFFFFF800 ss:$0x1], $0xffff;
	vm14 =	vle.f32 v55, v10;
	v16 =	vsel vm13, v53, v17  }
0xa0: {  	v59 =	vld.idx.msk [tilespmem:v11+s2+$0xFFFFFC80 ss:$0x1], $0xffff;
	vm15 =	vle.f32 v56, v10;
	v12 =	vmul.f32 $1.442695020e+00, v12;
	v16 =	vsel vm14, v55, v16  }
0xa1: {  	v60 =	vld.idx.msk [tilespmem:v11+s2+$0xFFFFFD00 ss:$0x1], $0xffff;
	vm4 =	vle.f32 v57, v10;
	v16 =	vsel vm15, v56, v16  }
0xa2: {  	v61 =	vld.idx.msk [tilespmem:v11+s2+$0xFFFFFD80 ss:$0x1], $0xffff;
	vm5 =	vle.f32 v14, v10;
	(erf) = vpow2.f32 v12;
	v16 =	vsel vm4, v57, v16  }
0xa3: {  	v12 =	vld.idx.msk [tilespmem:v11+s2+$0xFFFFFE00 ss:$0x1], $0xffff;
	v14 =	vsel vm5, v14, v16;
	vm6 =	vle.f32 v15, v10  }
0xa4: {  	v62 =	vld.idx.msk [tilespmem:v11+s2+$0xFFFFFE80 ss:$0x1], $0xffff;
	vm7 =	vle.f32 v58, v10;
	v14 =	vsel vm6, v15, v14  }
0xa5: {  	vm8 =	vle.f32 v59, v10;
	v15 =	vld.idx.msk [tilespmem:v11+s2+$0xFFFFFF00 ss:$0x1], $0xffff;
	v14 =	vsel vm7, v58, v14  }
0xa6: {  	v63 =	vld.idx.msk [tilespmem:v11+s2+$0xFFFFFF80 ss:$0x1], $0xffff;
	vm9 =	vle.f32 v60, v10;
	v14 =	vsel vm8, v59, v14  }
0xa7: {  	vm10 =	vle.f32 v61, v10;
	v11 =	vld.idx.msk [tilespmem:v11+s2+$0x0 ss:$0x1], $0xffff;
	v14 =	vsel vm9, v60, v14;
	s2 =	spop (v2sf)  }
0xa8: {  	vm11 =	vle.f32 v12, v10;
	v14 =	vsel vm10, v61, v14;
	p0 =	slt.s32 s2, $0x1  }
.Ltmp5:
0xa9: {  	vm12 =	vle.f32 v62, v10;
	v12 =	vsel vm11, v12, v14;
	(pc) =	sbr.rel @p0 .LBB2_6-.Ltmp5, $4  }
0xaa: {  	vm13 =	vle.f32 v15, v10;
	v12 =	vsel vm12, v62, v12  }
0xab: {  	vm14 =	vle.f32 v63, v10;
	v12 =	vsel vm13, v15, v12;
	v14 =	vpop (erf)  }
0xac: {  	vm15 =	vle.f32 v11, v10;
	v12 =	vsel vm14, v63, v12;
	v14 =	vsel vm1, $0x0, v14  }
0xad: {  	v11 =	vsel vm15, v11, v12;
	[tilespmem:s1+$0x4100] =	vst v14  }
0xae: {  	(v2sf) =	vpush v13, $0x0;
	_ =	sdelay $0x6  }
0xaf: {  	(v2sf) =	vpush v13, $0x1;
	_ =	sdelay $0x6  }
0xb0: {  	(v2sf) =	vpush v13, $0x2  }
0xb1: {  	s7 =	spop (v2sf)  }
0xb2: {  	p0 =	seq.s32 s7, $0x0  }
0xb3: {  	v12 =	vld @!p0 [tilespmem:s3+$0x4200];
	_ =	sdelay $0x2  }
0xb4: {  	v14 =	vlaneseq.u32 @!p0  }
0xb5: {  	(v2sf) =	vpush v13, $0x3;
	s8 =	sor.u32 @!p0 s4, s1;
	vm0 =	veq.s32 @!p0 v14, $0x0  }
0xb6: {  	s10 =	spop (v2sf);
	v12 =	vsel @!p0 vm0, s8, v12  }
0xb7: {  	s7 =	sadd.s32 s3, s7;
	[tilespmem:s3+$0x4200] =	vst @!p0 v12;
	p0 =	seq.s32 s10, $0x0  }
0xb8: {  	v12 =	vld @!p0 [tilespmem:s7+$0x4200];
	_ =	sdelay $0x2  }
0xb9: {  	v14 =	vlaneseq.u32 @!p0  }
0xba: {  	(v2sf) =	vpush v13, $0x4;
	s9 =	sor.u32 @!p0 s16, s1;
	vm0 =	veq.s32 @!p0 v14, $0x0  }
0xbb: {  	s11 =	spop (v2sf);
	v12 =	vsel @!p0 vm0, s9, v12  }
0xbc: {  	[tilespmem:s7+$0x4200] =	vst @!p0 v12;
	s7 =	sadd.s32 s10, s7;
	p0 =	seq.s32 s11, $0x0  }
0xbd: {  	v12 =	vld @!p0 [tilespmem:s7+$0x4200];
	_ =	sdelay $0x2  }
0xbe: {  	v14 =	vlaneseq.u32 @!p0  }
0xbf: {  	(v2sf) =	vpush v13, $0x5;
	s8 =	sor.u32 @!p0 s17, s1;
	vm0 =	veq.s32 @!p0 v14, $0x0  }
0xc0: {  	s10 =	spop (v2sf);
	v12 =	vsel @!p0 vm0, s8, v12  }
0xc1: {  	[tilespmem:s7+$0x4200] =	vst @!p0 v12;
	s7 =	sadd.s32 s11, s7;
	p0 =	seq.s32 s10, $0x0  }
0xc2: {  	v12 =	vld @!p0 [tilespmem:s7+$0x4200];
	_ =	sdelay $0x2  }
0xc3: {  	v14 =	vlaneseq.u32 @!p0  }
0xc4: {  	(v2sf) =	vpush v13, $0x6;
	s9 =	sor.u32 @!p0 s18, s1;
	vm0 =	veq.s32 @!p0 v14, $0x0  }
0xc5: {  	s11 =	spop (v2sf);
	v12 =	vsel @!p0 vm0, s9, v12  }
0xc6: {  	[tilespmem:s7+$0x4200] =	vst @!p0 v12;
	s7 =	sadd.s32 s10, s7;
	p0 =	seq.s32 s11, $0x0  }
0xc7: {  	v12 =	vld @!p0 [tilespmem:s7+$0x4200];
	_ =	sdelay $0x2  }
0xc8: {  	v14 =	vlaneseq.u32 @!p0  }
0xc9: {  	(v2sf) =	vpush v13, $0x7;
	s8 =	sor.u32 @!p0 s19, s1;
	vm0 =	veq.s32 @!p0 v14, $0x0  }
0xca: {  	s10 =	spop (v2sf);
	v12 =	vsel @!p0 vm0, s8, v12  }
0xcb: {  	[tilespmem:s7+$0x4200] =	vst @!p0 v12;
	s7 =	sadd.s32 s11, s7;
	p0 =	seq.s32 s10, $0x0  }
0xcc: {  	v12 =	vld @!p0 [tilespmem:s7+$0x4200];
	_ =	sdelay $0x2  }
0xcd: {  	v14 =	vlaneseq.u32 @!p0  }
0xce: {  	(v2sf) =	vpush v13, $0x8;
	s9 =	sor.u32 @!p0 s20, s1;
	vm0 =	veq.s32 @!p0 v14, $0x0  }
0xcf: {  	s11 =	spop (v2sf);
	v12 =	vsel @!p0 vm0, s9, v12  }
0xd0: {  	[tilespmem:s7+$0x4200] =	vst @!p0 v12;
	s7 =	sadd.s32 s10, s7;
	p0 =	seq.s32 s11, $0x0  }
0xd1: {  	v12 =	vld @!p0 [tilespmem:s7+$0x4200];
	_ =	sdelay $0x2  }
0xd2: {  	v14 =	vlaneseq.u32 @!p0  }
0xd3: {  	(v2sf) =	vpush v13, $0x9;
	s8 =	sor.u32 @!p0 s23, s1;
	vm0 =	veq.s32 @!p0 v14, $0x0  }
0xd4: {  	s10 =	spop (v2sf);
	v12 =	vsel @!p0 vm0, s8, v12  }
0xd5: {  	[tilespmem:s7+$0x4200] =	vst @!p0 v12;
	s7 =	sadd.s32 s11, s7;
	p0 =	seq.s32 s10, $0x0  }
0xd6: {  	v12 =	vld @!p0 [tilespmem:s7+$0x4200];
	_ =	sdelay $0x2  }
0xd7: {  	v14 =	vlaneseq.u32 @!p0  }
0xd8: {  	(v2sf) =	vpush v13, $0xA;
	s9 =	sor.u32 @!p0 s24, s1;
	vm0 =	veq.s32 @!p0 v14, $0x0  }
0xd9: {  	s11 =	spop (v2sf);
	v12 =	vsel @!p0 vm0, s9, v12  }
0xda: {  	[tilespmem:s7+$0x4200] =	vst @!p0 v12;
	s7 =	sadd.s32 s10, s7;
	p0 =	seq.s32 s11, $0x0  }
0xdb: {  	v12 =	vld @!p0 [tilespmem:s7+$0x4200];
	_ =	sdelay $0x2  }
0xdc: {  	v14 =	vlaneseq.u32 @!p0  }
0xdd: {  	(v2sf) =	vpush v13, $0xB;
	s8 =	sor.u32 @!p0 s25, s1;
	vm0 =	veq.s32 @!p0 v14, $0x0  }
0xde: {  	s10 =	spop (v2sf);
	v12 =	vsel @!p0 vm0, s8, v12  }
0xdf: {  	[tilespmem:s7+$0x4200] =	vst @!p0 v12;
	s7 =	sadd.s32 s11, s7;
	p0 =	seq.s32 s10, $0x0  }
0xe0: {  	v12 =	vld @!p0 [tilespmem:s7+$0x4200];
	_ =	sdelay $0x2  }
0xe1: {  	v14 =	vlaneseq.u32 @!p0  }
0xe2: {  	(v2sf) =	vpush v13, $0xC;
	s9 =	sor.u32 @!p0 s21, s1;
	vm0 =	veq.s32 @!p0 v14, $0x0  }
0xe3: {  	s11 =	spop (v2sf);
	v12 =	vsel @!p0 vm0, s9, v12  }
0xe4: {  	[tilespmem:s7+$0x4200] =	vst @!p0 v12;
	s7 =	sadd.s32 s10, s7;
	p0 =	seq.s32 s11, $0x0  }
0xe5: {  	v12 =	vld @!p0 [tilespmem:s7+$0x4200];
	_ =	sdelay $0x2  }
0xe6: {  	v14 =	vlaneseq.u32 @!p0  }
0xe7: {  	(v2sf) =	vpush v13, $0xD;
	s8 =	sor.u32 @!p0 s22, s1;
	vm0 =	veq.s32 @!p0 v14, $0x0  }
0xe8: {  	s10 =	spop (v2sf);
	v12 =	vsel @!p0 vm0, s8, v12  }
0xe9: {  	[tilespmem:s7+$0x4200] =	vst @!p0 v12;
	s7 =	sadd.s32 s11, s7;
	p0 =	seq.s32 s10, $0x0  }
0xea: {  	v12 =	vld @!p0 [tilespmem:s7+$0x4200];
	_ =	sdelay $0x2  }
0xeb: {  	v14 =	vlaneseq.u32 @!p0  }
0xec: {  	(v2sf) =	vpush v13, $0xE;
	s9 =	sor.u32 @!p0 s26, s1;
	vm0 =	veq.s32 @!p0 v14, $0x0  }
0xed: {  	s11 =	spop (v2sf);
	v12 =	vsel @!p0 vm0, s9, v12  }
0xee: {  	[tilespmem:s7+$0x4200] =	vst @!p0 v12;
	s7 =	sadd.s32 s10, s7;
	p0 =	seq.s32 s11, $0x0  }
0xef: {  	v12 =	vld @!p0 [tilespmem:s7+$0x4200];
	_ =	sdelay $0x2  }
0xf0: {  	(v2sf) =	vpush v13, $0xF;
	v14 =	vlaneseq.u32 @!p0  }
0xf1: {  	s8 =	sor.u32 @!p0 s28, s1;
	vm0 =	veq.s32 @!p0 v14, $0x0  }
0xf2: {  	s10 =	spop (v2sf);
	v12 =	vsel @!p0 vm0, s8, v12  }
0xf3: {  	[tilespmem:s7+$0x4200] =	vst @!p0 v12;
	s7 =	sadd.s32 s11, s7;
	p0 =	seq.s32 s10, $0x0  }
0xf4: {  	v12 =	vld @!p0 [tilespmem:s7+$0x4200];
	_ =	sdelay $0x2  }
0xf5: {  	v13 =	vlaneseq.u32 @!p0  }
0xf6: {  	s8 =	sor.u32 @!p0 s29, s1;
	vm0 =	veq.s32 @!p0 v13, $0x0  }
0xf7: {  	s9 =	spop (v2sf);
	v12 =	vsel @!p0 vm0, s8, v12  }
0xf8: {  	[tilespmem:s7+$0x4200] =	vst @!p0 v12;
	s7 =	sadd.s32 s10, s7;
	p0 =	seq.s32 s9, $0x0  }
0xf9: {  	v12 =	vld @!p0 [tilespmem:s7+$0x4200];
	_ =	sdelay $0x2  }
0xfa: {  	v13 =	vlaneseq.u32 @!p0  }
0xfb: {  	s11 =	spop (v2sf);
	s8 =	sor.u32 @!p0 s30, s1;
	vm0 =	veq.s32 @!p0 v13, $0x0  }
0xfc: {  	p1 =	seq.s32 s11, $0x0;
	v12 =	vsel @!p0 vm0, s8, v12  }
0xfd: {  	[tilespmem:s7+$0x4200] =	vst @!p0 v12;
	s7 =	sadd.s32 @!p1 s9, s7  }
0xfe: {  	v12 =	vld @!p1 [tilespmem:s7+$0x4200];
	_ =	sdelay $0x2  }
0xff: {  	v13 =	vlaneseq.u32 @!p1  }
0x100: {  	s1 =	sor.u32 @!p1 s31, s1;
	vm0 =	veq.s32 @!p1 v13, $0x0  }
0x101: {  	v12 =	vsel @!p1 vm0, s1, v12  }
0x102: {  	[tilespmem:s7+$0x4200] =	vst @!p1 v12  }
.LBB2_6:
0x103: {  	vm0 =	vlt.f32 v11, $9.999999680e+37  }
0x104: {  	vm0 =	vmneg vm0  }
0x105: {  	v12 =	vsel vm0, $0x1, v1  }
0x106: {  	v13 =	vperm.xlane v12, v2;
	_ =	sdelay $0x1  }
0x107: {  	v13 =	vadd.s32 v12, v13  }
0x108: {  	v14 =	vperm.xlane v13, v3;
	_ =	sdelay $0x1  }
0x109: {  	v13 =	vadd.s32 v14, v13  }
0x10a: {  	v14 =	vperm.xlane v13, v4;
	_ =	sdelay $0x1  }
0x10b: {  	v13 =	vadd.s32 v14, v13  }
0x10c: {  	v14 =	vperm.xlane v13, v6;
	_ =	sdelay $0x1  }
0x10d: {  	v13 =	vadd.s32 v14, v13  }
0x10e: {  	(v2sf) =	vpush v13, $0x0;
	_ =	sdelay $0x3  }
0x10f: {  	v10 =	vsub.f32 v11, v10;
	_ =	sdelay $0x1  }
0x110: {  	v10 =	vadd.f32 $0.0e+00, v10;
	_ =	sdelay $0x1  }
0x111: {  	v10 =	vmul.f32 $1.442695020e+00, v10;
	_ =	sdelay $0x1  }
0x112: {  	(erf) = vpow2.f32 v10;
	_ =	sdelay $0x4  }
0x113: {  	s1 =	spop (v2sf)  }
0x114: {  	p0 =	slt.s32 s1, $0x1  }
.Ltmp6:
0x115: {  	_ = 	snop;
	(pc) =	sbr.rel @p0 .LBB2_8-.Ltmp6, $4  }
0x116: {  	_ = 	snop  }
0x117: {  	v10 =	vpop (erf)  }
0x118: {  	v10 =	vsel vm0, $0x0, v10  }
0x119: {  	s2 =	sadd.s32 s3, s2;
	[tilespmem:s15+$0x4100] =	vst v10  }
0x11a: {  	(v2sf) =	vpush v12, $0x0;
	_ =	sdelay $0x6  }
0x11b: {  	(v2sf) =	vpush v12, $0x1;
	_ =	sdelay $0x6  }
0x11c: {  	(v2sf) =	vpush v12, $0x2  }
0x11d: {  	s3 =	spop (v2sf)  }
0x11e: {  	p0 =	seq.s32 s3, $0x0  }
0x11f: {  	v10 =	vld @!p0 [tilespmem:s2+$0x4200];
	_ =	sdelay $0x2  }
0x120: {  	v11 =	vlaneseq.u32 @!p0  }
0x121: {  	(v2sf) =	vpush v12, $0x3;
	s7 =	sor.u32 @!p0 s4, s15;
	vm0 =	veq.s32 @!p0 v11, $0x0  }
0x122: {  	s11 =	spop (v2sf);
	v10 =	vsel @!p0 vm0, s7, v10  }
0x123: {  	s3 =	sadd.s32 s3, s2;
	[tilespmem:s2+$0x4200] =	vst @!p0 v10;
	p0 =	seq.s32 s11, $0x0  }
0x124: {  	v10 =	vld @!p0 [tilespmem:s3+$0x4200];
	_ =	sdelay $0x2  }
0x125: {  	v11 =	vlaneseq.u32 @!p0  }
0x126: {  	(v2sf) =	vpush v12, $0x4;
	s8 =	sor.u32 @!p0 s16, s15;
	vm0 =	veq.s32 @!p0 v11, $0x0  }
0x127: {  	s9 =	spop (v2sf);
	v10 =	vsel @!p0 vm0, s8, v10  }
0x128: {  	[tilespmem:s3+$0x4200] =	vst @!p0 v10;
	s3 =	sadd.s32 s11, s3;
	p0 =	seq.s32 s9, $0x0  }
0x129: {  	v10 =	vld @!p0 [tilespmem:s3+$0x4200];
	_ =	sdelay $0x2  }
0x12a: {  	v11 =	vlaneseq.u32 @!p0  }
0x12b: {  	(v2sf) =	vpush v12, $0x5;
	s7 =	sor.u32 @!p0 s17, s15;
	vm0 =	veq.s32 @!p0 v11, $0x0  }
0x12c: {  	s10 =	spop (v2sf);
	v10 =	vsel @!p0 vm0, s7, v10  }
0x12d: {  	[tilespmem:s3+$0x4200] =	vst @!p0 v10;
	s3 =	sadd.s32 s9, s3;
	p0 =	seq.s32 s10, $0x0  }
0x12e: {  	v10 =	vld @!p0 [tilespmem:s3+$0x4200];
	_ =	sdelay $0x2  }
0x12f: {  	v11 =	vlaneseq.u32 @!p0  }
0x130: {  	(v2sf) =	vpush v12, $0x6;
	s8 =	sor.u32 @!p0 s18, s15;
	vm0 =	veq.s32 @!p0 v11, $0x0  }
0x131: {  	s11 =	spop (v2sf);
	v10 =	vsel @!p0 vm0, s8, v10  }
0x132: {  	[tilespmem:s3+$0x4200] =	vst @!p0 v10;
	s3 =	sadd.s32 s10, s3;
	p0 =	seq.s32 s11, $0x0  }
0x133: {  	v10 =	vld @!p0 [tilespmem:s3+$0x4200];
	_ =	sdelay $0x2  }
0x134: {  	v11 =	vlaneseq.u32 @!p0  }
0x135: {  	(v2sf) =	vpush v12, $0x7;
	s7 =	sor.u32 @!p0 s19, s15;
	vm0 =	veq.s32 @!p0 v11, $0x0  }
0x136: {  	s9 =	spop (v2sf);
	v10 =	vsel @!p0 vm0, s7, v10  }
0x137: {  	[tilespmem:s3+$0x4200] =	vst @!p0 v10;
	s3 =	sadd.s32 s11, s3;
	p0 =	seq.s32 s9, $0x0  }
0x138: {  	v10 =	vld @!p0 [tilespmem:s3+$0x4200];
	_ =	sdelay $0x2  }
0x139: {  	v11 =	vlaneseq.u32 @!p0  }
0x13a: {  	(v2sf) =	vpush v12, $0x8;
	s8 =	sor.u32 @!p0 s20, s15;
	vm0 =	veq.s32 @!p0 v11, $0x0  }
0x13b: {  	s10 =	spop (v2sf);
	v10 =	vsel @!p0 vm0, s8, v10  }
0x13c: {  	[tilespmem:s3+$0x4200] =	vst @!p0 v10;
	s3 =	sadd.s32 s9, s3;
	p0 =	seq.s32 s10, $0x0  }
0x13d: {  	v10 =	vld @!p0 [tilespmem:s3+$0x4200];
	_ =	sdelay $0x2  }
0x13e: {  	v11 =	vlaneseq.u32 @!p0  }
0x13f: {  	(v2sf) =	vpush v12, $0x9;
	s7 =	sor.u32 @!p0 s23, s15;
	vm0 =	veq.s32 @!p0 v11, $0x0  }
0x140: {  	s11 =	spop (v2sf);
	v10 =	vsel @!p0 vm0, s7, v10  }
0x141: {  	[tilespmem:s3+$0x4200] =	vst @!p0 v10;
	s3 =	sadd.s32 s10, s3;
	p0 =	seq.s32 s11, $0x0  }
0x142: {  	v10 =	vld @!p0 [tilespmem:s3+$0x4200];
	_ =	sdelay $0x2  }
0x143: {  	v11 =	vlaneseq.u32 @!p0  }
0x144: {  	(v2sf) =	vpush v12, $0xA;
	s8 =	sor.u32 @!p0 s24, s15;
	vm0 =	veq.s32 @!p0 v11, $0x0  }
0x145: {  	s9 =	spop (v2sf);
	v10 =	vsel @!p0 vm0, s8, v10  }
0x146: {  	[tilespmem:s3+$0x4200] =	vst @!p0 v10;
	s3 =	sadd.s32 s11, s3;
	p0 =	seq.s32 s9, $0x0  }
0x147: {  	v10 =	vld @!p0 [tilespmem:s3+$0x4200];
	_ =	sdelay $0x2  }
0x148: {  	v11 =	vlaneseq.u32 @!p0  }
0x149: {  	(v2sf) =	vpush v12, $0xB;
	s7 =	sor.u32 @!p0 s25, s15;
	vm0 =	veq.s32 @!p0 v11, $0x0  }
0x14a: {  	s10 =	spop (v2sf);
	v10 =	vsel @!p0 vm0, s7, v10  }
0x14b: {  	[tilespmem:s3+$0x4200] =	vst @!p0 v10;
	s3 =	sadd.s32 s9, s3;
	p0 =	seq.s32 s10, $0x0  }
0x14c: {  	v10 =	vld @!p0 [tilespmem:s3+$0x4200];
	_ =	sdelay $0x2  }
0x14d: {  	v11 =	vlaneseq.u32 @!p0  }
0x14e: {  	(v2sf) =	vpush v12, $0xC;
	s8 =	sor.u32 @!p0 s21, s15;
	vm0 =	veq.s32 @!p0 v11, $0x0  }
0x14f: {  	s11 =	spop (v2sf);
	v10 =	vsel @!p0 vm0, s8, v10  }
0x150: {  	[tilespmem:s3+$0x4200] =	vst @!p0 v10;
	s3 =	sadd.s32 s10, s3;
	p0 =	seq.s32 s11, $0x0  }
0x151: {  	v10 =	vld @!p0 [tilespmem:s3+$0x4200];
	_ =	sdelay $0x2  }
0x152: {  	v11 =	vlaneseq.u32 @!p0  }
0x153: {  	(v2sf) =	vpush v12, $0xD;
	s7 =	sor.u32 @!p0 s22, s15;
	vm0 =	veq.s32 @!p0 v11, $0x0  }
0x154: {  	s9 =	spop (v2sf);
	v10 =	vsel @!p0 vm0, s7, v10  }
0x155: {  	[tilespmem:s3+$0x4200] =	vst @!p0 v10;
	s3 =	sadd.s32 s11, s3;
	p0 =	seq.s32 s9, $0x0  }
0x156: {  	v10 =	vld @!p0 [tilespmem:s3+$0x4200];
	_ =	sdelay $0x2  }
0x157: {  	v11 =	vlaneseq.u32 @!p0  }
0x158: {  	(v2sf) =	vpush v12, $0xE;
	s8 =	sor.u32 @!p0 s26, s15;
	vm0 =	veq.s32 @!p0 v11, $0x0  }
0x159: {  	s10 =	spop (v2sf);
	v10 =	vsel @!p0 vm0, s8, v10  }
0x15a: {  	[tilespmem:s3+$0x4200] =	vst @!p0 v10;
	s3 =	sadd.s32 s9, s3;
	p0 =	seq.s32 s10, $0x0  }
0x15b: {  	v10 =	vld @!p0 [tilespmem:s3+$0x4200];
	_ =	sdelay $0x2  }
0x15c: {  	(v2sf) =	vpush v12, $0xF;
	v11 =	vlaneseq.u32 @!p0  }
0x15d: {  	s7 =	sor.u32 @!p0 s28, s15;
	vm0 =	veq.s32 @!p0 v11, $0x0  }
0x15e: {  	s9 =	spop (v2sf);
	v10 =	vsel @!p0 vm0, s7, v10  }
0x15f: {  	[tilespmem:s3+$0x4200] =	vst @!p0 v10;
	s3 =	sadd.s32 s10, s3;
	p0 =	seq.s32 s9, $0x0  }
0x160: {  	v10 =	vld @!p0 [tilespmem:s3+$0x4200];
	_ =	sdelay $0x2  }
0x161: {  	v11 =	vlaneseq.u32 @!p0  }
0x162: {  	s7 =	sor.u32 @!p0 s29, s15;
	vm0 =	veq.s32 @!p0 v11, $0x0  }
0x163: {  	s8 =	spop (v2sf);
	v10 =	vsel @!p0 vm0, s7, v10  }
0x164: {  	[tilespmem:s3+$0x4200] =	vst @!p0 v10;
	s3 =	sadd.s32 s9, s3;
	p0 =	seq.s32 s8, $0x0  }
0x165: {  	v10 =	vld @!p0 [tilespmem:s3+$0x4200];
	_ =	sdelay $0x2  }
0x166: {  	v11 =	vlaneseq.u32 @!p0  }
0x167: {  	s11 =	spop (v2sf);
	s7 =	sor.u32 @!p0 s30, s15;
	vm0 =	veq.s32 @!p0 v11, $0x0  }
0x168: {  	p1 =	seq.s32 s11, $0x0;
	v10 =	vsel @!p0 vm0, s7, v10  }
0x169: {  	[tilespmem:s3+$0x4200] =	vst @!p0 v10;
	s3 =	sadd.s32 @!p1 s8, s3  }
0x16a: {  	v10 =	vld @!p1 [tilespmem:s3+$0x4200];
	_ =	sdelay $0x1  }
.Ltmp7:
0x16b: {  	_ = 	snop;
	(pc) =	sbr.rel .LBB2_8-.Ltmp7, $4  }
0x16c: {  	v11 =	vlaneseq.u32 @!p1  }
0x16d: {  	s7 =	sor.u32 @!p1 s31, s15;
	vm0 =	veq.s32 @!p1 v11, $0x0  }
0x16e: {  	v10 =	vsel @!p1 vm0, s7, v10  }
0x16f: {  	[tilespmem:s3+$0x4200] =	vst @!p1 v10  }
.LBB2_9:
0x170: {  	p0 =	slt.s32 s3, $0x1  }
0x171: {  	s0 =	sadd.s32 @!p0 $0xF, s3  }
0x172: {  	s1 =	sand.u32 @!p0 $0xF, s0  }
0x173: {  	p1 =	slt.s32 @!p0 s0, $0x0;
	p2 =	sne.s32 @!p0 s1, $0x0  }
0x174: {  	s1 =	sshra.s32 @!p0 s0, $0x1F;
	p1 =	por @!p0 !p1, !p2  }
0x175: {  	s1 =	sshrl.u32 @!p0 s1, $0x1C;
	p1 =	por @!p0 !p1, !p1  }
0x176: {  	s0 =	sadd.s32 @!p0 s1, s0;
	s1 =	simm.s32 @!p0 $0x1;
	p1 =	por !p1, p0  }
0x177: {  	s0 =	sshra.s32 @!p0 s0, $0x4;
	s1 =	simm.s32 @p1 $0x0  }
0x178: {  	s0 =	ssub.s32 @!p0 s0, s1  }
0x179: {  	p1 =	slt.s32 @!p0 s0, $0x1  }
0x17a: {  	p1 =	por p0, p1  }
.Ltmp8:
0x17b: {  	_ = 	snop;
	(pc) =	sbr.rel @!p1 .LBB2_10-.Ltmp8, $4  }
.Ltmp9:
0x17c: {  	_ = 	snop;
	(pc) =	sbr.rel @p1 .LBB2_17-.Ltmp9, $4  }
0x17d: {  	_ = 	snop  }
0x17e: {  	_ = 	snop  }
0x17f: {  	s1 =	simm.s32 @!p0 $0x0  }
0x180: {  	_ = 	snop  }
.LBB2_16:
0x181: {  	s1 =	sadd.s32 $0x1, s1  }
0x182: {  	p0 =	sne.s32 s1, s0  }
.Ltmp10:
0x183: {  	_ = 	snop;
	(pc) =	sbr.rel @!p0 .LBB2_17-.Ltmp10, $1  }
0x184: {  	_ =	sdelay $0x3  }
.LBB2_10:
0x185: {  	s5 =	sshll.u32 s1, $0x4  }
0x186: {  	v10 =	vld [tilespmem:s5+$0x4200];
	_ =	sdelay $0x4  }
0x187: {  	v11 =	vshll.u32 v10, $0x4  }
0x188: {  	v10 =	vand.u32 $0x7, v10;
	v11 =	vand.u32 $0xFFFFFF80, v11  }
0x189: {  	v10 =	vor.u32 v10, v11  }
0x18a: {  	v11 =	vperm.xlane v10, v7  }
0x18b: {  	v12 =	vld [tilespmem:$0x1FFF0]  }
0x18c: {  	v11 =	vadd.s32 v8, v11;
	_ =	sdelay $0x3  }
0x18d: {  	s6 =	simm.s32 $0x0;
	s2 =	rddreg [dreg:$0x1];
	s7 =	simm.s32 $0x4380;
	vm0 =	vnez.u8 v12  }
0x18e: {  	[tilespmem:s7], [sflag:$0x1] =	stream.indirect_vreg.gather [hbm4b:s2+s6], $0x80, v11, vm0, $0xb8;
	[tilespmem:$0xC380] =	vst v63  }
0x18f: {  	s8 =	simm.s32 $0x4B80;
	s7 =	rddreg [dreg:$0x7]  }
0x190: {  	[tilespmem:s8], [sflag:$0x1] =	stream.indirect_vreg.gather [hbm4b:s7+s6], $0x80, v11, vm0, $0xb8;
	[tilespmem:$0xC380] =	vst v63  }
0x191: {  	s9 =	simm.s32 $0x5380;
	s8 =	rddreg [dreg:$0x8]  }
0x192: {  	[tilespmem:s9], [sflag:$0x1] =	stream.indirect_vreg.gather [hbm4b:s8+s6], $0x80, v11, vm0, $0xb8;
	[tilespmem:$0xC380] =	vst v63  }
0x193: {  	s10 =	simm.s32 $0x5B80;
	s9 =	rddreg [dreg:$0x9]  }
0x194: {  	[tilespmem:s10], [sflag:$0x1] =	stream.indirect_vreg.gather [hbm4b:s9+s6], $0x80, v11, vm0, $0xb8;
	[tilespmem:$0xC380] =	vst v63  }
0x195: {  	s11 =	simm.s32 $0x6380;
	s10 =	rddreg [dreg:$0xa]  }
0x196: {  	[tilespmem:s11], [sflag:$0x1] =	stream.indirect_vreg.gather [hbm4b:s10+s6], $0x80, v11, vm0, $0xb8;
	[tilespmem:$0xC380] =	vst v63  }
0x197: {  	s14 =	simm.s32 $0x6B80;
	v10 =	vperm.xlane v10, v9;
	s11 =	rddreg [dreg:$0xb]  }
0x198: {  	[tilespmem:s14], [sflag:$0x1] =	stream.indirect_vreg.gather [hbm4b:s11+s6], $0x80, v11, vm0, $0xb8;
	[tilespmem:$0xC380] =	vst v63  }
0x199: {  	s15 =	simm.s32 $0x7380;
	v10 =	vadd.s32 v8, v10  }
0x19a: {  	[tilespmem:s15], [sflag:$0x1] =	stream.indirect_vreg.gather [hbm4b:s12+s6], $0x80, v11, vm0, $0xb8;
	[tilespmem:$0xC380] =	vst v63  }
0x19b: {  	s15 =	simm.s32 $0x7B80  }
0x19c: {  	[tilespmem:s15], [sflag:$0x1] =	stream.indirect_vreg.gather [hbm4b:s13+s6], $0x80, v11, vm0, $0xb8;
	[tilespmem:$0xC380] =	vst v63  }
0x19d: {  	s15 =	simm.s32 $0x8380  }
0x19e: {  	[tilespmem:s15], [sflag:$0x1] =	stream.indirect_vreg.gather [hbm4b:s2+s6], $0x80, v10, vm0, $0xb8;
	[tilespmem:$0xC380] =	vst v63  }
0x19f: {  	s15 =	simm.s32 $0x8B80  }
0x1a0: {  	[tilespmem:s15], [sflag:$0x1] =	stream.indirect_vreg.gather [hbm4b:s7+s6], $0x80, v10, vm0, $0xb8;
	[tilespmem:$0xC380] =	vst v63  }
0x1a1: {  	s7 =	simm.s32 $0x9380  }
0x1a2: {  	[tilespmem:s7], [sflag:$0x1] =	stream.indirect_vreg.gather [hbm4b:s8+s6], $0x80, v10, vm0, $0xb8;
	[tilespmem:$0xC380] =	vst v63  }
0x1a3: {  	s8 =	simm.s32 $0x9B80  }
0x1a4: {  	[tilespmem:s8], [sflag:$0x1] =	stream.indirect_vreg.gather [hbm4b:s9+s6], $0x80, v10, vm0, $0xb8;
	[tilespmem:$0xC380] =	vst v63  }
0x1a5: {  	s9 =	simm.s32 $0xA380  }
0x1a6: {  	[tilespmem:s9], [sflag:$0x1] =	stream.indirect_vreg.gather [hbm4b:s10+s6], $0x80, v10, vm0, $0xb8;
	[tilespmem:$0xC380] =	vst v63  }
0x1a7: {  	s10 =	simm.s32 $0xAB80  }
0x1a8: {  	[tilespmem:s10], [sflag:$0x1] =	stream.indirect_vreg.gather [hbm4b:s11+s6], $0x80, v10, vm0, $0xb8;
	[tilespmem:$0xC380] =	vst v63  }
0x1a9: {  	s11 =	simm.s32 $0xB380  }
0x1aa: {  	[tilespmem:s11], [sflag:$0x1] =	stream.indirect_vreg.gather [hbm4b:s12+s6], $0x80, v10, vm0, $0xb8;
	[tilespmem:$0xC380] =	vst v63  }
.Ltmp11:
0x1ab: {  	s14 =	simm.s32 $0xBB80;
	s15 =	simm.s32 $0x1;
	(pc) =	sbr.rel .LBB2_11-.Ltmp11, $4  }
0x1ac: {  	[tilespmem:s14], [sflag:$0x1] =	stream.indirect_vreg.gather [hbm4b:s13+s6], $0x80, v10, vm0, $0xb8;
	[tilespmem:$0xC380] =	vst v63  }
0x1ad: {  	_ =	swait.ge [sflag:s15], $0x8000  }
0x1ae: {  	[sflag:s15] =	ssyncset.done $0x0  }
0x1af: {  	s2 =	simm.s32 $0x0;
	s14 =	simm.s32 $0x0;
	[sflag:s15] =	ssyncadd.s32 $0xFFFF8000  }
.LBB2_14:
0x1b0: {  	v19 =	vld [tilespmem:s8+$0xFFFFFFD0];
	v18 =	vsel vm2, s11, v18;
	s10 =	sadd.s32 $0xFFFFFFFD, s9;
	vm0 =	vle.f32 v11, v10  }
0x1b1: {  	v20 =	vld [tilespmem:s8+$0xFFFFFFE0];
	s11 =	sadd.s32 $0xFFFFFFFE, s9;
	vm3 =	vle.f32 v13, v10;
	v18 =	vsel vm0, s10, v18  }
0x1b2: {  	v21 =	vld [tilespmem:s8+$0xFFFFFFF0];
	vm4 =	vle.f32 v15, v10;
	v18 =	vsel vm3, s11, v18;
	s11 =	sadd.s32 $0xFFFFFFFF, s9  }
0x1b3: {  	v22 =	vld [tilespmem:s8+$0x0];
	vm5 =	vle.f32 v16, v10;
	v18 =	vsel vm4, s11, v18  }
0x1b4: {  	vm6 =	vle.f32 v14, v10;
	v23 =	vld [tilespmem:s8+$0x10];
	s11 =	sadd.s32 $0xFFFFFFF9, s7;
	v18 =	vsel vm5, s9, v18  }
0x1b5: {  	v24 =	vld [tilespmem:s8+$0x20];
	v18 =	vsel vm6, s11, v18;
	s11 =	sadd.s32 $0xFFFFFFFA, s7;
	vm7 =	vle.f32 v19, v10  }
0x1b6: {  	v25 =	vld [tilespmem:s8+$0x30];
	s10 =	sadd.s32 $0xFFFFFFFB, s7;
	vm8 =	vle.f32 v20, v10;
	v18 =	vsel vm7, s11, v18  }
0x1b7: {  	v12 =	vsel vm2, v12, v17;
	vm13 =	vle.f32 v21, v10;
	s11 =	sadd.s32 $0xFFFFFFFC, s7;
	v54 =	vsel vm8, s10, v18  }
0x1b8: {  	v11 =	vsel vm0, v11, v12;
	s9 =	sadd.s32 $0xFFFFFFFD, s7;
	vm14 =	vle.f32 v22, v10;
	v55 =	vsel vm13, s11, v54  }
0x1b9: {  	v11 =	vsel vm3, v13, v11;
	vm15 =	vle.f32 v23, v10;
	s10 =	sadd.s32 $0xFFFFFFFE, s7;
	v12 =	vsel vm14, s9, v55  }
0x1ba: {  	v11 =	vsel vm4, v15, v11;
	vm9 =	vle.f32 v24, v10;
	s11 =	sadd.s32 $0xFFFFFFFF, s7;
	v12 =	vsel vm15, s10, v12  }
0x1bb: {  	v11 =	vsel vm5, v16, v11;
	vm10 =	vle.f32 v25, v10;
	v12 =	vsel vm9, s11, v12  }
0x1bc: {  	v11 =	vsel vm6, v14, v11;
	v12 =	vsel vm10, s7, v12  }
0x1bd: {  	v11 =	vsel vm7, v19, v11;
	v56 =	vshll.u32 v12, $0x4;
	v12 =	vshra.s32 v12, $0x1F  }
0x1be: {  	v11 =	vsel vm8, v20, v11;
	v12 =	vor.u32 v12, v56  }
0x1bf: {  	v57 =	vand.u32 $0xF, v2;
	v11 =	vsel vm13, v21, v11;
	v12 =	vor.u32 v5, v12  }
0x1c0: {  	v11 =	vsel vm14, v22, v11;
	v58 =	vperm.xlane v12, v57  }
0x1c1: {  	v11 =	vsel vm15, v23, v11  }
0x1c2: {  	v11 =	vsel vm9, v24, v11;
	vm11 =	vgt.s32 v58, v12  }
0x1c3: {  	v59 =	vand.u32 $0xF, v3;
	v11 =	vsel vm10, v25, v11;
	v12 =	vsel vm11, v58, v12  }
0x1c4: {  	v13 =	vperm.xlane v11, v57;
	v60 =	vperm.xlane v12, v59;
	_ =	sdelay $0x1  }
0x1c5: {  	v11 =	vsel vm11, v13, v11;
	vm12 =	vgt.s32 v60, v12  }
0x1c6: {  	v61 =	vand.u32 $0xF, v4;
	v13 =	vperm.xlane v11, v59;
	v12 =	vsel vm12, v60, v12  }
0x1c7: {  	v15 =	vperm.xlane v12, v61  }
0x1c8: {  	v11 =	vsel vm12, v13, v11  }
0x1c9: {  	v13 =	vperm.xlane v11, v61;
	vm13 =	vgt.s32 v15, v12  }
0x1ca: {  	v12 =	vsel vm13, v15, v12  }
0x1cb: {  	v11 =	vsel vm13, v13, v11;
	v62 =	vperm.xlane v12, v6  }
0x1cc: {  	v63 =	vperm.xlane v11, v6  }
0x1cd: {  	vm14 =	vgt.s32 v62, v12  }
0x1ce: {  	v11 =	vsel vm14, v63, v11  }
0x1cf: {  	v10 =	vsub.f32 v11, v10;
	_ =	sdelay $0x1  }
0x1d0: {  	v10 =	vadd.f32 $0.0e+00, v10;
	_ =	sdelay $0x1  }
0x1d1: {  	v10 =	vmul.f32 $1.442695020e+00, v10;
	_ =	sdelay $0x1  }
0x1d2: {  	(erf) = vpow2.f32 v10;
	_ =	sdelay $0x5  }
0x1d3: {  	v11 =	vand.u32 v12, v62;
	v10 =	vld [tilespmem:s15+$0x4100];
	_ =	sdelay $0x2  }
0x1d4: {  	vm15 =	vgt.s32 v11, $0xFFFFFFFF;
	v11 =	vpop (erf)  }
0x1d5: {  	v11 =	vnsel vm15, $0x0, v11  }
0x1d6: {  	v10 =	vsel vm1, v11, v10  }
0x1d7: {  	[tilespmem:s15+$0x4100] =	vst v10  }
.LBB2_15:
0x1d8: {  	s14 =	sadd.s32 $0x1, s14  }
0x1d9: {  	p0 =	sne.s32 s14, $0x10  }
.Ltmp12:
0x1da: {  	_ = 	snop;
	(pc) =	sbr.rel @!p0 .LBB2_16-.Ltmp12, $2  }
0x1db: {  	_ =	sdelay $0x2  }
0x1dc: {  	s2 =	sadd.s32 $0x800, s2;
	s6 =	sadd.s32 $0x1, s6  }
.LBB2_11:
0x1dd: {  	s7 =	sor.u32 s5, s14  }
0x1de: {  	p0 =	sge.s32 s7, s3  }
.Ltmp13:
0x1df: {  	_ = 	snop;
	(pc) =	sbr.rel @p0 .LBB2_15-.Ltmp13, $1  }
0x1e0: {  	_ =	sdelay $0x3  }
0x1e1: {  	v10 =	vld [tilespmem:s7+$0x4200];
	_ =	sdelay $0x4  }
0x1e2: {  	(v2sf) =	vpush v10, $0x0;
	_ =	sdelay $0xe  }
0x1e3: {  	s11 =	spop (v2sf)  }
0x1e4: {  	s9 =	simm.s32 $0x1;
	s8 =	ssub.s32 s11, s4;
	p0 =	sne.s32 s11, s4  }
0x1e5: {  	s10 =	sshra.s32 s8, $0x1F;
	s9 =	simm.s32 @!p0 $0x0  }
0x1e6: {  	s7 =	sand.u32 $0xF, s11;
	s9 =	sor.u32 s9, s10  }
0x1e7: {  	p1 =	sne.s32 s7, $0x0;
	p6 =	sne.s32 s9, $0x1  }
0x1e8: {  	s15 =	sshrl.u32 s10, $0x1C;
	p0 =	por !p1, !p6  }
0x1e9: {  	s7 =	sadd.s32 s15, s8;
	s9 =	simm.s32 $0x1;
	p0 =	por !p0, !p0  }
0x1ea: {  	s7 =	sshrl.u32 s7, $0x4;
	s9 =	simm.s32 @!p0 $0x0  }
0x1eb: {  	s7 =	ssub.s32 s7, s9  }
0x1ec: {  	s15 =	sshll.u32 s7, $0x4  }
0x1ed: {  	v10 =	vld [tilespmem:s15+$0x4000];
	_ =	sdelay $0x1  }
0x1ee: {  	s7 =	ssub.s32 s8, s15  }
0x1ef: {  	v11 =	vmov s7  }
0x1f0: {  	vm1 =	veq.s32 v11, v5  }
0x1f1: {  	v10 =	vnsel vm1, $0xFF7FC99E, v10  }
0x1f2: {  	v11 =	vperm.xlane v10, v2;
	_ =	sdelay $0x1  }
0x1f3: {  	s9 =	sand.u32 $0x7, s6;
	s8 =	sshll.u32 s2, $0x2;
	v10 =	vmax.f32 v10, v11  }
0x1f4: {  	s7 =	sand.u32 $0xFFFF0000, s8;
	s8 =	sshll.u32 s9, $0x9;
	v11 =	vperm.xlane v10, v3  }
0x1f5: {  	s7 =	sor.u32 s8, s7  }
0x1f6: {  	s7 =	sshrl.u32 s7, $0x2;
	v10 =	vmax.f32 v10, v11  }
0x1f7: {  	s7 =	sadd.s32 $0x43C0, s7;
	v11 =	vperm.xlane v10, v4  }
0x1f8: {  	v14 =	vld [tilespmem:s7+$0xFFFFFFC0]  }
0x1f9: {  	v16 =	vld [tilespmem:s7+$0xFFFFFFD0];
	v10 =	vmax.f32 v10, v11  }
0x1fa: {  	v17 =	vld [tilespmem:s7+$0xFFFFFFE0];
	v11 =	vperm.xlane v10, v6  }
0x1fb: {  	v12 =	vld [tilespmem:s7+$0xFFFFFFF0]  }
0x1fc: {  	v10 =	vmax.f32 v10, v11;
	v11 =	vld [tilespmem:s7+$0x0]  }
0x1fd: {  	v15 =	vimm.s32 $0xFFFFFFFF;
	v18 =	vimm.f32 $0.0e+00;
	s10 =	simm.s32 $0x0;
	v13 =	vld [tilespmem:s7+$0x10];
	vm0 =	vle.f32 v14, v10  }
0x1fe: {  	s11 =	simm.s32 $0x1;
	v19 =	vsel vm0, s10, v15;
	v14 =	vsel vm0, v14, v18;
	vm0 =	vle.f32 v16, v10;
	v15 =	vld [tilespmem:s7+$0x20]  }
0x1ff: {  	s9 =	simm.s32 $0x7;
	s8 =	sadd.s32 $0x400, s7;
	v18 =	vsel vm0, s11, v19;
	v19 =	vsel vm0, v16, v14;
	s11 =	simm.s32 $0x2;
	vm0 =	vle.f32 v17, v10;
	v16 =	vld [tilespmem:s7+$0x30]  }
0x200: {  	vm2 =	vle.f32 v12, v10;
	s10 =	simm.s32 $0x17;
	s7 =	simm.s32 $0xF;
	v14 =	vld [tilespmem:s8+$0xFFFFFFC0];
	v18 =	vsel vm0, s11, v18;
	v17 =	vsel vm0, v17, v19;
	s11 =	simm.s32 $0x3  }
.LBB2_13:
0x201: {  	p0 =	sne.s32 s10, $0x7F;
	v19 =	vld [tilespmem:s8+$0xFFFFFFD0];
	v18 =	vsel vm2, s11, v18;
	v12 =	vsel vm2, v12, v17;
	s11 =	sadd.s32 $0xFFFFFFFD, s9;
	vm0 =	vle.f32 v11, v10  }
0x202: {  	v17 =	vld [tilespmem:s8+$0xFFFFFFE0];
	v18 =	vsel vm0, s11, v18;
	v11 =	vsel vm0, v11, v12;
	s11 =	sadd.s32 $0xFFFFFFFE, s9;
	vm0 =	vle.f32 v13, v10  }
0x203: {  	v12 =	vld [tilespmem:s8+$0xFFFFFFF0];
	v18 =	vsel vm0, s11, v18;
	v13 =	vsel vm0, v13, v11;
	s11 =	sadd.s32 $0xFFFFFFFF, s9;
	vm0 =	vle.f32 v15, v10  }
.Ltmp14:
0x204: {  	v11 =	vld [tilespmem:s8+$0x0];
	v18 =	vsel vm0, s11, v18;
	v15 =	vsel vm0, v15, v13;
	vm0 =	vle.f32 v16, v10;
	(pc) =	sbr.rel @p0 .LBB2_13-.Ltmp14, $4  }
0x205: {  	vm2 =	vle.f32 v14, v10;
	s11 =	sadd.s32 $0xFFFFFFF9, s7;
	v13 =	vld [tilespmem:s8+$0x10];
	v18 =	vsel vm0, s9, v18;
	v15 =	vsel vm0, v16, v15;
	s9 =	smov.u32 s7;
	s7 =	smov.u32 s10  }
0x206: {  	v16 =	vsel vm2, s11, v18;
	v14 =	vsel vm2, v14, v15;
	s11 =	sadd.s32 $0xFFFFFFFA, s9;
	vm0 =	vle.f32 v19, v10;
	v15 =	vld [tilespmem:s8+$0x20]  }
0x207: {  	v18 =	vsel vm0, s11, v16;
	v19 =	vsel vm0, v19, v14;
	s11 =	sadd.s32 $0xFFFFFFFB, s9;
	vm0 =	vle.f32 v17, v10;
	v16 =	vld [tilespmem:s8+$0x30];
	s8 =	sadd.s32 $0x400, s8  }
0x208: {  	s10 =	sadd.s32 $0x8, s10;
	v14 =	vld [tilespmem:s8+$0xFFFFFFC0];
	v18 =	vsel vm0, s11, v18;
	v17 =	vsel vm0, v17, v19;
	s11 =	sadd.s32 $0xFFFFFFFC, s9;
	vm2 =	vle.f32 v12, v10  }
.Ltmp15:
0x209: {  	_ = 	snop;
	(pc) =	sbr.rel .LBB2_14-.Ltmp15, $1  }
0x20a: {  	_ =	sdelay $0x3  }
.LBB2_18:
0x20b: {  	_ =	sfence.sel $0x180000  }
0x20c: {  	[bflag:$0x0] =	sbarrier.arrive $0xFFFF  }
0x20d: {  	_ =	strace $0x90000047  }
0x20e: {  	s0 =	stileid.u32;
	[bflag:$0x2] =	sbarrier.arrive $0xFFFF  }
0x20f: {  	p0 =	sne.s32 s0, $0x0;
	s0 =	rddreg [dreg:$0x4]  }
0x210: {  	s0 =	sadd.s32 @!p0 $0x100000, s0  }
0x211: {  	[sflag:s0] =	ssyncadd.tile.s32 @!p0 $0x1;
	_ =	shalt  }
.Lfunc_end2:
_tile_overlayer_lowered:
.L_overlay_start_2:
0x212: {  	(tag) =	ssettag $0x2  }
0x213: {  	s0 =	rddreg [dreg:$0x0];
	s2 =	stileid.u32  }
0x214: {  	s1 =	rddreg [dreg:$0x1];
	p0 =	sne.s32 s2, $0x0  }
0x215: {  	s3 =	rddreg [dreg:$0x2];
	[bflag:$0x3] =	sbarrier.arrive $0xFFFF;
	s2 =	simm.s32 @!p0 $0x1C03  }
0x216: {  	[timem:s3], [sflag:s2] =	dma.local @!p0 [hbm:s0], s1  }
0x217: {  	s0 =	simm.s32 @!p0 $0x3  }
0x218: {  	_ =	swait.ge @!p0 [sflag:s0], s1  }
0x219: {  	s1 =	ssub.s32 @!p0 $0x0, s1;
	[sflag:s0] =	ssyncset.done @!p0 $0x0  }
0x21a: {  	[sflag:s0] =	ssyncadd.s32 @!p0 s1  }
0x21b: {  	[bflag:$0x3] =	sbarrier.arrive $0xFFFF  }
0x21c: {  	_ =	shalt  }

</sc_bundles>
